<compile_context>
chip_gen: v7x
topology: tpu7x:2x2x1
jax: 0.10.2.dev20260603
libtpu: 0.0.44.dev20260713+nightly
codegen_flags: <defaults>
</compile_context>

<pallas_src>
import functools

import jax
import jax.numpy as jnp
from jax import lax
from jax.experimental import pallas as pl
from jax.experimental.pallas import tpu as pltpu
from jax.experimental.pallas import tpu_sc as plsc

B = 2
C = 3
N = 8192
K = 16
RATE = 2
MID = 64
OUT = 64
G = 32
IN_DIMS = 2 * C + 4

RBLK = 256
NBLK = N // RBLK
EDGES = B * N * K
EBLK = RBLK * K
TOPK = K * RATE



def _knn_kernel(a_ref, idx_ref, d_s, ji_s):
    b = pl.program_id(0)
    a_full = a_ref[0]
    i = pl.program_id(1)
    a_blk = a_ref[0, pl.ds(i * RBLK, RBLK), :]
    sq_full = jnp.sum(a_full * a_full, axis=1)
    sq_blk = jnp.sum(a_blk * a_blk, axis=1)
    dot = lax.dot_general(a_blk, a_full, (((1,), (1,)), ((), ())),
                          preferred_element_type=jnp.float32)
    d2 = (sq_blk[:, None] + sq_full[None, :]) - 2.0 * dot
    d_s[...] = jnp.sqrt(jnp.maximum(d2, 0.0))

    def body(t, _):
        d = d_s[...]
        iota = lax.broadcasted_iota(jnp.int32, (RBLK, N), 1).astype(
            jnp.float32)
        m = jnp.min(d, axis=1, keepdims=True)
        ji = jnp.min(jnp.where(d == m, iota, float(N)), axis=1,
                     keepdims=True)
        ji_s[pl.ds(t, 1), :] = ji.T
        d_s[...] = jnp.where(iota == ji, jnp.inf, d)
        return 0
    lax.fori_loop(0, TOPK - 1, body, 0)

    jall = ji_s[...]
    jev = jnp.reshape(jall[: TOPK - 1 + 1], (TOPK // 2, 2, RBLK))[:, 0, :]
    idx_blk = jnp.transpose(jev, (1, 0))
    idx_ref[0] = idx_blk.astype(jnp.int32) + b * N


def _knn(a):
    return pl.pallas_call(
        _knn_kernel,
        grid=(B, NBLK),
        in_specs=[pl.BlockSpec((1, N, C), lambda b, i: (b, 0, 0))],
        out_specs=pl.BlockSpec((1, RBLK, K), lambda b, i: (b, i, 0)),
        out_shape=jax.ShapeDtypeStruct((B, N, K), jnp.int32),
        scratch_shapes=[
            pltpu.VMEM((RBLK, N), jnp.float32),
            pltpu.VMEM((TOPK, RBLK), jnp.float32),
        ],
    )(a)



_SC_CHUNK = 128
_PER_W = EDGES // 32
_NCH = _PER_W // _SC_CHUNK


def _gather_rows(table, idxf):
    info = plsc.get_sparse_core_info()
    nc, ns = info.num_cores, info.num_subcores
    idx3 = idxf.reshape(nc * ns, _NCH, _SC_CHUNK)
    mesh = plsc.VectorSubcoreMesh(core_axis_name="c", subcore_axis_name="s")

    @functools.partial(
        pl.kernel, mesh=mesh,
        compiler_params=pltpu.CompilerParams(use_tc_tiling_on_sc=False),
        out_type=jax.ShapeDtypeStruct((EDGES, 8), jnp.float32),
        scratch_types=[
            pltpu.VMEM((_NCH, _SC_CHUNK), jnp.int32),
            pltpu.VMEM((_PER_W, 8), jnp.float32),
            pltpu.SemaphoreType.DMA,
        ],
    )
    def k(table_hbm, idx_hbm, out_hbm, idx_v, rows_v, sem):
        wid = lax.axis_index("s") * nc + lax.axis_index("c")
        pltpu.sync_copy(idx_hbm.at[wid], idx_v)
        copies = []
        for j in range(_NCH):
            copies.append(pltpu.async_copy(
                table_hbm.at[idx_v.at[j]],
                rows_v.at[pl.ds(j * _SC_CHUNK, _SC_CHUNK)], sem))
        for cp in copies:
            cp.wait()
        pltpu.sync_copy(rows_v, out_hbm.at[pl.ds(wid * _PER_W, _PER_W)])

    return k(table, idx3)



def _fa_kernel(g_ref, c_ref, fa_ref):
    g = g_ref[...]
    c = c_ref[...]
    cr = jnp.reshape(jnp.broadcast_to(c[:, None, :], (RBLK, K, 8)),
                     (EBLK, 8))
    t = (cr[:, 3:6] - g[:, 3:6]) + 1e-6
    fa = jnp.sqrt(jnp.sum(t * t, axis=1))
    fa_ref[...] = jnp.reshape(fa, (RBLK, K))


def _fa_natural(gathered, table):
    return pl.pallas_call(
        _fa_kernel,
        grid=(B, NBLK),
        in_specs=[
            pl.BlockSpec((EBLK, 8), lambda b, i: (b * NBLK + i, 0)),
            pl.BlockSpec((RBLK, 8), lambda b, i: (b * NBLK + i, 0)),
        ],
        out_specs=pl.BlockSpec((RBLK, K), lambda b, i: (b * NBLK + i, 0)),
        out_shape=jax.ShapeDtypeStruct((B * N, K), jnp.float32),
    )(gathered, table)



def _conv1_kernel(g_ref, c_ref, fa_ref, w1_ref, b1_ref, h1_ref, s_ref):
    g = g_ref[...]
    c = c_ref[...]
    cr = jnp.reshape(jnp.broadcast_to(c[:, None, :], (RBLK, K, 8)),
                     (EBLK, 8))
    dx = g[:, 0:3] - cr[:, 0:3]
    dp = g[:, 3:6] - cr[:, 3:6]
    fa = fa_ref[...]
    f10 = jnp.concatenate([dx, dp, fa, cr[:, 0:3]], axis=1)
    h1 = lax.dot_general(f10, w1_ref[...], (((1,), (1,)), ((), ())),
                         preferred_element_type=jnp.float32)
    h1 = h1 + b1_ref[...][0][None, :]
    h1_ref[...] = h1
    s1 = jnp.sum(h1, axis=0)
    s2 = jnp.sum(h1 * h1, axis=0)
    s_ref[0] = jnp.stack([s1, s2])


def _conv1(gathered, table, fa_scr, W1, b1):
    return pl.pallas_call(
        _conv1_kernel,
        grid=(B, NBLK),
        in_specs=[
            pl.BlockSpec((EBLK, 8), lambda b, i: (b * NBLK + i, 0)),
            pl.BlockSpec((RBLK, 8), lambda b, i: (b * NBLK + i, 0)),
            pl.BlockSpec((EBLK, 1), lambda b, i: (b * NBLK + i, 0)),
            pl.BlockSpec((MID, IN_DIMS), lambda b, i: (0, 0)),
            pl.BlockSpec((1, MID), lambda b, i: (0, 0)),
        ],
        out_specs=[
            pl.BlockSpec((EBLK, MID), lambda b, i: (b * NBLK + i, 0)),
            pl.BlockSpec((1, 2, MID), lambda b, i: (b * NBLK + i, 0, 0)),
        ],
        out_shape=[
            jax.ShapeDtypeStruct((EDGES, MID), jnp.float32),
            jax.ShapeDtypeStruct((B * NBLK, 2, MID), jnp.float32),
        ],
    )(gathered, table, fa_scr, W1, b1.reshape(1, MID))



def _conv2_kernel(h1_ref, a_ref, w2_ref, b2_ref, h2_ref, s_ref):
    h1 = h1_ref[...]
    ab = a_ref[0]
    h = h1 * ab[0][None, :] + ab[1][None, :]
    h = jnp.where(h >= 0, h, 0.2 * h)
    h2 = lax.dot_general(h, w2_ref[...], (((1,), (1,)), ((), ())),
                         preferred_element_type=jnp.float32)
    h2 = h2 + b2_ref[...][0][None, :]
    h2_ref[...] = h2
    s1 = jnp.sum(h2, axis=0)
    s2 = jnp.sum(h2 * h2, axis=0)
    s_ref[0] = jnp.stack([s1, s2])


def _conv2(h1, ab1, W2, b2):
    return pl.pallas_call(
        _conv2_kernel,
        grid=(B, NBLK),
        in_specs=[
            pl.BlockSpec((EBLK, MID), lambda b, i: (b * NBLK + i, 0)),
            pl.BlockSpec((1, 2, MID), lambda b, i: (b, 0, 0)),
            pl.BlockSpec((OUT, MID), lambda b, i: (0, 0)),
            pl.BlockSpec((1, OUT), lambda b, i: (0, 0)),
        ],
        out_specs=[
            pl.BlockSpec((EBLK, OUT), lambda b, i: (b * NBLK + i, 0)),
            pl.BlockSpec((1, 2, OUT), lambda b, i: (b * NBLK + i, 0, 0)),
        ],
        out_shape=[
            jax.ShapeDtypeStruct((EDGES, OUT), jnp.float32),
            jax.ShapeDtypeStruct((B * NBLK, 2, OUT), jnp.float32),
        ],
    )(h1, ab1, W2, b2.reshape(1, OUT))



def _final_kernel(h2_ref, a_ref, o_ref):
    h2 = h2_ref[...]
    ab = a_ref[0]
    h = h2 * ab[0][None, :] + ab[1][None, :]
    h = jnp.where(h >= 0, h, 0.2 * h)
    h3 = jnp.reshape(h, (RBLK, K, OUT))
    o_ref[...] = jnp.max(h3, axis=1)


def _final(h2, ab2):
    return pl.pallas_call(
        _final_kernel,
        grid=(B, NBLK),
        in_specs=[
            pl.BlockSpec((EBLK, OUT), lambda b, i: (b * NBLK + i, 0)),
            pl.BlockSpec((1, 2, OUT), lambda b, i: (b, 0, 0)),
        ],
        out_specs=pl.BlockSpec((RBLK, OUT), lambda b, i: (b * NBLK + i, 0)),
        out_shape=jax.ShapeDtypeStruct((B * N, OUT), jnp.float32),
    )(h2, ab2)



def _gn_affine(stats, gamma, beta):
    cn = stats.shape[-1]
    per = cn // G
    s = stats.reshape(B, NBLK, 2, cn).sum(axis=1)
    cnt = float(per * N * K)
    sg = s.reshape(B, 2, G, per).sum(axis=3)
    mu = sg[:, 0] / cnt
    var = sg[:, 1] / cnt - mu * mu
    inv = 1.0 / jnp.sqrt(var + 1e-5)
    mu = jnp.repeat(mu, per, axis=1)
    inv = jnp.repeat(inv, per, axis=1)
    a = gamma[None, :] * inv
    bb = beta[None, :] - mu * a
    return jnp.stack([a, bb], axis=1)


def kernel(x, pos, W1, b1, g1, be1, W2, b2, g2, be2):
    a = jnp.transpose(pos, (0, 2, 1))
    xt = jnp.transpose(x, (0, 2, 1))
    table = jnp.concatenate(
        [xt, a, jnp.zeros((B, N, 2), jnp.float32)], axis=2)
    table = table.reshape(B * N, 8)

    idx = _knn(a)
    gathered = _gather_rows(table, idx.reshape(-1))

    fae = _fa_natural(gathered, table)
    fa_scr = (fae.reshape(B, N, K).transpose(0, 2, 1)
              .reshape(EDGES, 1))

    h1, st1 = _conv1(gathered, table, fa_scr, W1, b1)
    ab1 = _gn_affine(st1, g1, be1)
    h2, st2 = _conv2(h1, ab1, W2, b2)
    ab2 = _gn_affine(st2, g2, be2)
    out = _final(h2, ab2)
    return jnp.transpose(out.reshape(B, N, OUT), (0, 2, 1))

# --- scband reference (transcript-rebuilt; emitter-appended) ---
"""Pipeline reference for scband-gagcn-54511724921067 (READ-ONLY COPY).

The authoritative reference and input builder live on the scoring server;
editing this copy changes nothing except your own understanding.
"""

import jax, jax.numpy as jnp
import numpy as np

B = 2; C = 3; N = 8192; K = 16; RATE = 2; MID = 64; OUT = 64; G = 32
IN_DIMS = 2 * C + 4


def _group_norm(h, gamma, beta):
    b, c, n, k = h.shape
    hg = h.reshape(b, G, c // G, n, k)
    mu = jnp.mean(hg, axis=(2, 3, 4), keepdims=True)
    var = jnp.mean((hg - mu) ** 2, axis=(2, 3, 4), keepdims=True)
    hn = ((hg - mu) / jnp.sqrt(var + 1e-5)).reshape(b, c, n, k)
    return hn * gamma[None, :, None, None] + beta[None, :, None, None]


def _leaky(h):
    return jnp.where(h >= 0, h, 0.2 * h)


def _knn_dilate(pos, k, rate):
    # pos: [B, 3, N]; torch.cdist(p=2) then topk(k*rate, largest=False), stride by rate ('order')
    a = jnp.transpose(pos, (0, 2, 1))  # [B, N, 3]
    sq = jnp.sum(a * a, axis=-1)
    d2 = sq[:, :, None] + sq[:, None, :] - 2.0 * jnp.einsum('bnd,bmd->bnm', a, a)
    d = jnp.sqrt(jnp.maximum(d2, 0.0))
    idx = jax.lax.top_k(-d, k * rate)[1]  # k*rate smallest distances
    return idx[:, :, ::rate]  # [B, N, k]


def _get_graph_feature(x, pos, k):
    b, c, n = x.shape
    idx = _knn_dilate(pos, k, RATE)  # [B, N, k]
    idx_base = (jnp.arange(b) * n).reshape(-1, 1, 1)
    idxf = (idx + idx_base).reshape(-1)
    xt = jnp.transpose(x, (0, 2, 1)).reshape(b * n, c)
    feat = xt[idxf].reshape(b, n, k, c)
    xr = xt.reshape(b, n, 1, c)
    pt = jnp.transpose(pos, (0, 2, 1)).reshape(b * n, 3)
    fp = pt[idxf].reshape(b, n, k, 3)
    pr = pt.reshape(b, n, 1, 3)
    # replicate old-torch nn.PairwiseDistance semantics (reduce over dim=1) then raw view
    xp2 = jnp.transpose(jnp.broadcast_to(pr, (b, n, k, 3)), (0, 3, 2, 1))  # [B,3,k,N]
    fp2 = jnp.transpose(fp, (0, 3, 2, 1))  # [B,3,k,N]
    fa = jnp.sqrt(jnp.sum((xp2 - fp2 + 1e-6) ** 2, axis=1))  # [B,k,N]
    fa = fa.reshape(b, n, k, 1)
    feature = jnp.concatenate([
        feat - xr,
        fp - pr,
        fa,
        jnp.broadcast_to(xr, (b, n, k, c)),
    ], axis=3)
    return jnp.transpose(feature, (0, 3, 1, 2))  # [B, 2C+4, N, k]


def setup_inputs(seed: int = 0) -> dict:
    key = jax.random.key(seed)
    ks = jax.random.split(key, 4)
    x = jax.random.normal(ks[0], (B, C, N), dtype=jnp.float32)
    pos = jax.random.normal(ks[1], (B, C, N), dtype=jnp.float32)
    W1 = jax.random.normal(ks[2], (MID, IN_DIMS), dtype=jnp.float32) * (1.0 / np.sqrt(IN_DIMS))
    b1 = jnp.zeros((MID,), jnp.float32)
    g1 = jnp.ones((MID,), jnp.float32)
    be1 = jnp.zeros((MID,), jnp.float32)
    W2 = jax.random.normal(ks[3], (OUT, MID), dtype=jnp.float32) * (1.0 / np.sqrt(MID))
    b2 = jnp.zeros((OUT,), jnp.float32)
    g2 = jnp.ones((OUT,), jnp.float32)
    be2 = jnp.zeros((OUT,), jnp.float32)
    return {"x": x, "pos": pos, "W1": W1, "b1": b1, "g1": g1, "be1": be1,
            "W2": W2, "b2": b2, "g2": g2, "be2": be2}


def reference(x, pos, W1, b1, g1, be1, W2, b2, g2, be2):
    h = _get_graph_feature(x, pos, K)  # [B, 10, N, K]
    h = jnp.einsum('oc,bcnk->bonk', W1, h) + b1[None, :, None, None]
    h = _leaky(_group_norm(h, g1, be1))
    h = jnp.einsum('oc,bcnk->bonk', W2, h) + b2[None, :, None, None]
    h = _leaky(_group_norm(h, g2, be2))
    out = jnp.max(h, axis=-1)  # [B, OUT, N]
    return out

if __name__ == "__main__":
    import jax
    _d = setup_inputs()
    print(jax.jit(kernel)(*tuple(_d.values())))

</pallas_src>

<mosaic_0001>
#map = affine_map<(d0, d1) -> (0, 0)>
#map1 = affine_map<(d0, d1) -> (0, 0, 0)>
module attributes {stable_mosaic.version = 14 : i64} {
  func.func @k(%arg0: i32, %arg1: i32, %arg2: memref<16384x8xf32, #tpu.memory_space<hbm>>, %arg3: memref<32x64x128xi32, #tpu.memory_space<hbm>>, %arg4: memref<262144x8xf32, #tpu.memory_space<hbm>>, %arg5: memref<64x128xi32, #tpu.memory_space<vmem>>, %arg6: memref<8192x8xf32, #tpu.memory_space<vmem>>, %arg7: memref<!tpu.dma_semaphore, #tpu.memory_space<semaphore_mem>>) attributes {dimension_semantics = [#tpu.dimension_semantics<core_parallel>, #tpu.dimension_semantics<subcore_parallel>], iteration_bounds = array<i64: 2, 16>, scalar_prefetch = 0 : i64, scratch_operands = 3 : i64, tpu.core_type = #tpu.core_type<sc_vector_subcore>, window_params = [{transform_indices = #map}, {transform_indices = #map1}, {transform_indices = #map}]} {
    %mul3A = arith.constant 2 : i32
    %mul3A_0 = arith.muli %arg1, %mul3A : i32
    %add3A = arith.addi %mul3A_0, %arg0 : i32
    "tpu.region"() ({
      %run_scoped3A = tpu.sem_alloc : memref<!tpu.dma_semaphore, #tpu.memory_space<semaphore_mem>>
      %dma_start3A_1281 = arith.constant 0 : i32
      %dma_start3A_1282 = arith.constant 0 : i32
      %dma_start3A_1283 = tpu.memref_slice %arg3[%add3A, %dma_start3A_1281, %dma_start3A_1282] : memref<32x64x128xi32, #tpu.memory_space<hbm>> -> memref<1x64x128xi32, #tpu.memory_space<hbm>>
      %dma_start3A_1284 = tpu.memref_squeeze %dma_start3A_1283 : memref<1x64x128xi32, #tpu.memory_space<hbm>> -> memref<64x128xi32, #tpu.memory_space<hbm>>
      %dma_start3A_1285 = arith.constant 0 : i32
      %dma_start3A_1286 = arith.constant 0 : i32
      %dma_start3A_1287 = tpu.memref_slice %arg3[%add3A, %dma_start3A_1285, %dma_start3A_1286] : memref<32x64x128xi32, #tpu.memory_space<hbm>> -> memref<1x64x128xi32, #tpu.memory_space<hbm>>
      %dma_start3A_1288 = tpu.memref_squeeze %dma_start3A_1287 : memref<1x64x128xi32, #tpu.memory_space<hbm>> -> memref<64x128xi32, #tpu.memory_space<hbm>>
      tpu.enqueue_dma source(%dma_start3A_1288 : memref<64x128xi32, #tpu.memory_space<hbm>>) target(%arg5 : memref<64x128xi32, #tpu.memory_space<vmem>>) target_semaphore(%run_scoped3A : memref<!tpu.dma_semaphore, #tpu.memory_space<semaphore_mem>>)
      %dma_wait3A_1289 = arith.constant 0 : i32
      %dma_wait3A_1290 = arith.constant 0 : i32
      %dma_wait3A_1291 = tpu.memref_slice %arg3[%add3A, %dma_wait3A_1289, %dma_wait3A_1290] : memref<32x64x128xi32, #tpu.memory_space<hbm>> -> memref<1x64x128xi32, #tpu.memory_space<hbm>>
      %dma_wait3A_1292 = tpu.memref_squeeze %dma_wait3A_1291 : memref<1x64x128xi32, #tpu.memory_space<hbm>> -> memref<64x128xi32, #tpu.memory_space<hbm>>
      %dma_wait3A_1293 = arith.constant 0 : i32
      %dma_wait3A_1294 = arith.constant 0 : i32
      %dma_wait3A_1295 = tpu.memref_slice %arg3[%add3A, %dma_wait3A_1293, %dma_wait3A_1294] : memref<32x64x128xi32, #tpu.memory_space<hbm>> -> memref<1x64x128xi32, #tpu.memory_space<hbm>>
      %dma_wait3A_1296 = tpu.memref_squeeze %dma_wait3A_1295 : memref<1x64x128xi32, #tpu.memory_space<hbm>> -> memref<64x128xi32, #tpu.memory_space<hbm>>
      tpu.wait_dma2 semaphore(%run_scoped3A : memref<!tpu.dma_semaphore, #tpu.memory_space<semaphore_mem>>) src(%dma_wait3A_1296 : memref<64x128xi32, #tpu.memory_space<hbm>>) dst(%arg5 : memref<64x128xi32, #tpu.memory_space<vmem>>)
      tpu.yield
    }) : () -> ()
    %dma_start3A = arith.constant 0 : i32
    %dma_start3A_1 = arith.constant 0 : i32
    %dma_start3A_2 = arith.constant 0 : i32
    %dma_start3A_3 = tpu.memref_slice %arg6[%dma_start3A_1, %dma_start3A_2] : memref<8192x8xf32, #tpu.memory_space<vmem>> -> memref<128x8xf32, #tpu.memory_space<vmem>>
    %dma_start3A_4 = arith.constant 0 : i32
    %dma_start3A_5 = tpu.memref_slice %arg5[%dma_start3A, %dma_start3A_4] : memref<64x128xi32, #tpu.memory_space<vmem>> -> memref<1x128xi32, #tpu.memory_space<vmem>>
    %dma_start3A_6 = tpu.memref_squeeze %dma_start3A_5 : memref<1x128xi32, #tpu.memory_space<vmem>> -> memref<128xi32, #tpu.memory_space<vmem>>
    %dma_start3A_7 = arith.constant 0 : i32
    %dma_start3A_8 = arith.constant 0 : i32
    %dma_start3A_9 = tpu.memref_slice %arg2[%dma_start3A_7, %dma_start3A_8] : memref<16384x8xf32, #tpu.memory_space<hbm>> -> memref<16384x8xf32, #tpu.memory_space<hbm>>
    tpu.enqueue_indirect_dma source(%dma_start3A_9 : memref<16384x8xf32, #tpu.memory_space<hbm>>) target(%dma_start3A_3 : memref<128x8xf32, #tpu.memory_space<vmem>>) offsets(%dma_start3A_6 : memref<128xi32, #tpu.memory_space<vmem>>) semaphore(%arg7 : memref<!tpu.dma_semaphore, #tpu.memory_space<semaphore_mem>>)
    %dma_start3A_10 = arith.constant 1 : i32
    %dma_start3A_11 = arith.constant 128 : i32
    %dma_start3A_12 = arith.constant 0 : i32
    %dma_start3A_13 = tpu.memref_slice %arg6[%dma_start3A_11, %dma_start3A_12] : memref<8192x8xf32, #tpu.memory_space<vmem>> -> memref<128x8xf32, #tpu.memory_space<vmem>>
    %dma_start3A_14 = arith.constant 0 : i32
    %dma_start3A_15 = tpu.memref_slice %arg5[%dma_start3A_10, %dma_start3A_14] : memref<64x128xi32, #tpu.memory_space<vmem>> -> memref<1x128xi32, #tpu.memory_space<vmem>>
    %dma_start3A_16 = tpu.memref_squeeze %dma_start3A_15 : memref<1x128xi32, #tpu.memory_space<vmem>> -> memref<128xi32, #tpu.memory_space<vmem>>
    %dma_start3A_17 = arith.constant 0 : i32
    %dma_start3A_18 = arith.constant 0 : i32
    %dma_start3A_19 = tpu.memref_slice %arg2[%dma_start3A_17, %dma_start3A_18] : memref<16384x8xf32, #tpu.memory_space<hbm>> -> memref<16384x8xf32, #tpu.memory_space<hbm>>
    tpu.enqueue_indirect_dma source(%dma_start3A_19 : memref<16384x8xf32, #tpu.memory_space<hbm>>) target(%dma_start3A_13 : memref<128x8xf32, #tpu.memory_space<vmem>>) offsets(%dma_start3A_16 : memref<128xi32, #tpu.memory_space<vmem>>) semaphore(%arg7 : memref<!tpu.dma_semaphore, #tpu.memory_space<semaphore_mem>>)
    %dma_start3A_20 = arith.constant 2 : i32
    %dma_start3A_21 = arith.constant 256 : i32
    %dma_start3A_22 = arith.constant 0 : i32
    %dma_start3A_23 = tpu.memref_slice %arg6[%dma_start3A_21, %dma_start3A_22] : memref<8192x8xf32, #tpu.memory_space<vmem>> -> memref<128x8xf32, #tpu.memory_space<vmem>>
    %dma_start3A_24 = arith.constant 0 : i32
    %dma_start3A_25 = tpu.memref_slice %arg5[%dma_start3A_20, %dma_start3A_24] : memref<64x128xi32, #tpu.memory_space<vmem>> -> memref<1x128xi32, #tpu.memory_space<vmem>>
    %dma_start3A_26 = tpu.memref_squeeze %dma_start3A_25 : memref<1x128xi32, #tpu.memory_space<vmem>> -> memref<128xi32, #tpu.memory_space<vmem>>
    %dma_start3A_27 = arith.constant 0 : i32
    %dma_start3A_28 = arith.constant 0 : i32
    %dma_start3A_29 = tpu.memref_slice %arg2[%dma_start3A_27, %dma_start3A_28] : memref<16384x8xf32, #tpu.memory_space<hbm>> -> memref<16384x8xf32, #tpu.memory_space<hbm>>
    tpu.enqueue_indirect_dma source(%dma_start3A_29 : memref<16384x8xf32, #tpu.memory_space<hbm>>) target(%dma_start3A_23 : memref<128x8xf32, #tpu.memory_space<vmem>>) offsets(%dma_start3A_26 : memref<128xi32, #tpu.memory_space<vmem>>) semaphore(%arg7 : memref<!tpu.dma_semaphore, #tpu.memory_space<semaphore_mem>>)
    %dma_start3A_30 = arith.constant 3 : i32
    %dma_start3A_31 = arith.constant 384 : i32
    %dma_start3A_32 = arith.constant 0 : i32
    %dma_start3A_33 = tpu.memref_slice %arg6[%dma_start3A_31, %dma_start3A_32] : memref<8192x8xf32, #tpu.memory_space<vmem>> -> memref<128x8xf32, #tpu.memory_space<vmem>>
    %dma_start3A_34 = arith.constant 0 : i32
    %dma_start3A_35 = tpu.memref_slice %arg5[%dma_start3A_30, %dma_start3A_34] : memref<64x128xi32, #tpu.memory_space<vmem>> -> memref<1x128xi32, #tpu.memory_space<vmem>>
    %dma_start3A_36 = tpu.memref_squeeze %dma_start3A_35 : memref<1x128xi32, #tpu.memory_space<vmem>> -> memref<128xi32, #tpu.memory_space<vmem>>
    %dma_start3A_37 = arith.constant 0 : i32
    %dma_start3A_38 = arith.constant 0 : i32
    %dma_start3A_39 = tpu.memref_slice %arg2[%dma_start3A_37, %dma_start3A_38] : memref<16384x8xf32, #tpu.memory_space<hbm>> -> memref<16384x8xf32, #tpu.memory_space<hbm>>
    tpu.enqueue_indirect_dma source(%dma_start3A_39 : memref<16384x8xf32, #tpu.memory_space<hbm>>) target(%dma_start3A_33 : memref<128x8xf32, #tpu.memory_space<vmem>>) offsets(%dma_start3A_36 : memref<128xi32, #tpu.memory_space<vmem>>) semaphore(%arg7 : memref<!tpu.dma_semaphore, #tpu.memory_space<semaphore_mem>>)
    %dma_start3A_40 = arith.constant 4 : i32
    %dma_start3A_41 = arith.constant 512 : i32
    %dma_start3A_42 = arith.constant 0 : i32
    %dma_start3A_43 = tpu.memref_slice %arg6[%dma_start3A_41, %dma_start3A_42] : memref<8192x8xf32, #tpu.memory_space<vmem>> -> memref<128x8xf32, #tpu.memory_space<vmem>>
    %dma_start3A_44 = arith.constant 0 : i32
    %dma_start3A_45 = tpu.memref_slice %arg5[%dma_start3A_40, %dma_start3A_44] : memref<64x128xi32, #tpu.memory_space<vmem>> -> memref<1x128xi32, #tpu.memory_space<vmem>>
    %dma_start3A_46 = tpu.memref_squeeze %dma_start3A_45 : memref<1x128xi32, #tpu.memory_space<vmem>> -> memref<128xi32, #tpu.memory_space<vmem>>
    %dma_start3A_47 = arith.constant 0 : i32
    %dma_start3A_48 = arith.constant 0 : i32
    %dma_start3A_49 = tpu.memref_slice %arg2[%dma_start3A_47, %dma_start3A_48] : memref<16384x8xf32, #tpu.memory_space<hbm>> -> memref<16384x8xf32, #tpu.memory_space<hbm>>
    tpu.enqueue_indirect_dma source(%dma_start3A_49 : memref<16384x8xf32, #tpu.memory_space<hbm>>) target(%dma_start3A_43 : memref<128x8xf32, #tpu.memory_space<vmem>>) offsets(%dma_start3A_46 : memref<128xi32, #tpu.memory_space<vmem>>) semaphore(%arg7 : memref<!tpu.dma_semaphore, #tpu.memory_space<semaphore_mem>>)
    %dma_start3A_50 = arith.constant 5 : i32
    %dma_start3A_51 = arith.constant 640 : i32
    %dma_start3A_52 = arith.constant 0 : i32
    %dma_start3A_53 = tpu.memref_slice %arg6[%dma_start3A_51, %dma_start3A_52] : memref<8192x8xf32, #tpu.memory_space<vmem>> -> memref<128x8xf32, #tpu.memory_space<vmem>>
    %dma_start3A_54 = arith.constant 0 : i32
    %dma_start3A_55 = tpu.memref_slice %arg5[%dma_start3A_50, %dma_start3A_54] : memref<64x128xi32, #tpu.memory_space<vmem>> -> memref<1x128xi32, #tpu.memory_space<vmem>>
    %dma_start3A_56 = tpu.memref_squeeze %dma_start3A_55 : memref<1x128xi32, #tpu.memory_space<vmem>> -> memref<128xi32, #tpu.memory_space<vmem>>
    %dma_start3A_57 = arith.constant 0 : i32
    %dma_start3A_58 = arith.constant 0 : i32
    %dma_start3A_59 = tpu.memref_slice %arg2[%dma_start3A_57, %dma_start3A_58] : memref<16384x8xf32, #tpu.memory_space<hbm>> -> memref<16384x8xf32, #tpu.memory_space<hbm>>
    tpu.enqueue_indirect_dma source(%dma_start3A_59 : memref<16384x8xf32, #tpu.memory_space<hbm>>) target(%dma_start3A_53 : memref<128x8xf32, #tpu.memory_space<vmem>>) offsets(%dma_start3A_56 : memref<128xi32, #tpu.memory_space<vmem>>) semaphore(%arg7 : memref<!tpu.dma_semaphore, #tpu.memory_space<semaphore_mem>>)
    %dma_start3A_60 = arith.constant 6 : i32
    %dma_start3A_61 = arith.constant 768 : i32
    %dma_start3A_62 = arith.constant 0 : i32
    %dma_start3A_63 = tpu.memref_slice %arg6[%dma_start3A_61, %dma_start3A_62] : memref<8192x8xf32, #tpu.memory_space<vmem>> -> memref<128x8xf32, #tpu.memory_space<vmem>>
    %dma_start3A_64 = arith.constant 0 : i32
    %dma_start3A_65 = tpu.memref_slice %arg5[%dma_start3A_60, %dma_start3A_64] : memref<64x128xi32, #tpu.memory_space<vmem>> -> memref<1x128xi32, #tpu.memory_space<vmem>>
    %dma_start3A_66 = tpu.memref_squeeze %dma_start3A_65 : memref<1x128xi32, #tpu.memory_space<vmem>> -> memref<128xi32, #tpu.memory_space<vmem>>
    %dma_start3A_67 = arith.constant 0 : i32
    %dma_start3A_68 = arith.constant 0 : i32
    %dma_start3A_69 = tpu.memref_slice %arg2[%dma_start3A_67, %dma_start3A_68] : memref<16384x8xf32, #tpu.memory_space<hbm>> -> memref<16384x8xf32, #tpu.memory_space<hbm>>
    tpu.enqueue_indirect_dma source(%dma_start3A_69 : memref<16384x8xf32, #tpu.memory_space<hbm>>) target(%dma_start3A_63 : memref<128x8xf32, #tpu.memory_space<vmem>>) offsets(%dma_start3A_66 : memref<128xi32, #tpu.memory_space<vmem>>) semaphore(%arg7 : memref<!tpu.dma_semaphore, #tpu.memory_space<semaphore_mem>>)
    %dma_start3A_70 = arith.constant 7 : i32
    %dma_start3A_71 = arith.constant 896 : i32
    %dma_start3A_72 = arith.constant 0 : i32
    %dma_start3A_73 = tpu.memref_slice %arg6[%dma_start3A_71, %dma_start3A_72] : memref<8192x8xf32, #tpu.memory_space<vmem>> -> memref<128x8xf32, #tpu.memory_space<vmem>>
    %dma_start3A_74 = arith.constant 0 : i32
    %dma_start3A_75 = tpu.memref_slice %arg5[%dma_start3A_70, %dma_start3A_74] : memref<64x128xi32, #tpu.memory_space<vmem>> -> memref<1x128xi32, #tpu.memory_space<vmem>>
    %dma_start3A_76 = tpu.memref_squeeze %dma_start3A_75 : memref<1x128xi32, #tpu.memory_space<vmem>> -> memref<128xi32, #tpu.memory_space<vmem>>
    %dma_start3A_77 = arith.constant 0 : i32
    %dma_start3A_78 = arith.constant 0 : i32
    %dma_start3A_79 = tpu.memref_slice %arg2[%dma_start3A_77, %dma_start3A_78] : memref<16384x8xf32, #tpu.memory_space<hbm>> -> memref<16384x8xf32, #tpu.memory_space<hbm>>
    tpu.enqueue_indirect_dma source(%dma_start3A_79 : memref<16384x8xf32, #tpu.memory_space<hbm>>) target(%dma_start3A_73 : memref<128x8xf32, #tpu.memory_space<vmem>>) offsets(%dma_start3A_76 : memref<128xi32, #tpu.memory_space<vmem>>) semaphore(%arg7 : memref<!tpu.dma_semaphore, #tpu.memory_space<semaphore_mem>>)
    %dma_start3A_80 = arith.constant 8 : i32
    %dma_start3A_81 = arith.constant 1024 : i32
    %dma_start3A_82 = arith.constant 0 : i32
    %dma_start3A_83 = tpu.memref_slice %arg6[%dma_start3A_81, %dma_start3A_82] : memref<8192x8xf32, #tpu.memory_space<vmem>> -> memref<128x8xf32, #tpu.memory_space<vmem>>
    %dma_start3A_84 = arith.constant 0 : i32
    %dma_start3A_85 = tpu.memref_slice %arg5[%dma_start3A_80, %dma_start3A_84] : memref<64x128xi32, #tpu.memory_space<vmem>> -> memref<1x128xi32, #tpu.memory_space<vmem>>
    %dma_start3A_86 = tpu.memref_squeeze %dma_start3A_85 : memref<1x128xi32, #tpu.memory_space<vmem>> -> memref<128xi32, #tpu.memory_space<vmem>>
    %dma_start3A_87 = arith.constant 0 : i32
    %dma_start3A_88 = arith.constant 0 : i32
    %dma_start3A_89 = tpu.memref_slice %arg2[%dma_start3A_87, %dma_start3A_88] : memref<16384x8xf32, #tpu.memory_space<hbm>> -> memref<16384x8xf32, #tpu.memory_space<hbm>>
    tpu.enqueue_indirect_dma source(%dma_start3A_89 : memref<16384x8xf32, #tpu.memory_space<hbm>>) target(%dma_start3A_83 : memref<128x8xf32, #tpu.memory_space<vmem>>) offsets(%dma_start3A_86 : memref<128xi32, #tpu.memory_space<vmem>>) semaphore(%arg7 : memref<!tpu.dma_semaphore, #tpu.memory_space<semaphore_mem>>)
    %dma_start3A_90 = arith.constant 9 : i32
    %dma_start3A_91 = arith.constant 1152 : i32
    %dma_start3A_92 = arith.constant 0 : i32
    %dma_start3A_93 = tpu.memref_slice %arg6[%dma_start3A_91, %dma_start3A_92] : memref<8192x8xf32, #tpu.memory_space<vmem>> -> memref<128x8xf32, #tpu.memory_space<vmem>>
    %dma_start3A_94 = arith.constant 0 : i32
    %dma_start3A_95 = tpu.memref_slice %arg5[%dma_start3A_90, %dma_start3A_94] : memref<64x128xi32, #tpu.memory_space<vmem>> -> memref<1x128xi32, #tpu.memory_space<vmem>>
    %dma_start3A_96 = tpu.memref_squeeze %dma_start3A_95 : memref<1x128xi32, #tpu.memory_space<vmem>> -> memref<128xi32, #tpu.memory_space<vmem>>
    %dma_start3A_97 = arith.constant 0 : i32
    %dma_start3A_98 = arith.constant 0 : i32
    %dma_start3A_99 = tpu.memref_slice %arg2[%dma_start3A_97, %dma_start3A_98] : memref<16384x8xf32, #tpu.memory_space<hbm>> -> memref<16384x8xf32, #tpu.memory_space<hbm>>
    tpu.enqueue_indirect_dma source(%dma_start3A_99 : memref<16384x8xf32, #tpu.memory_space<hbm>>) target(%dma_start3A_93 : memref<128x8xf32, #tpu.memory_space<vmem>>) offsets(%dma_start3A_96 : memref<128xi32, #tpu.memory_space<vmem>>) semaphore(%arg7 : memref<!tpu.dma_semaphore, #tpu.memory_space<semaphore_mem>>)
    %dma_start3A_100 = arith.constant 10 : i32
    %dma_start3A_101 = arith.constant 1280 : i32
    %dma_start3A_102 = arith.constant 0 : i32
    %dma_start3A_103 = tpu.memref_slice %arg6[%dma_start3A_101, %dma_start3A_102] : memref<8192x8xf32, #tpu.memory_space<vmem>> -> memref<128x8xf32, #tpu.memory_space<vmem>>
    %dma_start3A_104 = arith.constant 0 : i32
    %dma_start3A_105 = tpu.memref_slice %arg5[%dma_start3A_100, %dma_start3A_104] : memref<64x128xi32, #tpu.memory_space<vmem>> -> memref<1x128xi32, #tpu.memory_space<vmem>>
    %dma_start3A_106 = tpu.memref_squeeze %dma_start3A_105 : memref<1x128xi32, #tpu.memory_space<vmem>> -> memref<128xi32, #tpu.memory_space<vmem>>
    %dma_start3A_107 = arith.constant 0 : i32
    %dma_start3A_108 = arith.constant 0 : i32
    %dma_start3A_109 = tpu.memref_slice %arg2[%dma_start3A_107, %dma_start3A_108] : memref<16384x8xf32, #tpu.memory_space<hbm>> -> memref<16384x8xf32, #tpu.memory_space<hbm>>
    tpu.enqueue_indirect_dma source(%dma_start3A_109 : memref<16384x8xf32, #tpu.memory_space<hbm>>) target(%dma_start3A_103 : memref<128x8xf32, #tpu.memory_space<vmem>>) offsets(%dma_start3A_106 : memref<128xi32, #tpu.memory_space<vmem>>) semaphore(%arg7 : memref<!tpu.dma_semaphore, #tpu.memory_space<semaphore_mem>>)
    %dma_start3A_110 = arith.constant 11 : i32
    %dma_start3A_111 = arith.constant 1408 : i32
    %dma_start3A_112 = arith.constant 0 : i32
    %dma_start3A_113 = tpu.memref_slice %arg6[%dma_start3A_111, %dma_start3A_112] : memref<8192x8xf32, #tpu.memory_space<vmem>> -> memref<128x8xf32, #tpu.memory_space<vmem>>
    %dma_start3A_114 = arith.constant 0 : i32
    %dma_start3A_115 = tpu.memref_slice %arg5[%dma_start3A_110, %dma_start3A_114] : memref<64x128xi32, #tpu.memory_space<vmem>> -> memref<1x128xi32, #tpu.memory_space<vmem>>
    %dma_start3A_116 = tpu.memref_squeeze %dma_start3A_115 : memref<1x128xi32, #tpu.memory_space<vmem>> -> memref<128xi32, #tpu.memory_space<vmem>>
    %dma_start3A_117 = arith.constant 0 : i32
    %dma_start3A_118 = arith.constant 0 : i32
    %dma_start3A_119 = tpu.memref_slice %arg2[%dma_start3A_117, %dma_start3A_118] : memref<16384x8xf32, #tpu.memory_space<hbm>> -> memref<16384x8xf32, #tpu.memory_space<hbm>>
    tpu.enqueue_indirect_dma source(%dma_start3A_119 : memref<16384x8xf32, #tpu.memory_space<hbm>>) target(%dma_start3A_113 : memref<128x8xf32, #tpu.memory_space<vmem>>) offsets(%dma_start3A_116 : memref<128xi32, #tpu.memory_space<vmem>>) semaphore(%arg7 : memref<!tpu.dma_semaphore, #tpu.memory_space<semaphore_mem>>)
    %dma_start3A_120 = arith.constant 12 : i32
    %dma_start3A_121 = arith.constant 1536 : i32
    %dma_start3A_122 = arith.constant 0 : i32
    %dma_start3A_123 = tpu.memref_slice %arg6[%dma_start3A_121, %dma_start3A_122] : memref<8192x8xf32, #tpu.memory_space<vmem>> -> memref<128x8xf32, #tpu.memory_space<vmem>>
    %dma_start3A_124 = arith.constant 0 : i32
    %dma_start3A_125 = tpu.memref_slice %arg5[%dma_start3A_120, %dma_start3A_124] : memref<64x128xi32, #tpu.memory_space<vmem>> -> memref<1x128xi32, #tpu.memory_space<vmem>>
    %dma_start3A_126 = tpu.memref_squeeze %dma_start3A_125 : memref<1x128xi32, #tpu.memory_space<vmem>> -> memref<128xi32, #tpu.memory_space<vmem>>
    %dma_start3A_127 = arith.constant 0 : i32
    %dma_start3A_128 = arith.constant 0 : i32
    %dma_start3A_129 = tpu.memref_slice %arg2[%dma_start3A_127, %dma_start3A_128] : memref<16384x8xf32, #tpu.memory_space<hbm>> -> memref<16384x8xf32, #tpu.memory_space<hbm>>
    tpu.enqueue_indirect_dma source(%dma_start3A_129 : memref<16384x8xf32, #tpu.memory_space<hbm>>) target(%dma_start3A_123 : memref<128x8xf32, #tpu.memory_space<vmem>>) offsets(%dma_start3A_126 : memref<128xi32, #tpu.memory_space<vmem>>) semaphore(%arg7 : memref<!tpu.dma_semaphore, #tpu.memory_space<semaphore_mem>>)
    %dma_start3A_130 = arith.constant 13 : i32
    %dma_start3A_131 = arith.constant 1664 : i32
    %dma_start3A_132 = arith.constant 0 : i32
    %dma_start3A_133 = tpu.memref_slice %arg6[%dma_start3A_131, %dma_start3A_132] : memref<8192x8xf32, #tpu.memory_space<vmem>> -> memref<128x8xf32, #tpu.memory_space<vmem>>
    %dma_start3A_134 = arith.constant 0 : i32
    %dma_start3A_135 = tpu.memref_slice %arg5[%dma_start3A_130, %dma_start3A_134] : memref<64x128xi32, #tpu.memory_space<vmem>> -> memref<1x128xi32, #tpu.memory_space<vmem>>
    %dma_start3A_136 = tpu.memref_squeeze %dma_start3A_135 : memref<1x128xi32, #tpu.memory_space<vmem>> -> memref<128xi32, #tpu.memory_space<vmem>>
    %dma_start3A_137 = arith.constant 0 : i32
    %dma_start3A_138 = arith.constant 0 : i32
    %dma_start3A_139 = tpu.memref_slice %arg2[%dma_start3A_137, %dma_start3A_138] : memref<16384x8xf32, #tpu.memory_space<hbm>> -> memref<16384x8xf32, #tpu.memory_space<hbm>>
    tpu.enqueue_indirect_dma source(%dma_start3A_139 : memref<16384x8xf32, #tpu.memory_space<hbm>>) target(%dma_start3A_133 : memref<128x8xf32, #tpu.memory_space<vmem>>) offsets(%dma_start3A_136 : memref<128xi32, #tpu.memory_space<vmem>>) semaphore(%arg7 : memref<!tpu.dma_semaphore, #tpu.memory_space<semaphore_mem>>)
    %dma_start3A_140 = arith.constant 14 : i32
    %dma_start3A_141 = arith.constant 1792 : i32
    %dma_start3A_142 = arith.constant 0 : i32
    %dma_start3A_143 = tpu.memref_slice %arg6[%dma_start3A_141, %dma_start3A_142] : memref<8192x8xf32, #tpu.memory_space<vmem>> -> memref<128x8xf32, #tpu.memory_space<vmem>>
    %dma_start3A_144 = arith.constant 0 : i32
    %dma_start3A_145 = tpu.memref_slice %arg5[%dma_start3A_140, %dma_start3A_144] : memref<64x128xi32, #tpu.memory_space<vmem>> -> memref<1x128xi32, #tpu.memory_space<vmem>>
    %dma_start3A_146 = tpu.memref_squeeze %dma_start3A_145 : memref<1x128xi32, #tpu.memory_space<vmem>> -> memref<128xi32, #tpu.memory_space<vmem>>
    %dma_start3A_147 = arith.constant 0 : i32
    %dma_start3A_148 = arith.constant 0 : i32
    %dma_start3A_149 = tpu.memref_slice %arg2[%dma_start3A_147, %dma_start3A_148] : memref<16384x8xf32, #tpu.memory_space<hbm>> -> memref<16384x8xf32, #tpu.memory_space<hbm>>
    tpu.enqueue_indirect_dma source(%dma_start3A_149 : memref<16384x8xf32, #tpu.memory_space<hbm>>) target(%dma_start3A_143 : memref<128x8xf32, #tpu.memory_space<vmem>>) offsets(%dma_start3A_146 : memref<128xi32, #tpu.memory_space<vmem>>) semaphore(%arg7 : memref<!tpu.dma_semaphore, #tpu.memory_space<semaphore_mem>>)
    %dma_start3A_150 = arith.constant 15 : i32
    %dma_start3A_151 = arith.constant 1920 : i32
    %dma_start3A_152 = arith.constant 0 : i32
    %dma_start3A_153 = tpu.memref_slice %arg6[%dma_start3A_151, %dma_start3A_152] : memref<8192x8xf32, #tpu.memory_space<vmem>> -> memref<128x8xf32, #tpu.memory_space<vmem>>
    %dma_start3A_154 = arith.constant 0 : i32
    %dma_start3A_155 = tpu.memref_slice %arg5[%dma_start3A_150, %dma_start3A_154] : memref<64x128xi32, #tpu.memory_space<vmem>> -> memref<1x128xi32, #tpu.memory_space<vmem>>
    %dma_start3A_156 = tpu.memref_squeeze %dma_start3A_155 : memref<1x128xi32, #tpu.memory_space<vmem>> -> memref<128xi32, #tpu.memory_space<vmem>>
    %dma_start3A_157 = arith.constant 0 : i32
    %dma_start3A_158 = arith.constant 0 : i32
    %dma_start3A_159 = tpu.memref_slice %arg2[%dma_start3A_157, %dma_start3A_158] : memref<16384x8xf32, #tpu.memory_space<hbm>> -> memref<16384x8xf32, #tpu.memory_space<hbm>>
    tpu.enqueue_indirect_dma source(%dma_start3A_159 : memref<16384x8xf32, #tpu.memory_space<hbm>>) target(%dma_start3A_153 : memref<128x8xf32, #tpu.memory_space<vmem>>) offsets(%dma_start3A_156 : memref<128xi32, #tpu.memory_space<vmem>>) semaphore(%arg7 : memref<!tpu.dma_semaphore, #tpu.memory_space<semaphore_mem>>)
    %dma_start3A_160 = arith.constant 16 : i32
    %dma_start3A_161 = arith.constant 2048 : i32
    %dma_start3A_162 = arith.constant 0 : i32
    %dma_start3A_163 = tpu.memref_slice %arg6[%dma_start3A_161, %dma_start3A_162] : memref<8192x8xf32, #tpu.memory_space<vmem>> -> memref<128x8xf32, #tpu.memory_space<vmem>>
    %dma_start3A_164 = arith.constant 0 : i32
    %dma_start3A_165 = tpu.memref_slice %arg5[%dma_start3A_160, %dma_start3A_164] : memref<64x128xi32, #tpu.memory_space<vmem>> -> memref<1x128xi32, #tpu.memory_space<vmem>>
    %dma_start3A_166 = tpu.memref_squeeze %dma_start3A_165 : memref<1x128xi32, #tpu.memory_space<vmem>> -> memref<128xi32, #tpu.memory_space<vmem>>
    %dma_start3A_167 = arith.constant 0 : i32
    %dma_start3A_168 = arith.constant 0 : i32
    %dma_start3A_169 = tpu.memref_slice %arg2[%dma_start3A_167, %dma_start3A_168] : memref<16384x8xf32, #tpu.memory_space<hbm>> -> memref<16384x8xf32, #tpu.memory_space<hbm>>
    tpu.enqueue_indirect_dma source(%dma_start3A_169 : memref<16384x8xf32, #tpu.memory_space<hbm>>) target(%dma_start3A_163 : memref<128x8xf32, #tpu.memory_space<vmem>>) offsets(%dma_start3A_166 : memref<128xi32, #tpu.memory_space<vmem>>) semaphore(%arg7 : memref<!tpu.dma_semaphore, #tpu.memory_space<semaphore_mem>>)
    %dma_start3A_170 = arith.constant 17 : i32
    %dma_start3A_171 = arith.constant 2176 : i32
    %dma_start3A_172 = arith.constant 0 : i32
    %dma_start3A_173 = tpu.memref_slice %arg6[%dma_start3A_171, %dma_start3A_172] : memref<8192x8xf32, #tpu.memory_space<vmem>> -> memref<128x8xf32, #tpu.memory_space<vmem>>
    %dma_start3A_174 = arith.constant 0 : i32
    %dma_start3A_175 = tpu.memref_slice %arg5[%dma_start3A_170, %dma_start3A_174] : memref<64x128xi32, #tpu.memory_space<vmem>> -> memref<1x128xi32, #tpu.memory_space<vmem>>
    %dma_start3A_176 = tpu.memref_squeeze %dma_start3A_175 : memref<1x128xi32, #tpu.memory_space<vmem>> -> memref<128xi32, #tpu.memory_space<vmem>>
    %dma_start3A_177 = arith.constant 0 : i32
    %dma_start3A_178 = arith.constant 0 : i32
    %dma_start3A_179 = tpu.memref_slice %arg2[%dma_start3A_177, %dma_start3A_178] : memref<16384x8xf32, #tpu.memory_space<hbm>> -> memref<16384x8xf32, #tpu.memory_space<hbm>>
    tpu.enqueue_indirect_dma source(%dma_start3A_179 : memref<16384x8xf32, #tpu.memory_space<hbm>>) target(%dma_start3A_173 : memref<128x8xf32, #tpu.memory_space<vmem>>) offsets(%dma_start3A_176 : memref<128xi32, #tpu.memory_space<vmem>>) semaphore(%arg7 : memref<!tpu.dma_semaphore, #tpu.memory_space<semaphore_mem>>)
    %dma_start3A_180 = arith.constant 18 : i32
    %dma_start3A_181 = arith.constant 2304 : i32
    %dma_start3A_182 = arith.constant 0 : i32
    %dma_start3A_183 = tpu.memref_slice %arg6[%dma_start3A_181, %dma_start3A_182] : memref<8192x8xf32, #tpu.memory_space<vmem>> -> memref<128x8xf32, #tpu.memory_space<vmem>>
    %dma_start3A_184 = arith.constant 0 : i32
    %dma_start3A_185 = tpu.memref_slice %arg5[%dma_start3A_180, %dma_start3A_184] : memref<64x128xi32, #tpu.memory_space<vmem>> -> memref<1x128xi32, #tpu.memory_space<vmem>>
    %dma_start3A_186 = tpu.memref_squeeze %dma_start3A_185 : memref<1x128xi32, #tpu.memory_space<vmem>> -> memref<128xi32, #tpu.memory_space<vmem>>
    %dma_start3A_187 = arith.constant 0 : i32
    %dma_start3A_188 = arith.constant 0 : i32
    %dma_start3A_189 = tpu.memref_slice %arg2[%dma_start3A_187, %dma_start3A_188] : memref<16384x8xf32, #tpu.memory_space<hbm>> -> memref<16384x8xf32, #tpu.memory_space<hbm>>
    tpu.enqueue_indirect_dma source(%dma_start3A_189 : memref<16384x8xf32, #tpu.memory_space<hbm>>) target(%dma_start3A_183 : memref<128x8xf32, #tpu.memory_space<vmem>>) offsets(%dma_start3A_186 : memref<128xi32, #tpu.memory_space<vmem>>) semaphore(%arg7 : memref<!tpu.dma_semaphore, #tpu.memory_space<semaphore_mem>>)
    %dma_start3A_190 = arith.constant 19 : i32
    %dma_start3A_191 = arith.constant 2432 : i32
    %dma_start3A_192 = arith.constant 0 : i32
    %dma_start3A_193 = tpu.memref_slice %arg6[%dma_start3A_191, %dma_start3A_192] : memref<8192x8xf32, #tpu.memory_space<vmem>> -> memref<128x8xf32, #tpu.memory_space<vmem>>
    %dma_start3A_194 = arith.constant 0 : i32
    %dma_start3A_195 = tpu.memref_slice %arg5[%dma_start3A_190, %dma_start3A_194] : memref<64x128xi32, #tpu.memory_space<vmem>> -> memref<1x128xi32, #tpu.memory_space<vmem>>
    %dma_start3A_196 = tpu.memref_squeeze %dma_start3A_195 : memref<1x128xi32, #tpu.memory_space<vmem>> -> memref<128xi32, #tpu.memory_space<vmem>>
    %dma_start3A_197 = arith.constant 0 : i32
    %dma_start3A_198 = arith.constant 0 : i32
    %dma_start3A_199 = tpu.memref_slice %arg2[%dma_start3A_197, %dma_start3A_198] : memref<16384x8xf32, #tpu.memory_space<hbm>> -> memref<16384x8xf32, #tpu.memory_space<hbm>>
    tpu.enqueue_indirect_dma source(%dma_start3A_199 : memref<16384x8xf32, #tpu.memory_space<hbm>>) target(%dma_start3A_193 : memref<128x8xf32, #tpu.memory_space<vmem>>) offsets(%dma_start3A_196 : memref<128xi32, #tpu.memory_space<vmem>>) semaphore(%arg7 : memref<!tpu.dma_semaphore, #tpu.memory_space<semaphore_mem>>)
    %dma_start3A_200 = arith.constant 20 : i32
    %dma_start3A_201 = arith.constant 2560 : i32
    %dma_start3A_202 = arith.constant 0 : i32
    %dma_start3A_203 = tpu.memref_slice %arg6[%dma_start3A_201, %dma_start3A_202] : memref<8192x8xf32, #tpu.memory_space<vmem>> -> memref<128x8xf32, #tpu.memory_space<vmem>>
    %dma_start3A_204 = arith.constant 0 : i32
    %dma_start3A_205 = tpu.memref_slice %arg5[%dma_start3A_200, %dma_start3A_204] : memref<64x128xi32, #tpu.memory_space<vmem>> -> memref<1x128xi32, #tpu.memory_space<vmem>>
    %dma_start3A_206 = tpu.memref_squeeze %dma_start3A_205 : memref<1x128xi32, #tpu.memory_space<vmem>> -> memref<128xi32, #tpu.memory_space<vmem>>
    %dma_start3A_207 = arith.constant 0 : i32
    %dma_start3A_208 = arith.constant 0 : i32
    %dma_start3A_209 = tpu.memref_slice %arg2[%dma_start3A_207, %dma_start3A_208] : memref<16384x8xf32, #tpu.memory_space<hbm>> -> memref<16384x8xf32, #tpu.memory_space<hbm>>
    tpu.enqueue_indirect_dma source(%dma_start3A_209 : memref<16384x8xf32, #tpu.memory_space<hbm>>) target(%dma_start3A_203 : memref<128x8xf32, #tpu.memory_space<vmem>>) offsets(%dma_start3A_206 : memref<128xi32, #tpu.memory_space<vmem>>) semaphore(%arg7 : memref<!tpu.dma_semaphore, #tpu.memory_space<semaphore_mem>>)
    %dma_start3A_210 = arith.constant 21 : i32
    %dma_start3A_211 = arith.constant 2688 : i32
    %dma_start3A_212 = arith.constant 0 : i32
    %dma_start3A_213 = tpu.memref_slice %arg6[%dma_start3A_211, %dma_start3A_212] : memref<8192x8xf32, #tpu.memory_space<vmem>> -> memref<128x8xf32, #tpu.memory_space<vmem>>
    %dma_start3A_214 = arith.constant 0 : i32
    %dma_start3A_215 = tpu.memref_slice %arg5[%dma_start3A_210, %dma_start3A_214] : memref<64x128xi32, #tpu.memory_space<vmem>> -> memref<1x128xi32, #tpu.memory_space<vmem>>
    %dma_start3A_216 = tpu.memref_squeeze %dma_start3A_215 : memref<1x128xi32, #tpu.memory_space<vmem>> -> memref<128xi32, #tpu.memory_space<vmem>>
    %dma_start3A_217 = arith.constant 0 : i32
    %dma_start3A_218 = arith.constant 0 : i32
    %dma_start3A_219 = tpu.memref_slice %arg2[%dma_start3A_217, %dma_start3A_218] : memref<16384x8xf32, #tpu.memory_space<hbm>> -> memref<16384x8xf32, #tpu.memory_space<hbm>>
    tpu.enqueue_indirect_dma source(%dma_start3A_219 : memref<16384x8xf32, #tpu.memory_space<hbm>>) target(%dma_start3A_213 : memref<128x8xf32, #tpu.memory_space<vmem>>) offsets(%dma_start3A_216 : memref<128xi32, #tpu.memory_space<vmem>>) semaphore(%arg7 : memref<!tpu.dma_semaphore, #tpu.memory_space<semaphore_mem>>)
    %dma_start3A_220 = arith.constant 22 : i32
    %dma_start3A_221 = arith.constant 2816 : i32
    %dma_start3A_222 = arith.constant 0 : i32
    %dma_start3A_223 = tpu.memref_slice %arg6[%dma_start3A_221, %dma_start3A_222] : memref<8192x8xf32, #tpu.memory_space<vmem>> -> memref<128x8xf32, #tpu.memory_space<vmem>>
    %dma_start3A_224 = arith.constant 0 : i32
    %dma_start3A_225 = tpu.memref_slice %arg5[%dma_start3A_220, %dma_start3A_224] : memref<64x128xi32, #tpu.memory_space<vmem>> -> memref<1x128xi32, #tpu.memory_space<vmem>>
    %dma_start3A_226 = tpu.memref_squeeze %dma_start3A_225 : memref<1x128xi32, #tpu.memory_space<vmem>> -> memref<128xi32, #tpu.memory_space<vmem>>
    %dma_start3A_227 = arith.constant 0 : i32
    %dma_start3A_228 = arith.constant 0 : i32
    %dma_start3A_229 = tpu.memref_slice %arg2[%dma_start3A_227, %dma_start3A_228] : memref<16384x8xf32, #tpu.memory_space<hbm>> -> memref<16384x8xf32, #tpu.memory_space<hbm>>
    tpu.enqueue_indirect_dma source(%dma_start3A_229 : memref<16384x8xf32, #tpu.memory_space<hbm>>) target(%dma_start3A_223 : memref<128x8xf32, #tpu.memory_space<vmem>>) offsets(%dma_start3A_226 : memref<128xi32, #tpu.memory_space<vmem>>) semaphore(%arg7 : memref<!tpu.dma_semaphore, #tpu.memory_space<semaphore_mem>>)
    %dma_start3A_230 = arith.constant 23 : i32
    %dma_start3A_231 = arith.constant 2944 : i32
    %dma_start3A_232 = arith.constant 0 : i32
    %dma_start3A_233 = tpu.memref_slice %arg6[%dma_start3A_231, %dma_start3A_232] : memref<8192x8xf32, #tpu.memory_space<vmem>> -> memref<128x8xf32, #tpu.memory_space<vmem>>
    %dma_start3A_234 = arith.constant 0 : i32
    %dma_start3A_235 = tpu.memref_slice %arg5[%dma_start3A_230, %dma_start3A_234] : memref<64x128xi32, #tpu.memory_space<vmem>> -> memref<1x128xi32, #tpu.memory_space<vmem>>
    %dma_start3A_236 = tpu.memref_squeeze %dma_start3A_235 : memref<1x128xi32, #tpu.memory_space<vmem>> -> memref<128xi32, #tpu.memory_space<vmem>>
    %dma_start3A_237 = arith.constant 0 : i32
    %dma_start3A_238 = arith.constant 0 : i32
    %dma_start3A_239 = tpu.memref_slice %arg2[%dma_start3A_237, %dma_start3A_238] : memref<16384x8xf32, #tpu.memory_space<hbm>> -> memref<16384x8xf32, #tpu.memory_space<hbm>>
    tpu.enqueue_indirect_dma source(%dma_start3A_239 : memref<16384x8xf32, #tpu.memory_space<hbm>>) target(%dma_start3A_233 : memref<128x8xf32, #tpu.memory_space<vmem>>) offsets(%dma_start3A_236 : memref<128xi32, #tpu.memory_space<vmem>>) semaphore(%arg7 : memref<!tpu.dma_semaphore, #tpu.memory_space<semaphore_mem>>)
    %dma_start3A_240 = arith.constant 24 : i32
    %dma_start3A_241 = arith.constant 3072 : i32
    %dma_start3A_242 = arith.constant 0 : i32
    %dma_start3A_243 = tpu.memref_slice %arg6[%dma_start3A_241, %dma_start3A_242] : memref<8192x8xf32, #tpu.memory_space<vmem>> -> memref<128x8xf32, #tpu.memory_space<vmem>>
    %dma_start3A_244 = arith.constant 0 : i32
    %dma_start3A_245 = tpu.memref_slice %arg5[%dma_start3A_240, %dma_start3A_244] : memref<64x128xi32, #tpu.memory_space<vmem>> -> memref<1x128xi32, #tpu.memory_space<vmem>>
    %dma_start3A_246 = tpu.memref_squeeze %dma_start3A_245 : memref<1x128xi32, #tpu.memory_space<vmem>> -> memref<128xi32, #tpu.memory_space<vmem>>
    %dma_start3A_247 = arith.constant 0 : i32
    %dma_start3A_248 = arith.constant 0 : i32
    %dma_start3A_249 = tpu.memref_slice %arg2[%dma_start3A_247, %dma_start3A_248] : memref<16384x8xf32, #tpu.memory_space<hbm>> -> memref<16384x8xf32, #tpu.memory_space<hbm>>
    tpu.enqueue_indirect_dma source(%dma_start3A_249 : memref<16384x8xf32, #tpu.memory_space<hbm>>) target(%dma_start3A_243 : memref<128x8xf32, #tpu.memory_space<vmem>>) offsets(%dma_start3A_246 : memref<128xi32, #tpu.memory_space<vmem>>) semaphore(%arg7 : memref<!tpu.dma_semaphore, #tpu.memory_space<semaphore_mem>>)
    %dma_start3A_250 = arith.constant 25 : i32
    %dma_start3A_251 = arith.constant 3200 : i32
    %dma_start3A_252 = arith.constant 0 : i32
    %dma_start3A_253 = tpu.memref_slice %arg6[%dma_start3A_251, %dma_start3A_252] : memref<8192x8xf32, #tpu.memory_space<vmem>> -> memref<128x8xf32, #tpu.memory_space<vmem>>
    %dma_start3A_254 = arith.constant 0 : i32
    %dma_start3A_255 = tpu.memref_slice %arg5[%dma_start3A_250, %dma_start3A_254] : memref<64x128xi32, #tpu.memory_space<vmem>> -> memref<1x128xi32, #tpu.memory_space<vmem>>
    %dma_start3A_256 = tpu.memref_squeeze %dma_start3A_255 : memref<1x128xi32, #tpu.memory_space<vmem>> -> memref<128xi32, #tpu.memory_space<vmem>>
    %dma_start3A_257 = arith.constant 0 : i32
    %dma_start3A_258 = arith.constant 0 : i32
    %dma_start3A_259 = tpu.memref_slice %arg2[%dma_start3A_257, %dma_start3A_258] : memref<16384x8xf32, #tpu.memory_space<hbm>> -> memref<16384x8xf32, #tpu.memory_space<hbm>>
    tpu.enqueue_indirect_dma source(%dma_start3A_259 : memref<16384x8xf32, #tpu.memory_space<hbm>>) target(%dma_start3A_253 : memref<128x8xf32, #tpu.memory_space<vmem>>) offsets(%dma_start3A_256 : memref<128xi32, #tpu.memory_space<vmem>>) semaphore(%arg7 : memref<!tpu.dma_semaphore, #tpu.memory_space<semaphore_mem>>)
    %dma_start3A_260 = arith.constant 26 : i32
    %dma_start3A_261 = arith.constant 3328 : i32
    %dma_start3A_262 = arith.constant 0 : i32
    %dma_start3A_263 = tpu.memref_slice %arg6[%dma_start3A_261, %dma_start3A_262] : memref<8192x8xf32, #tpu.memory_space<vmem>> -> memref<128x8xf32, #tpu.memory_space<vmem>>
    %dma_start3A_264 = arith.constant 0 : i32
    %dma_start3A_265 = tpu.memref_slice %arg5[%dma_start3A_260, %dma_start3A_264] : memref<64x128xi32, #tpu.memory_space<vmem>> -> memref<1x128xi32, #tpu.memory_space<vmem>>
    %dma_start3A_266 = tpu.memref_squeeze %dma_start3A_265 : memref<1x128xi32, #tpu.memory_space<vmem>> -> memref<128xi32, #tpu.memory_space<vmem>>
    %dma_start3A_267 = arith.constant 0 : i32
    %dma_start3A_268 = arith.constant 0 : i32
    %dma_start3A_269 = tpu.memref_slice %arg2[%dma_start3A_267, %dma_start3A_268] : memref<16384x8xf32, #tpu.memory_space<hbm>> -> memref<16384x8xf32, #tpu.memory_space<hbm>>
    tpu.enqueue_indirect_dma source(%dma_start3A_269 : memref<16384x8xf32, #tpu.memory_space<hbm>>) target(%dma_start3A_263 : memref<128x8xf32, #tpu.memory_space<vmem>>) offsets(%dma_start3A_266 : memref<128xi32, #tpu.memory_space<vmem>>) semaphore(%arg7 : memref<!tpu.dma_semaphore, #tpu.memory_space<semaphore_mem>>)
    %dma_start3A_270 = arith.constant 27 : i32
    %dma_start3A_271 = arith.constant 3456 : i32
    %dma_start3A_272 = arith.constant 0 : i32
    %dma_start3A_273 = tpu.memref_slice %arg6[%dma_start3A_271, %dma_start3A_272] : memref<8192x8xf32, #tpu.memory_space<vmem>> -> memref<128x8xf32, #tpu.memory_space<vmem>>
    %dma_start3A_274 = arith.constant 0 : i32
    %dma_start3A_275 = tpu.memref_slice %arg5[%dma_start3A_270, %dma_start3A_274] : memref<64x128xi32, #tpu.memory_space<vmem>> -> memref<1x128xi32, #tpu.memory_space<vmem>>
    %dma_start3A_276 = tpu.memref_squeeze %dma_start3A_275 : memref<1x128xi32, #tpu.memory_space<vmem>> -> memref<128xi32, #tpu.memory_space<vmem>>
    %dma_start3A_277 = arith.constant 0 : i32
    %dma_start3A_278 = arith.constant 0 : i32
    %dma_start3A_279 = tpu.memref_slice %arg2[%dma_start3A_277, %dma_start3A_278] : memref<16384x8xf32, #tpu.memory_space<hbm>> -> memref<16384x8xf32, #tpu.memory_space<hbm>>
    tpu.enqueue_indirect_dma source(%dma_start3A_279 : memref<16384x8xf32, #tpu.memory_space<hbm>>) target(%dma_start3A_273 : memref<128x8xf32, #tpu.memory_space<vmem>>) offsets(%dma_start3A_276 : memref<128xi32, #tpu.memory_space<vmem>>) semaphore(%arg7 : memref<!tpu.dma_semaphore, #tpu.memory_space<semaphore_mem>>)
    %dma_start3A_280 = arith.constant 28 : i32
    %dma_start3A_281 = arith.constant 3584 : i32
    %dma_start3A_282 = arith.constant 0 : i32
    %dma_start3A_283 = tpu.memref_slice %arg6[%dma_start3A_281, %dma_start3A_282] : memref<8192x8xf32, #tpu.memory_space<vmem>> -> memref<128x8xf32, #tpu.memory_space<vmem>>
    %dma_start3A_284 = arith.constant 0 : i32
    %dma_start3A_285 = tpu.memref_slice %arg5[%dma_start3A_280, %dma_start3A_284] : memref<64x128xi32, #tpu.memory_space<vmem>> -> memref<1x128xi32, #tpu.memory_space<vmem>>
    %dma_start3A_286 = tpu.memref_squeeze %dma_start3A_285 : memref<1x128xi32, #tpu.memory_space<vmem>> -> memref<128xi32, #tpu.memory_space<vmem>>
    %dma_start3A_287 = arith.constant 0 : i32
    %dma_start3A_288 = arith.constant 0 : i32
    %dma_start3A_289 = tpu.memref_slice %arg2[%dma_start3A_287, %dma_start3A_288] : memref<16384x8xf32, #tpu.memory_space<hbm>> -> memref<16384x8xf32, #tpu.memory_space<hbm>>
    tpu.enqueue_indirect_dma source(%dma_start3A_289 : memref<16384x8xf32, #tpu.memory_space<hbm>>) target(%dma_start3A_283 : memref<128x8xf32, #tpu.memory_space<vmem>>) offsets(%dma_start3A_286 : memref<128xi32, #tpu.memory_space<vmem>>) semaphore(%arg7 : memref<!tpu.dma_semaphore, #tpu.memory_space<semaphore_mem>>)
    %dma_start3A_290 = arith.constant 29 : i32
    %dma_start3A_291 = arith.constant 3712 : i32
    %dma_start3A_292 = arith.constant 0 : i32
    %dma_start3A_293 = tpu.memref_slice %arg6[%dma_start3A_291, %dma_start3A_292] : memref<8192x8xf32, #tpu.memory_space<vmem>> -> memref<128x8xf32, #tpu.memory_space<vmem>>
    %dma_start3A_294 = arith.constant 0 : i32
    %dma_start3A_295 = tpu.memref_slice %arg5[%dma_start3A_290, %dma_start3A_294] : memref<64x128xi32, #tpu.memory_space<vmem>> -> memref<1x128xi32, #tpu.memory_space<vmem>>
    %dma_start3A_296 = tpu.memref_squeeze %dma_start3A_295 : memref<1x128xi32, #tpu.memory_space<vmem>> -> memref<128xi32, #tpu.memory_space<vmem>>
    %dma_start3A_297 = arith.constant 0 : i32
    %dma_start3A_298 = arith.constant 0 : i32
    %dma_start3A_299 = tpu.memref_slice %arg2[%dma_start3A_297, %dma_start3A_298] : memref<16384x8xf32, #tpu.memory_space<hbm>> -> memref<16384x8xf32, #tpu.memory_space<hbm>>
    tpu.enqueue_indirect_dma source(%dma_start3A_299 : memref<16384x8xf32, #tpu.memory_space<hbm>>) target(%dma_start3A_293 : memref<128x8xf32, #tpu.memory_space<vmem>>) offsets(%dma_start3A_296 : memref<128xi32, #tpu.memory_space<vmem>>) semaphore(%arg7 : memref<!tpu.dma_semaphore, #tpu.memory_space<semaphore_mem>>)
    %dma_start3A_300 = arith.constant 30 : i32
    %dma_start3A_301 = arith.constant 3840 : i32
    %dma_start3A_302 = arith.constant 0 : i32
    %dma_start3A_303 = tpu.memref_slice %arg6[%dma_start3A_301, %dma_start3A_302] : memref<8192x8xf32, #tpu.memory_space<vmem>> -> memref<128x8xf32, #tpu.memory_space<vmem>>
    %dma_start3A_304 = arith.constant 0 : i32
    %dma_start3A_305 = tpu.memref_slice %arg5[%dma_start3A_300, %dma_start3A_304] : memref<64x128xi32, #tpu.memory_space<vmem>> -> memref<1x128xi32, #tpu.memory_space<vmem>>
    %dma_start3A_306 = tpu.memref_squeeze %dma_start3A_305 : memref<1x128xi32, #tpu.memory_space<vmem>> -> memref<128xi32, #tpu.memory_space<vmem>>
    %dma_start3A_307 = arith.constant 0 : i32
    %dma_start3A_308 = arith.constant 0 : i32
    %dma_start3A_309 = tpu.memref_slice %arg2[%dma_start3A_307, %dma_start3A_308] : memref<16384x8xf32, #tpu.memory_space<hbm>> -> memref<16384x8xf32, #tpu.memory_space<hbm>>
    tpu.enqueue_indirect_dma source(%dma_start3A_309 : memref<16384x8xf32, #tpu.memory_space<hbm>>) target(%dma_start3A_303 : memref<128x8xf32, #tpu.memory_space<vmem>>) offsets(%dma_start3A_306 : memref<128xi32, #tpu.memory_space<vmem>>) semaphore(%arg7 : memref<!tpu.dma_semaphore, #tpu.memory_space<semaphore_mem>>)
    %dma_start3A_310 = arith.constant 31 : i32
    %dma_start3A_311 = arith.constant 3968 : i32
    %dma_start3A_312 = arith.constant 0 : i32
    %dma_start3A_313 = tpu.memref_slice %arg6[%dma_start3A_311, %dma_start3A_312] : memref<8192x8xf32, #tpu.memory_space<vmem>> -> memref<128x8xf32, #tpu.memory_space<vmem>>
    %dma_start3A_314 = arith.constant 0 : i32
    %dma_start3A_315 = tpu.memref_slice %arg5[%dma_start3A_310, %dma_start3A_314] : memref<64x128xi32, #tpu.memory_space<vmem>> -> memref<1x128xi32, #tpu.memory_space<vmem>>
    %dma_start3A_316 = tpu.memref_squeeze %dma_start3A_315 : memref<1x128xi32, #tpu.memory_space<vmem>> -> memref<128xi32, #tpu.memory_space<vmem>>
    %dma_start3A_317 = arith.constant 0 : i32
    %dma_start3A_318 = arith.constant 0 : i32
    %dma_start3A_319 = tpu.memref_slice %arg2[%dma_start3A_317, %dma_start3A_318] : memref<16384x8xf32, #tpu.memory_space<hbm>> -> memref<16384x8xf32, #tpu.memory_space<hbm>>
    tpu.enqueue_indirect_dma source(%dma_start3A_319 : memref<16384x8xf32, #tpu.memory_space<hbm>>) target(%dma_start3A_313 : memref<128x8xf32, #tpu.memory_space<vmem>>) offsets(%dma_start3A_316 : memref<128xi32, #tpu.memory_space<vmem>>) semaphore(%arg7 : memref<!tpu.dma_semaphore, #tpu.memory_space<semaphore_mem>>)
    %dma_start3A_320 = arith.constant 32 : i32
    %dma_start3A_321 = arith.constant 4096 : i32
    %dma_start3A_322 = arith.constant 0 : i32
    %dma_start3A_323 = tpu.memref_slice %arg6[%dma_start3A_321, %dma_start3A_322] : memref<8192x8xf32, #tpu.memory_space<vmem>> -> memref<128x8xf32, #tpu.memory_space<vmem>>
    %dma_start3A_324 = arith.constant 0 : i32
    %dma_start3A_325 = tpu.memref_slice %arg5[%dma_start3A_320, %dma_start3A_324] : memref<64x128xi32, #tpu.memory_space<vmem>> -> memref<1x128xi32, #tpu.memory_space<vmem>>
    %dma_start3A_326 = tpu.memref_squeeze %dma_start3A_325 : memref<1x128xi32, #tpu.memory_space<vmem>> -> memref<128xi32, #tpu.memory_space<vmem>>
    %dma_start3A_327 = arith.constant 0 : i32
    %dma_start3A_328 = arith.constant 0 : i32
    %dma_start3A_329 = tpu.memref_slice %arg2[%dma_start3A_327, %dma_start3A_328] : memref<16384x8xf32, #tpu.memory_space<hbm>> -> memref<16384x8xf32, #tpu.memory_space<hbm>>
    tpu.enqueue_indirect_dma source(%dma_start3A_329 : memref<16384x8xf32, #tpu.memory_space<hbm>>) target(%dma_start3A_323 : memref<128x8xf32, #tpu.memory_space<vmem>>) offsets(%dma_start3A_326 : memref<128xi32, #tpu.memory_space<vmem>>) semaphore(%arg7 : memref<!tpu.dma_semaphore, #tpu.memory_space<semaphore_mem>>)
    %dma_start3A_330 = arith.constant 33 : i32
    %dma_start3A_331 = arith.constant 4224 : i32
    %dma_start3A_332 = arith.constant 0 : i32
    %dma_start3A_333 = tpu.memref_slice %arg6[%dma_start3A_331, %dma_start3A_332] : memref<8192x8xf32, #tpu.memory_space<vmem>> -> memref<128x8xf32, #tpu.memory_space<vmem>>
    %dma_start3A_334 = arith.constant 0 : i32
    %dma_start3A_335 = tpu.memref_slice %arg5[%dma_start3A_330, %dma_start3A_334] : memref<64x128xi32, #tpu.memory_space<vmem>> -> memref<1x128xi32, #tpu.memory_space<vmem>>
    %dma_start3A_336 = tpu.memref_squeeze %dma_start3A_335 : memref<1x128xi32, #tpu.memory_space<vmem>> -> memref<128xi32, #tpu.memory_space<vmem>>
    %dma_start3A_337 = arith.constant 0 : i32
    %dma_start3A_338 = arith.constant 0 : i32
    %dma_start3A_339 = tpu.memref_slice %arg2[%dma_start3A_337, %dma_start3A_338] : memref<16384x8xf32, #tpu.memory_space<hbm>> -> memref<16384x8xf32, #tpu.memory_space<hbm>>
    tpu.enqueue_indirect_dma source(%dma_start3A_339 : memref<16384x8xf32, #tpu.memory_space<hbm>>) target(%dma_start3A_333 : memref<128x8xf32, #tpu.memory_space<vmem>>) offsets(%dma_start3A_336 : memref<128xi32, #tpu.memory_space<vmem>>) semaphore(%arg7 : memref<!tpu.dma_semaphore, #tpu.memory_space<semaphore_mem>>)
    %dma_start3A_340 = arith.constant 34 : i32
    %dma_start3A_341 = arith.constant 4352 : i32
    %dma_start3A_342 = arith.constant 0 : i32
    %dma_start3A_343 = tpu.memref_slice %arg6[%dma_start3A_341, %dma_start3A_342] : memref<8192x8xf32, #tpu.memory_space<vmem>> -> memref<128x8xf32, #tpu.memory_space<vmem>>
    %dma_start3A_344 = arith.constant 0 : i32
    %dma_start3A_345 = tpu.memref_slice %arg5[%dma_start3A_340, %dma_start3A_344] : memref<64x128xi32, #tpu.memory_space<vmem>> -> memref<1x128xi32, #tpu.memory_space<vmem>>
    %dma_start3A_346 = tpu.memref_squeeze %dma_start3A_345 : memref<1x128xi32, #tpu.memory_space<vmem>> -> memref<128xi32, #tpu.memory_space<vmem>>
    %dma_start3A_347 = arith.constant 0 : i32
    %dma_start3A_348 = arith.constant 0 : i32
    %dma_start3A_349 = tpu.memref_slice %arg2[%dma_start3A_347, %dma_start3A_348] : memref<16384x8xf32, #tpu.memory_space<hbm>> -> memref<16384x8xf32, #tpu.memory_space<hbm>>
    tpu.enqueue_indirect_dma source(%dma_start3A_349 : memref<16384x8xf32, #tpu.memory_space<hbm>>) target(%dma_start3A_343 : memref<128x8xf32, #tpu.memory_space<vmem>>) offsets(%dma_start3A_346 : memref<128xi32, #tpu.memory_space<vmem>>) semaphore(%arg7 : memref<!tpu.dma_semaphore, #tpu.memory_space<semaphore_mem>>)
    %dma_start3A_350 = arith.constant 35 : i32
    %dma_start3A_351 = arith.constant 4480 : i32
    %dma_start3A_352 = arith.constant 0 : i32
    %dma_start3A_353 = tpu.memref_slice %arg6[%dma_start3A_351, %dma_start3A_352] : memref<8192x8xf32, #tpu.memory_space<vmem>> -> memref<128x8xf32, #tpu.memory_space<vmem>>
    %dma_start3A_354 = arith.constant 0 : i32
    %dma_start3A_355 = tpu.memref_slice %arg5[%dma_start3A_350, %dma_start3A_354] : memref<64x128xi32, #tpu.memory_space<vmem>> -> memref<1x128xi32, #tpu.memory_space<vmem>>
    %dma_start3A_356 = tpu.memref_squeeze %dma_start3A_355 : memref<1x128xi32, #tpu.memory_space<vmem>> -> memref<128xi32, #tpu.memory_space<vmem>>
    %dma_start3A_357 = arith.constant 0 : i32
    %dma_start3A_358 = arith.constant 0 : i32
    %dma_start3A_359 = tpu.memref_slice %arg2[%dma_start3A_357, %dma_start3A_358] : memref<16384x8xf32, #tpu.memory_space<hbm>> -> memref<16384x8xf32, #tpu.memory_space<hbm>>
    tpu.enqueue_indirect_dma source(%dma_start3A_359 : memref<16384x8xf32, #tpu.memory_space<hbm>>) target(%dma_start3A_353 : memref<128x8xf32, #tpu.memory_space<vmem>>) offsets(%dma_start3A_356 : memref<128xi32, #tpu.memory_space<vmem>>) semaphore(%arg7 : memref<!tpu.dma_semaphore, #tpu.memory_space<semaphore_mem>>)
    %dma_start3A_360 = arith.constant 36 : i32
    %dma_start3A_361 = arith.constant 4608 : i32
    %dma_start3A_362 = arith.constant 0 : i32
    %dma_start3A_363 = tpu.memref_slice %arg6[%dma_start3A_361, %dma_start3A_362] : memref<8192x8xf32, #tpu.memory_space<vmem>> -> memref<128x8xf32, #tpu.memory_space<vmem>>
    %dma_start3A_364 = arith.constant 0 : i32
    %dma_start3A_365 = tpu.memref_slice %arg5[%dma_start3A_360, %dma_start3A_364] : memref<64x128xi32, #tpu.memory_space<vmem>> -> memref<1x128xi32, #tpu.memory_space<vmem>>
    %dma_start3A_366 = tpu.memref_squeeze %dma_start3A_365 : memref<1x128xi32, #tpu.memory_space<vmem>> -> memref<128xi32, #tpu.memory_space<vmem>>
    %dma_start3A_367 = arith.constant 0 : i32
    %dma_start3A_368 = arith.constant 0 : i32
    %dma_start3A_369 = tpu.memref_slice %arg2[%dma_start3A_367, %dma_start3A_368] : memref<16384x8xf32, #tpu.memory_space<hbm>> -> memref<16384x8xf32, #tpu.memory_space<hbm>>
    tpu.enqueue_indirect_dma source(%dma_start3A_369 : memref<16384x8xf32, #tpu.memory_space<hbm>>) target(%dma_start3A_363 : memref<128x8xf32, #tpu.memory_space<vmem>>) offsets(%dma_start3A_366 : memref<128xi32, #tpu.memory_space<vmem>>) semaphore(%arg7 : memref<!tpu.dma_semaphore, #tpu.memory_space<semaphore_mem>>)
    %dma_start3A_370 = arith.constant 37 : i32
    %dma_start3A_371 = arith.constant 4736 : i32
    %dma_start3A_372 = arith.constant 0 : i32
    %dma_start3A_373 = tpu.memref_slice %arg6[%dma_start3A_371, %dma_start3A_372] : memref<8192x8xf32, #tpu.memory_space<vmem>> -> memref<128x8xf32, #tpu.memory_space<vmem>>
    %dma_start3A_374 = arith.constant 0 : i32
    %dma_start3A_375 = tpu.memref_slice %arg5[%dma_start3A_370, %dma_start3A_374] : memref<64x128xi32, #tpu.memory_space<vmem>> -> memref<1x128xi32, #tpu.memory_space<vmem>>
    %dma_start3A_376 = tpu.memref_squeeze %dma_start3A_375 : memref<1x128xi32, #tpu.memory_space<vmem>> -> memref<128xi32, #tpu.memory_space<vmem>>
    %dma_start3A_377 = arith.constant 0 : i32
    %dma_start3A_378 = arith.constant 0 : i32
    %dma_start3A_379 = tpu.memref_slice %arg2[%dma_start3A_377, %dma_start3A_378] : memref<16384x8xf32, #tpu.memory_space<hbm>> -> memref<16384x8xf32, #tpu.memory_space<hbm>>
    tpu.enqueue_indirect_dma source(%dma_start3A_379 : memref<16384x8xf32, #tpu.memory_space<hbm>>) target(%dma_start3A_373 : memref<128x8xf32, #tpu.memory_space<vmem>>) offsets(%dma_start3A_376 : memref<128xi32, #tpu.memory_space<vmem>>) semaphore(%arg7 : memref<!tpu.dma_semaphore, #tpu.memory_space<semaphore_mem>>)
    %dma_start3A_380 = arith.constant 38 : i32
    %dma_start3A_381 = arith.constant 4864 : i32
    %dma_start3A_382 = arith.constant 0 : i32
    %dma_start3A_383 = tpu.memref_slice %arg6[%dma_start3A_381, %dma_start3A_382] : memref<8192x8xf32, #tpu.memory_space<vmem>> -> memref<128x8xf32, #tpu.memory_space<vmem>>
    %dma_start3A_384 = arith.constant 0 : i32
    %dma_start3A_385 = tpu.memref_slice %arg5[%dma_start3A_380, %dma_start3A_384] : memref<64x128xi32, #tpu.memory_space<vmem>> -> memref<1x128xi32, #tpu.memory_space<vmem>>
    %dma_start3A_386 = tpu.memref_squeeze %dma_start3A_385 : memref<1x128xi32, #tpu.memory_space<vmem>> -> memref<128xi32, #tpu.memory_space<vmem>>
    %dma_start3A_387 = arith.constant 0 : i32
    %dma_start3A_388 = arith.constant 0 : i32
    %dma_start3A_389 = tpu.memref_slice %arg2[%dma_start3A_387, %dma_start3A_388] : memref<16384x8xf32, #tpu.memory_space<hbm>> -> memref<16384x8xf32, #tpu.memory_space<hbm>>
    tpu.enqueue_indirect_dma source(%dma_start3A_389 : memref<16384x8xf32, #tpu.memory_space<hbm>>) target(%dma_start3A_383 : memref<128x8xf32, #tpu.memory_space<vmem>>) offsets(%dma_start3A_386 : memref<128xi32, #tpu.memory_space<vmem>>) semaphore(%arg7 : memref<!tpu.dma_semaphore, #tpu.memory_space<semaphore_mem>>)
    %dma_start3A_390 = arith.constant 39 : i32
    %dma_start3A_391 = arith.constant 4992 : i32
    %dma_start3A_392 = arith.constant 0 : i32
    %dma_start3A_393 = tpu.memref_slice %arg6[%dma_start3A_391, %dma_start3A_392] : memref<8192x8xf32, #tpu.memory_space<vmem>> -> memref<128x8xf32, #tpu.memory_space<vmem>>
    %dma_start3A_394 = arith.constant 0 : i32
    %dma_start3A_395 = tpu.memref_slice %arg5[%dma_start3A_390, %dma_start3A_394] : memref<64x128xi32, #tpu.memory_space<vmem>> -> memref<1x128xi32, #tpu.memory_space<vmem>>
    %dma_start3A_396 = tpu.memref_squeeze %dma_start3A_395 : memref<1x128xi32, #tpu.memory_space<vmem>> -> memref<128xi32, #tpu.memory_space<vmem>>
    %dma_start3A_397 = arith.constant 0 : i32
    %dma_start3A_398 = arith.constant 0 : i32
    %dma_start3A_399 = tpu.memref_slice %arg2[%dma_start3A_397, %dma_start3A_398] : memref<16384x8xf32, #tpu.memory_space<hbm>> -> memref<16384x8xf32, #tpu.memory_space<hbm>>
    tpu.enqueue_indirect_dma source(%dma_start3A_399 : memref<16384x8xf32, #tpu.memory_space<hbm>>) target(%dma_start3A_393 : memref<128x8xf32, #tpu.memory_space<vmem>>) offsets(%dma_start3A_396 : memref<128xi32, #tpu.memory_space<vmem>>) semaphore(%arg7 : memref<!tpu.dma_semaphore, #tpu.memory_space<semaphore_mem>>)
    %dma_start3A_400 = arith.constant 40 : i32
    %dma_start3A_401 = arith.constant 5120 : i32
    %dma_start3A_402 = arith.constant 0 : i32
    %dma_start3A_403 = tpu.memref_slice %arg6[%dma_start3A_401, %dma_start3A_402] : memref<8192x8xf32, #tpu.memory_space<vmem>> -> memref<128x8xf32, #tpu.memory_space<vmem>>
    %dma_start3A_404 = arith.constant 0 : i32
    %dma_start3A_405 = tpu.memref_slice %arg5[%dma_start3A_400, %dma_start3A_404] : memref<64x128xi32, #tpu.memory_space<vmem>> -> memref<1x128xi32, #tpu.memory_space<vmem>>
    %dma_start3A_406 = tpu.memref_squeeze %dma_start3A_405 : memref<1x128xi32, #tpu.memory_space<vmem>> -> memref<128xi32, #tpu.memory_space<vmem>>
    %dma_start3A_407 = arith.constant 0 : i32
    %dma_start3A_408 = arith.constant 0 : i32
    %dma_start3A_409 = tpu.memref_slice %arg2[%dma_start3A_407, %dma_start3A_408] : memref<16384x8xf32, #tpu.memory_space<hbm>> -> memref<16384x8xf32, #tpu.memory_space<hbm>>
    tpu.enqueue_indirect_dma source(%dma_start3A_409 : memref<16384x8xf32, #tpu.memory_space<hbm>>) target(%dma_start3A_403 : memref<128x8xf32, #tpu.memory_space<vmem>>) offsets(%dma_start3A_406 : memref<128xi32, #tpu.memory_space<vmem>>) semaphore(%arg7 : memref<!tpu.dma_semaphore, #tpu.memory_space<semaphore_mem>>)
    %dma_start3A_410 = arith.constant 41 : i32
    %dma_start3A_411 = arith.constant 5248 : i32
    %dma_start3A_412 = arith.constant 0 : i32
    %dma_start3A_413 = tpu.memref_slice %arg6[%dma_start3A_411, %dma_start3A_412] : memref<8192x8xf32, #tpu.memory_space<vmem>> -> memref<128x8xf32, #tpu.memory_space<vmem>>
    %dma_start3A_414 = arith.constant 0 : i32
    %dma_start3A_415 = tpu.memref_slice %arg5[%dma_start3A_410, %dma_start3A_414] : memref<64x128xi32, #tpu.memory_space<vmem>> -> memref<1x128xi32, #tpu.memory_space<vmem>>
    %dma_start3A_416 = tpu.memref_squeeze %dma_start3A_415 : memref<1x128xi32, #tpu.memory_space<vmem>> -> memref<128xi32, #tpu.memory_space<vmem>>
    %dma_start3A_417 = arith.constant 0 : i32
    %dma_start3A_418 = arith.constant 0 : i32
    %dma_start3A_419 = tpu.memref_slice %arg2[%dma_start3A_417, %dma_start3A_418] : memref<16384x8xf32, #tpu.memory_space<hbm>> -> memref<16384x8xf32, #tpu.memory_space<hbm>>
    tpu.enqueue_indirect_dma source(%dma_start3A_419 : memref<16384x8xf32, #tpu.memory_space<hbm>>) target(%dma_start3A_413 : memref<128x8xf32, #tpu.memory_space<vmem>>) offsets(%dma_start3A_416 : memref<128xi32, #tpu.memory_space<vmem>>) semaphore(%arg7 : memref<!tpu.dma_semaphore, #tpu.memory_space<semaphore_mem>>)
    %dma_start3A_420 = arith.constant 42 : i32
    %dma_start3A_421 = arith.constant 5376 : i32
    %dma_start3A_422 = arith.constant 0 : i32
    %dma_start3A_423 = tpu.memref_slice %arg6[%dma_start3A_421, %dma_start3A_422] : memref<8192x8xf32, #tpu.memory_space<vmem>> -> memref<128x8xf32, #tpu.memory_space<vmem>>
    %dma_start3A_424 = arith.constant 0 : i32
    %dma_start3A_425 = tpu.memref_slice %arg5[%dma_start3A_420, %dma_start3A_424] : memref<64x128xi32, #tpu.memory_space<vmem>> -> memref<1x128xi32, #tpu.memory_space<vmem>>
    %dma_start3A_426 = tpu.memref_squeeze %dma_start3A_425 : memref<1x128xi32, #tpu.memory_space<vmem>> -> memref<128xi32, #tpu.memory_space<vmem>>
    %dma_start3A_427 = arith.constant 0 : i32
    %dma_start3A_428 = arith.constant 0 : i32
    %dma_start3A_429 = tpu.memref_slice %arg2[%dma_start3A_427, %dma_start3A_428] : memref<16384x8xf32, #tpu.memory_space<hbm>> -> memref<16384x8xf32, #tpu.memory_space<hbm>>
    tpu.enqueue_indirect_dma source(%dma_start3A_429 : memref<16384x8xf32, #tpu.memory_space<hbm>>) target(%dma_start3A_423 : memref<128x8xf32, #tpu.memory_space<vmem>>) offsets(%dma_start3A_426 : memref<128xi32, #tpu.memory_space<vmem>>) semaphore(%arg7 : memref<!tpu.dma_semaphore, #tpu.memory_space<semaphore_mem>>)
    %dma_start3A_430 = arith.constant 43 : i32
    %dma_start3A_431 = arith.constant 5504 : i32
    %dma_start3A_432 = arith.constant 0 : i32
    %dma_start3A_433 = tpu.memref_slice %arg6[%dma_start3A_431, %dma_start3A_432] : memref<8192x8xf32, #tpu.memory_space<vmem>> -> memref<128x8xf32, #tpu.memory_space<vmem>>
    %dma_start3A_434 = arith.constant 0 : i32
    %dma_start3A_435 = tpu.memref_slice %arg5[%dma_start3A_430, %dma_start3A_434] : memref<64x128xi32, #tpu.memory_space<vmem>> -> memref<1x128xi32, #tpu.memory_space<vmem>>
    %dma_start3A_436 = tpu.memref_squeeze %dma_start3A_435 : memref<1x128xi32, #tpu.memory_space<vmem>> -> memref<128xi32, #tpu.memory_space<vmem>>
    %dma_start3A_437 = arith.constant 0 : i32
    %dma_start3A_438 = arith.constant 0 : i32
    %dma_start3A_439 = tpu.memref_slice %arg2[%dma_start3A_437, %dma_start3A_438] : memref<16384x8xf32, #tpu.memory_space<hbm>> -> memref<16384x8xf32, #tpu.memory_space<hbm>>
    tpu.enqueue_indirect_dma source(%dma_start3A_439 : memref<16384x8xf32, #tpu.memory_space<hbm>>) target(%dma_start3A_433 : memref<128x8xf32, #tpu.memory_space<vmem>>) offsets(%dma_start3A_436 : memref<128xi32, #tpu.memory_space<vmem>>) semaphore(%arg7 : memref<!tpu.dma_semaphore, #tpu.memory_space<semaphore_mem>>)
    %dma_start3A_440 = arith.constant 44 : i32
    %dma_start3A_441 = arith.constant 5632 : i32
    %dma_start3A_442 = arith.constant 0 : i32
    %dma_start3A_443 = tpu.memref_slice %arg6[%dma_start3A_441, %dma_start3A_442] : memref<8192x8xf32, #tpu.memory_space<vmem>> -> memref<128x8xf32, #tpu.memory_space<vmem>>
    %dma_start3A_444 = arith.constant 0 : i32
    %dma_start3A_445 = tpu.memref_slice %arg5[%dma_start3A_440, %dma_start3A_444] : memref<64x128xi32, #tpu.memory_space<vmem>> -> memref<1x128xi32, #tpu.memory_space<vmem>>
    %dma_start3A_446 = tpu.memref_squeeze %dma_start3A_445 : memref<1x128xi32, #tpu.memory_space<vmem>> -> memref<128xi32, #tpu.memory_space<vmem>>
    %dma_start3A_447 = arith.constant 0 : i32
    %dma_start3A_448 = arith.constant 0 : i32
    %dma_start3A_449 = tpu.memref_slice %arg2[%dma_start3A_447, %dma_start3A_448] : memref<16384x8xf32, #tpu.memory_space<hbm>> -> memref<16384x8xf32, #tpu.memory_space<hbm>>
    tpu.enqueue_indirect_dma source(%dma_start3A_449 : memref<16384x8xf32, #tpu.memory_space<hbm>>) target(%dma_start3A_443 : memref<128x8xf32, #tpu.memory_space<vmem>>) offsets(%dma_start3A_446 : memref<128xi32, #tpu.memory_space<vmem>>) semaphore(%arg7 : memref<!tpu.dma_semaphore, #tpu.memory_space<semaphore_mem>>)
    %dma_start3A_450 = arith.constant 45 : i32
    %dma_start3A_451 = arith.constant 5760 : i32
    %dma_start3A_452 = arith.constant 0 : i32
    %dma_start3A_453 = tpu.memref_slice %arg6[%dma_start3A_451, %dma_start3A_452] : memref<8192x8xf32, #tpu.memory_space<vmem>> -> memref<128x8xf32, #tpu.memory_space<vmem>>
    %dma_start3A_454 = arith.constant 0 : i32
    %dma_start3A_455 = tpu.memref_slice %arg5[%dma_start3A_450, %dma_start3A_454] : memref<64x128xi32, #tpu.memory_space<vmem>> -> memref<1x128xi32, #tpu.memory_space<vmem>>
    %dma_start3A_456 = tpu.memref_squeeze %dma_start3A_455 : memref<1x128xi32, #tpu.memory_space<vmem>> -> memref<128xi32, #tpu.memory_space<vmem>>
    %dma_start3A_457 = arith.constant 0 : i32
    %dma_start3A_458 = arith.constant 0 : i32
    %dma_start3A_459 = tpu.memref_slice %arg2[%dma_start3A_457, %dma_start3A_458] : memref<16384x8xf32, #tpu.memory_space<hbm>> -> memref<16384x8xf32, #tpu.memory_space<hbm>>
    tpu.enqueue_indirect_dma source(%dma_start3A_459 : memref<16384x8xf32, #tpu.memory_space<hbm>>) target(%dma_start3A_453 : memref<128x8xf32, #tpu.memory_space<vmem>>) offsets(%dma_start3A_456 : memref<128xi32, #tpu.memory_space<vmem>>) semaphore(%arg7 : memref<!tpu.dma_semaphore, #tpu.memory_space<semaphore_mem>>)
    %dma_start3A_460 = arith.constant 46 : i32
    %dma_start3A_461 = arith.constant 5888 : i32
    %dma_start3A_462 = arith.constant 0 : i32
    %dma_start3A_463 = tpu.memref_slice %arg6[%dma_start3A_461, %dma_start3A_462] : memref<8192x8xf32, #tpu.memory_space<vmem>> -> memref<128x8xf32, #tpu.memory_space<vmem>>
    %dma_start3A_464 = arith.constant 0 : i32
    %dma_start3A_465 = tpu.memref_slice %arg5[%dma_start3A_460, %dma_start3A_464] : memref<64x128xi32, #tpu.memory_space<vmem>> -> memref<1x128xi32, #tpu.memory_space<vmem>>
    %dma_start3A_466 = tpu.memref_squeeze %dma_start3A_465 : memref<1x128xi32, #tpu.memory_space<vmem>> -> memref<128xi32, #tpu.memory_space<vmem>>
    %dma_start3A_467 = arith.constant 0 : i32
    %dma_start3A_468 = arith.constant 0 : i32
    %dma_start3A_469 = tpu.memref_slice %arg2[%dma_start3A_467, %dma_start3A_468] : memref<16384x8xf32, #tpu.memory_space<hbm>> -> memref<16384x8xf32, #tpu.memory_space<hbm>>
    tpu.enqueue_indirect_dma source(%dma_start3A_469 : memref<16384x8xf32, #tpu.memory_space<hbm>>) target(%dma_start3A_463 : memref<128x8xf32, #tpu.memory_space<vmem>>) offsets(%dma_start3A_466 : memref<128xi32, #tpu.memory_space<vmem>>) semaphore(%arg7 : memref<!tpu.dma_semaphore, #tpu.memory_space<semaphore_mem>>)
    %dma_start3A_470 = arith.constant 47 : i32
    %dma_start3A_471 = arith.constant 6016 : i32
    %dma_start3A_472 = arith.constant 0 : i32
    %dma_start3A_473 = tpu.memref_slice %arg6[%dma_start3A_471, %dma_start3A_472] : memref<8192x8xf32, #tpu.memory_space<vmem>> -> memref<128x8xf32, #tpu.memory_space<vmem>>
    %dma_start3A_474 = arith.constant 0 : i32
    %dma_start3A_475 = tpu.memref_slice %arg5[%dma_start3A_470, %dma_start3A_474] : memref<64x128xi32, #tpu.memory_space<vmem>> -> memref<1x128xi32, #tpu.memory_space<vmem>>
    %dma_start3A_476 = tpu.memref_squeeze %dma_start3A_475 : memref<1x128xi32, #tpu.memory_space<vmem>> -> memref<128xi32, #tpu.memory_space<vmem>>
    %dma_start3A_477 = arith.constant 0 : i32
    %dma_start3A_478 = arith.constant 0 : i32
    %dma_start3A_479 = tpu.memref_slice %arg2[%dma_start3A_477, %dma_start3A_478] : memref<16384x8xf32, #tpu.memory_space<hbm>> -> memref<16384x8xf32, #tpu.memory_space<hbm>>
    tpu.enqueue_indirect_dma source(%dma_start3A_479 : memref<16384x8xf32, #tpu.memory_space<hbm>>) target(%dma_start3A_473 : memref<128x8xf32, #tpu.memory_space<vmem>>) offsets(%dma_start3A_476 : memref<128xi32, #tpu.memory_space<vmem>>) semaphore(%arg7 : memref<!tpu.dma_semaphore, #tpu.memory_space<semaphore_mem>>)
    %dma_start3A_480 = arith.constant 48 : i32
    %dma_start3A_481 = arith.constant 6144 : i32
    %dma_start3A_482 = arith.constant 0 : i32
    %dma_start3A_483 = tpu.memref_slice %arg6[%dma_start3A_481, %dma_start3A_482] : memref<8192x8xf32, #tpu.memory_space<vmem>> -> memref<128x8xf32, #tpu.memory_space<vmem>>
    %dma_start3A_484 = arith.constant 0 : i32
    %dma_start3A_485 = tpu.memref_slice %arg5[%dma_start3A_480, %dma_start3A_484] : memref<64x128xi32, #tpu.memory_space<vmem>> -> memref<1x128xi32, #tpu.memory_space<vmem>>
    %dma_start3A_486 = tpu.memref_squeeze %dma_start3A_485 : memref<1x128xi32, #tpu.memory_space<vmem>> -> memref<128xi32, #tpu.memory_space<vmem>>
    %dma_start3A_487 = arith.constant 0 : i32
    %dma_start3A_488 = arith.constant 0 : i32
    %dma_start3A_489 = tpu.memref_slice %arg2[%dma_start3A_487, %dma_start3A_488] : memref<16384x8xf32, #tpu.memory_space<hbm>> -> memref<16384x8xf32, #tpu.memory_space<hbm>>
    tpu.enqueue_indirect_dma source(%dma_start3A_489 : memref<16384x8xf32, #tpu.memory_space<hbm>>) target(%dma_start3A_483 : memref<128x8xf32, #tpu.memory_space<vmem>>) offsets(%dma_start3A_486 : memref<128xi32, #tpu.memory_space<vmem>>) semaphore(%arg7 : memref<!tpu.dma_semaphore, #tpu.memory_space<semaphore_mem>>)
    %dma_start3A_490 = arith.constant 49 : i32
    %dma_start3A_491 = arith.constant 6272 : i32
    %dma_start3A_492 = arith.constant 0 : i32
    %dma_start3A_493 = tpu.memref_slice %arg6[%dma_start3A_491, %dma_start3A_492] : memref<8192x8xf32, #tpu.memory_space<vmem>> -> memref<128x8xf32, #tpu.memory_space<vmem>>
    %dma_start3A_494 = arith.constant 0 : i32
    %dma_start3A_495 = tpu.memref_slice %arg5[%dma_start3A_490, %dma_start3A_494] : memref<64x128xi32, #tpu.memory_space<vmem>> -> memref<1x128xi32, #tpu.memory_space<vmem>>
    %dma_start3A_496 = tpu.memref_squeeze %dma_start3A_495 : memref<1x128xi32, #tpu.memory_space<vmem>> -> memref<128xi32, #tpu.memory_space<vmem>>
    %dma_start3A_497 = arith.constant 0 : i32
    %dma_start3A_498 = arith.constant 0 : i32
    %dma_start3A_499 = tpu.memref_slice %arg2[%dma_start3A_497, %dma_start3A_498] : memref<16384x8xf32, #tpu.memory_space<hbm>> -> memref<16384x8xf32, #tpu.memory_space<hbm>>
    tpu.enqueue_indirect_dma source(%dma_start3A_499 : memref<16384x8xf32, #tpu.memory_space<hbm>>) target(%dma_start3A_493 : memref<128x8xf32, #tpu.memory_space<vmem>>) offsets(%dma_start3A_496 : memref<128xi32, #tpu.memory_space<vmem>>) semaphore(%arg7 : memref<!tpu.dma_semaphore, #tpu.memory_space<semaphore_mem>>)
    %dma_start3A_500 = arith.constant 50 : i32
    %dma_start3A_501 = arith.constant 6400 : i32
    %dma_start3A_502 = arith.constant 0 : i32
    %dma_start3A_503 = tpu.memref_slice %arg6[%dma_start3A_501, %dma_start3A_502] : memref<8192x8xf32, #tpu.memory_space<vmem>> -> memref<128x8xf32, #tpu.memory_space<vmem>>
    %dma_start3A_504 = arith.constant 0 : i32
    %dma_start3A_505 = tpu.memref_slice %arg5[%dma_start3A_500, %dma_start3A_504] : memref<64x128xi32, #tpu.memory_space<vmem>> -> memref<1x128xi32, #tpu.memory_space<vmem>>
    %dma_start3A_506 = tpu.memref_squeeze %dma_start3A_505 : memref<1x128xi32, #tpu.memory_space<vmem>> -> memref<128xi32, #tpu.memory_space<vmem>>
    %dma_start3A_507 = arith.constant 0 : i32
    %dma_start3A_508 = arith.constant 0 : i32
    %dma_start3A_509 = tpu.memref_slice %arg2[%dma_start3A_507, %dma_start3A_508] : memref<16384x8xf32, #tpu.memory_space<hbm>> -> memref<16384x8xf32, #tpu.memory_space<hbm>>
    tpu.enqueue_indirect_dma source(%dma_start3A_509 : memref<16384x8xf32, #tpu.memory_space<hbm>>) target(%dma_start3A_503 : memref<128x8xf32, #tpu.memory_space<vmem>>) offsets(%dma_start3A_506 : memref<128xi32, #tpu.memory_space<vmem>>) semaphore(%arg7 : memref<!tpu.dma_semaphore, #tpu.memory_space<semaphore_mem>>)
    %dma_start3A_510 = arith.constant 51 : i32
    %dma_start3A_511 = arith.constant 6528 : i32
    %dma_start3A_512 = arith.constant 0 : i32
    %dma_start3A_513 = tpu.memref_slice %arg6[%dma_start3A_511, %dma_start3A_512] : memref<8192x8xf32, #tpu.memory_space<vmem>> -> memref<128x8xf32, #tpu.memory_space<vmem>>
    %dma_start3A_514 = arith.constant 0 : i32
    %dma_start3A_515 = tpu.memref_slice %arg5[%dma_start3A_510, %dma_start3A_514] : memref<64x128xi32, #tpu.memory_space<vmem>> -> memref<1x128xi32, #tpu.memory_space<vmem>>
    %dma_start3A_516 = tpu.memref_squeeze %dma_start3A_515 : memref<1x128xi32, #tpu.memory_space<vmem>> -> memref<128xi32, #tpu.memory_space<vmem>>
    %dma_start3A_517 = arith.constant 0 : i32
    %dma_start3A_518 = arith.constant 0 : i32
    %dma_start3A_519 = tpu.memref_slice %arg2[%dma_start3A_517, %dma_start3A_518] : memref<16384x8xf32, #tpu.memory_space<hbm>> -> memref<16384x8xf32, #tpu.memory_space<hbm>>
    tpu.enqueue_indirect_dma source(%dma_start3A_519 : memref<16384x8xf32, #tpu.memory_space<hbm>>) target(%dma_start3A_513 : memref<128x8xf32, #tpu.memory_space<vmem>>) offsets(%dma_start3A_516 : memref<128xi32, #tpu.memory_space<vmem>>) semaphore(%arg7 : memref<!tpu.dma_semaphore, #tpu.memory_space<semaphore_mem>>)
    %dma_start3A_520 = arith.constant 52 : i32
    %dma_start3A_521 = arith.constant 6656 : i32
    %dma_start3A_522 = arith.constant 0 : i32
    %dma_start3A_523 = tpu.memref_slice %arg6[%dma_start3A_521, %dma_start3A_522] : memref<8192x8xf32, #tpu.memory_space<vmem>> -> memref<128x8xf32, #tpu.memory_space<vmem>>
    %dma_start3A_524 = arith.constant 0 : i32
    %dma_start3A_525 = tpu.memref_slice %arg5[%dma_start3A_520, %dma_start3A_524] : memref<64x128xi32, #tpu.memory_space<vmem>> -> memref<1x128xi32, #tpu.memory_space<vmem>>
    %dma_start3A_526 = tpu.memref_squeeze %dma_start3A_525 : memref<1x128xi32, #tpu.memory_space<vmem>> -> memref<128xi32, #tpu.memory_space<vmem>>
    %dma_start3A_527 = arith.constant 0 : i32
    %dma_start3A_528 = arith.constant 0 : i32
    %dma_start3A_529 = tpu.memref_slice %arg2[%dma_start3A_527, %dma_start3A_528] : memref<16384x8xf32, #tpu.memory_space<hbm>> -> memref<16384x8xf32, #tpu.memory_space<hbm>>
    tpu.enqueue_indirect_dma source(%dma_start3A_529 : memref<16384x8xf32, #tpu.memory_space<hbm>>) target(%dma_start3A_523 : memref<128x8xf32, #tpu.memory_space<vmem>>) offsets(%dma_start3A_526 : memref<128xi32, #tpu.memory_space<vmem>>) semaphore(%arg7 : memref<!tpu.dma_semaphore, #tpu.memory_space<semaphore_mem>>)
    %dma_start3A_530 = arith.constant 53 : i32
    %dma_start3A_531 = arith.constant 6784 : i32
    %dma_start3A_532 = arith.constant 0 : i32
    %dma_start3A_533 = tpu.memref_slice %arg6[%dma_start3A_531, %dma_start3A_532] : memref<8192x8xf32, #tpu.memory_space<vmem>> -> memref<128x8xf32, #tpu.memory_space<vmem>>
    %dma_start3A_534 = arith.constant 0 : i32
    %dma_start3A_535 = tpu.memref_slice %arg5[%dma_start3A_530, %dma_start3A_534] : memref<64x128xi32, #tpu.memory_space<vmem>> -> memref<1x128xi32, #tpu.memory_space<vmem>>
    %dma_start3A_536 = tpu.memref_squeeze %dma_start3A_535 : memref<1x128xi32, #tpu.memory_space<vmem>> -> memref<128xi32, #tpu.memory_space<vmem>>
    %dma_start3A_537 = arith.constant 0 : i32
    %dma_start3A_538 = arith.constant 0 : i32
    %dma_start3A_539 = tpu.memref_slice %arg2[%dma_start3A_537, %dma_start3A_538] : memref<16384x8xf32, #tpu.memory_space<hbm>> -> memref<16384x8xf32, #tpu.memory_space<hbm>>
    tpu.enqueue_indirect_dma source(%dma_start3A_539 : memref<16384x8xf32, #tpu.memory_space<hbm>>) target(%dma_start3A_533 : memref<128x8xf32, #tpu.memory_space<vmem>>) offsets(%dma_start3A_536 : memref<128xi32, #tpu.memory_space<vmem>>) semaphore(%arg7 : memref<!tpu.dma_semaphore, #tpu.memory_space<semaphore_mem>>)
    %dma_start3A_540 = arith.constant 54 : i32
    %dma_start3A_541 = arith.constant 6912 : i32
    %dma_start3A_542 = arith.constant 0 : i32
    %dma_start3A_543 = tpu.memref_slice %arg6[%dma_start3A_541, %dma_start3A_542] : memref<8192x8xf32, #tpu.memory_space<vmem>> -> memref<128x8xf32, #tpu.memory_space<vmem>>
    %dma_start3A_544 = arith.constant 0 : i32
    %dma_start3A_545 = tpu.memref_slice %arg5[%dma_start3A_540, %dma_start3A_544] : memref<64x128xi32, #tpu.memory_space<vmem>> -> memref<1x128xi32, #tpu.memory_space<vmem>>
    %dma_start3A_546 = tpu.memref_squeeze %dma_start3A_545 : memref<1x128xi32, #tpu.memory_space<vmem>> -> memref<128xi32, #tpu.memory_space<vmem>>
    %dma_start3A_547 = arith.constant 0 : i32
    %dma_start3A_548 = arith.constant 0 : i32
    %dma_start3A_549 = tpu.memref_slice %arg2[%dma_start3A_547, %dma_start3A_548] : memref<16384x8xf32, #tpu.memory_space<hbm>> -> memref<16384x8xf32, #tpu.memory_space<hbm>>
    tpu.enqueue_indirect_dma source(%dma_start3A_549 : memref<16384x8xf32, #tpu.memory_space<hbm>>) target(%dma_start3A_543 : memref<128x8xf32, #tpu.memory_space<vmem>>) offsets(%dma_start3A_546 : memref<128xi32, #tpu.memory_space<vmem>>) semaphore(%arg7 : memref<!tpu.dma_semaphore, #tpu.memory_space<semaphore_mem>>)
    %dma_start3A_550 = arith.constant 55 : i32
    %dma_start3A_551 = arith.constant 7040 : i32
    %dma_start3A_552 = arith.constant 0 : i32
    %dma_start3A_553 = tpu.memref_slice %arg6[%dma_start3A_551, %dma_start3A_552] : memref<8192x8xf32, #tpu.memory_space<vmem>> -> memref<128x8xf32, #tpu.memory_space<vmem>>
    %dma_start3A_554 = arith.constant 0 : i32
    %dma_start3A_555 = tpu.memref_slice %arg5[%dma_start3A_550, %dma_start3A_554] : memref<64x128xi32, #tpu.memory_space<vmem>> -> memref<1x128xi32, #tpu.memory_space<vmem>>
    %dma_start3A_556 = tpu.memref_squeeze %dma_start3A_555 : memref<1x128xi32, #tpu.memory_space<vmem>> -> memref<128xi32, #tpu.memory_space<vmem>>
    %dma_start3A_557 = arith.constant 0 : i32
    %dma_start3A_558 = arith.constant 0 : i32
    %dma_start3A_559 = tpu.memref_slice %arg2[%dma_start3A_557, %dma_start3A_558] : memref<16384x8xf32, #tpu.memory_space<hbm>> -> memref<16384x8xf32, #tpu.memory_space<hbm>>
    tpu.enqueue_indirect_dma source(%dma_start3A_559 : memref<16384x8xf32, #tpu.memory_space<hbm>>) target(%dma_start3A_553 : memref<128x8xf32, #tpu.memory_space<vmem>>) offsets(%dma_start3A_556 : memref<128xi32, #tpu.memory_space<vmem>>) semaphore(%arg7 : memref<!tpu.dma_semaphore, #tpu.memory_space<semaphore_mem>>)
    %dma_start3A_560 = arith.constant 56 : i32
    %dma_start3A_561 = arith.constant 7168 : i32
    %dma_start3A_562 = arith.constant 0 : i32
    %dma_start3A_563 = tpu.memref_slice %arg6[%dma_start3A_561, %dma_start3A_562] : memref<8192x8xf32, #tpu.memory_space<vmem>> -> memref<128x8xf32, #tpu.memory_space<vmem>>
    %dma_start3A_564 = arith.constant 0 : i32
    %dma_start3A_565 = tpu.memref_slice %arg5[%dma_start3A_560, %dma_start3A_564] : memref<64x128xi32, #tpu.memory_space<vmem>> -> memref<1x128xi32, #tpu.memory_space<vmem>>
    %dma_start3A_566 = tpu.memref_squeeze %dma_start3A_565 : memref<1x128xi32, #tpu.memory_space<vmem>> -> memref<128xi32, #tpu.memory_space<vmem>>
    %dma_start3A_567 = arith.constant 0 : i32
    %dma_start3A_568 = arith.constant 0 : i32
    %dma_start3A_569 = tpu.memref_slice %arg2[%dma_start3A_567, %dma_start3A_568] : memref<16384x8xf32, #tpu.memory_space<hbm>> -> memref<16384x8xf32, #tpu.memory_space<hbm>>
    tpu.enqueue_indirect_dma source(%dma_start3A_569 : memref<16384x8xf32, #tpu.memory_space<hbm>>) target(%dma_start3A_563 : memref<128x8xf32, #tpu.memory_space<vmem>>) offsets(%dma_start3A_566 : memref<128xi32, #tpu.memory_space<vmem>>) semaphore(%arg7 : memref<!tpu.dma_semaphore, #tpu.memory_space<semaphore_mem>>)
    %dma_start3A_570 = arith.constant 57 : i32
    %dma_start3A_571 = arith.constant 7296 : i32
    %dma_start3A_572 = arith.constant 0 : i32
    %dma_start3A_573 = tpu.memref_slice %arg6[%dma_start3A_571, %dma_start3A_572] : memref<8192x8xf32, #tpu.memory_space<vmem>> -> memref<128x8xf32, #tpu.memory_space<vmem>>
    %dma_start3A_574 = arith.constant 0 : i32
    %dma_start3A_575 = tpu.memref_slice %arg5[%dma_start3A_570, %dma_start3A_574] : memref<64x128xi32, #tpu.memory_space<vmem>> -> memref<1x128xi32, #tpu.memory_space<vmem>>
    %dma_start3A_576 = tpu.memref_squeeze %dma_start3A_575 : memref<1x128xi32, #tpu.memory_space<vmem>> -> memref<128xi32, #tpu.memory_space<vmem>>
    %dma_start3A_577 = arith.constant 0 : i32
    %dma_start3A_578 = arith.constant 0 : i32
    %dma_start3A_579 = tpu.memref_slice %arg2[%dma_start3A_577, %dma_start3A_578] : memref<16384x8xf32, #tpu.memory_space<hbm>> -> memref<16384x8xf32, #tpu.memory_space<hbm>>
    tpu.enqueue_indirect_dma source(%dma_start3A_579 : memref<16384x8xf32, #tpu.memory_space<hbm>>) target(%dma_start3A_573 : memref<128x8xf32, #tpu.memory_space<vmem>>) offsets(%dma_start3A_576 : memref<128xi32, #tpu.memory_space<vmem>>) semaphore(%arg7 : memref<!tpu.dma_semaphore, #tpu.memory_space<semaphore_mem>>)
    %dma_start3A_580 = arith.constant 58 : i32
    %dma_start3A_581 = arith.constant 7424 : i32
    %dma_start3A_582 = arith.constant 0 : i32
    %dma_start3A_583 = tpu.memref_slice %arg6[%dma_start3A_581, %dma_start3A_582] : memref<8192x8xf32, #tpu.memory_space<vmem>> -> memref<128x8xf32, #tpu.memory_space<vmem>>
    %dma_start3A_584 = arith.constant 0 : i32
    %dma_start3A_585 = tpu.memref_slice %arg5[%dma_start3A_580, %dma_start3A_584] : memref<64x128xi32, #tpu.memory_space<vmem>> -> memref<1x128xi32, #tpu.memory_space<vmem>>
    %dma_start3A_586 = tpu.memref_squeeze %dma_start3A_585 : memref<1x128xi32, #tpu.memory_space<vmem>> -> memref<128xi32, #tpu.memory_space<vmem>>
    %dma_start3A_587 = arith.constant 0 : i32
    %dma_start3A_588 = arith.constant 0 : i32
    %dma_start3A_589 = tpu.memref_slice %arg2[%dma_start3A_587, %dma_start3A_588] : memref<16384x8xf32, #tpu.memory_space<hbm>> -> memref<16384x8xf32, #tpu.memory_space<hbm>>
    tpu.enqueue_indirect_dma source(%dma_start3A_589 : memref<16384x8xf32, #tpu.memory_space<hbm>>) target(%dma_start3A_583 : memref<128x8xf32, #tpu.memory_space<vmem>>) offsets(%dma_start3A_586 : memref<128xi32, #tpu.memory_space<vmem>>) semaphore(%arg7 : memref<!tpu.dma_semaphore, #tpu.memory_space<semaphore_mem>>)
    %dma_start3A_590 = arith.constant 59 : i32
    %dma_start3A_591 = arith.constant 7552 : i32
    %dma_start3A_592 = arith.constant 0 : i32
    %dma_start3A_593 = tpu.memref_slice %arg6[%dma_start3A_591, %dma_start3A_592] : memref<8192x8xf32, #tpu.memory_space<vmem>> -> memref<128x8xf32, #tpu.memory_space<vmem>>
    %dma_start3A_594 = arith.constant 0 : i32
    %dma_start3A_595 = tpu.memref_slice %arg5[%dma_start3A_590, %dma_start3A_594] : memref<64x128xi32, #tpu.memory_space<vmem>> -> memref<1x128xi32, #tpu.memory_space<vmem>>
    %dma_start3A_596 = tpu.memref_squeeze %dma_start3A_595 : memref<1x128xi32, #tpu.memory_space<vmem>> -> memref<128xi32, #tpu.memory_space<vmem>>
    %dma_start3A_597 = arith.constant 0 : i32
    %dma_start3A_598 = arith.constant 0 : i32
    %dma_start3A_599 = tpu.memref_slice %arg2[%dma_start3A_597, %dma_start3A_598] : memref<16384x8xf32, #tpu.memory_space<hbm>> -> memref<16384x8xf32, #tpu.memory_space<hbm>>
    tpu.enqueue_indirect_dma source(%dma_start3A_599 : memref<16384x8xf32, #tpu.memory_space<hbm>>) target(%dma_start3A_593 : memref<128x8xf32, #tpu.memory_space<vmem>>) offsets(%dma_start3A_596 : memref<128xi32, #tpu.memory_space<vmem>>) semaphore(%arg7 : memref<!tpu.dma_semaphore, #tpu.memory_space<semaphore_mem>>)
    %dma_start3A_600 = arith.constant 60 : i32
    %dma_start3A_601 = arith.constant 7680 : i32
    %dma_start3A_602 = arith.constant 0 : i32
    %dma_start3A_603 = tpu.memref_slice %arg6[%dma_start3A_601, %dma_start3A_602] : memref<8192x8xf32, #tpu.memory_space<vmem>> -> memref<128x8xf32, #tpu.memory_space<vmem>>
    %dma_start3A_604 = arith.constant 0 : i32
    %dma_start3A_605 = tpu.memref_slice %arg5[%dma_start3A_600, %dma_start3A_604] : memref<64x128xi32, #tpu.memory_space<vmem>> -> memref<1x128xi32, #tpu.memory_space<vmem>>
    %dma_start3A_606 = tpu.memref_squeeze %dma_start3A_605 : memref<1x128xi32, #tpu.memory_space<vmem>> -> memref<128xi32, #tpu.memory_space<vmem>>
    %dma_start3A_607 = arith.constant 0 : i32
    %dma_start3A_608 = arith.constant 0 : i32
    %dma_start3A_609 = tpu.memref_slice %arg2[%dma_start3A_607, %dma_start3A_608] : memref<16384x8xf32, #tpu.memory_space<hbm>> -> memref<16384x8xf32, #tpu.memory_space<hbm>>
    tpu.enqueue_indirect_dma source(%dma_start3A_609 : memref<16384x8xf32, #tpu.memory_space<hbm>>) target(%dma_start3A_603 : memref<128x8xf32, #tpu.memory_space<vmem>>) offsets(%dma_start3A_606 : memref<128xi32, #tpu.memory_space<vmem>>) semaphore(%arg7 : memref<!tpu.dma_semaphore, #tpu.memory_space<semaphore_mem>>)
    %dma_start3A_610 = arith.constant 61 : i32
    %dma_start3A_611 = arith.constant 7808 : i32
    %dma_start3A_612 = arith.constant 0 : i32
    %dma_start3A_613 = tpu.memref_slice %arg6[%dma_start3A_611, %dma_start3A_612] : memref<8192x8xf32, #tpu.memory_space<vmem>> -> memref<128x8xf32, #tpu.memory_space<vmem>>
    %dma_start3A_614 = arith.constant 0 : i32
    %dma_start3A_615 = tpu.memref_slice %arg5[%dma_start3A_610, %dma_start3A_614] : memref<64x128xi32, #tpu.memory_space<vmem>> -> memref<1x128xi32, #tpu.memory_space<vmem>>
    %dma_start3A_616 = tpu.memref_squeeze %dma_start3A_615 : memref<1x128xi32, #tpu.memory_space<vmem>> -> memref<128xi32, #tpu.memory_space<vmem>>
    %dma_start3A_617 = arith.constant 0 : i32
    %dma_start3A_618 = arith.constant 0 : i32
    %dma_start3A_619 = tpu.memref_slice %arg2[%dma_start3A_617, %dma_start3A_618] : memref<16384x8xf32, #tpu.memory_space<hbm>> -> memref<16384x8xf32, #tpu.memory_space<hbm>>
    tpu.enqueue_indirect_dma source(%dma_start3A_619 : memref<16384x8xf32, #tpu.memory_space<hbm>>) target(%dma_start3A_613 : memref<128x8xf32, #tpu.memory_space<vmem>>) offsets(%dma_start3A_616 : memref<128xi32, #tpu.memory_space<vmem>>) semaphore(%arg7 : memref<!tpu.dma_semaphore, #tpu.memory_space<semaphore_mem>>)
    %dma_start3A_620 = arith.constant 62 : i32
    %dma_start3A_621 = arith.constant 7936 : i32
    %dma_start3A_622 = arith.constant 0 : i32
    %dma_start3A_623 = tpu.memref_slice %arg6[%dma_start3A_621, %dma_start3A_622] : memref<8192x8xf32, #tpu.memory_space<vmem>> -> memref<128x8xf32, #tpu.memory_space<vmem>>
    %dma_start3A_624 = arith.constant 0 : i32
    %dma_start3A_625 = tpu.memref_slice %arg5[%dma_start3A_620, %dma_start3A_624] : memref<64x128xi32, #tpu.memory_space<vmem>> -> memref<1x128xi32, #tpu.memory_space<vmem>>
    %dma_start3A_626 = tpu.memref_squeeze %dma_start3A_625 : memref<1x128xi32, #tpu.memory_space<vmem>> -> memref<128xi32, #tpu.memory_space<vmem>>
    %dma_start3A_627 = arith.constant 0 : i32
    %dma_start3A_628 = arith.constant 0 : i32
    %dma_start3A_629 = tpu.memref_slice %arg2[%dma_start3A_627, %dma_start3A_628] : memref<16384x8xf32, #tpu.memory_space<hbm>> -> memref<16384x8xf32, #tpu.memory_space<hbm>>
    tpu.enqueue_indirect_dma source(%dma_start3A_629 : memref<16384x8xf32, #tpu.memory_space<hbm>>) target(%dma_start3A_623 : memref<128x8xf32, #tpu.memory_space<vmem>>) offsets(%dma_start3A_626 : memref<128xi32, #tpu.memory_space<vmem>>) semaphore(%arg7 : memref<!tpu.dma_semaphore, #tpu.memory_space<semaphore_mem>>)
    %dma_start3A_630 = arith.constant 63 : i32
    %dma_start3A_631 = arith.constant 8064 : i32
    %dma_start3A_632 = arith.constant 0 : i32
    %dma_start3A_633 = tpu.memref_slice %arg6[%dma_start3A_631, %dma_start3A_632] : memref<8192x8xf32, #tpu.memory_space<vmem>> -> memref<128x8xf32, #tpu.memory_space<vmem>>
    %dma_start3A_634 = arith.constant 0 : i32
    %dma_start3A_635 = tpu.memref_slice %arg5[%dma_start3A_630, %dma_start3A_634] : memref<64x128xi32, #tpu.memory_space<vmem>> -> memref<1x128xi32, #tpu.memory_space<vmem>>
    %dma_start3A_636 = tpu.memref_squeeze %dma_start3A_635 : memref<1x128xi32, #tpu.memory_space<vmem>> -> memref<128xi32, #tpu.memory_space<vmem>>
    %dma_start3A_637 = arith.constant 0 : i32
    %dma_start3A_638 = arith.constant 0 : i32
    %dma_start3A_639 = tpu.memref_slice %arg2[%dma_start3A_637, %dma_start3A_638] : memref<16384x8xf32, #tpu.memory_space<hbm>> -> memref<16384x8xf32, #tpu.memory_space<hbm>>
    tpu.enqueue_indirect_dma source(%dma_start3A_639 : memref<16384x8xf32, #tpu.memory_space<hbm>>) target(%dma_start3A_633 : memref<128x8xf32, #tpu.memory_space<vmem>>) offsets(%dma_start3A_636 : memref<128xi32, #tpu.memory_space<vmem>>) semaphore(%arg7 : memref<!tpu.dma_semaphore, #tpu.memory_space<semaphore_mem>>)
    %dma_wait3A = arith.constant 0 : i32
    %dma_wait3A_640 = arith.constant 0 : i32
    %dma_wait3A_641 = arith.constant 0 : i32
    %dma_wait3A_642 = tpu.memref_slice %arg6[%dma_wait3A_640, %dma_wait3A_641] : memref<8192x8xf32, #tpu.memory_space<vmem>> -> memref<128x8xf32, #tpu.memory_space<vmem>>
    %dma_wait3A_643 = arith.constant 0 : i32
    %dma_wait3A_644 = tpu.memref_slice %arg5[%dma_wait3A, %dma_wait3A_643] : memref<64x128xi32, #tpu.memory_space<vmem>> -> memref<1x128xi32, #tpu.memory_space<vmem>>
    %dma_wait3A_645 = tpu.memref_squeeze %dma_wait3A_644 : memref<1x128xi32, #tpu.memory_space<vmem>> -> memref<128xi32, #tpu.memory_space<vmem>>
    %dma_wait3A_646 = arith.constant 0 : i32
    %dma_wait3A_647 = arith.constant 0 : i32
    %dma_wait3A_648 = tpu.memref_slice %arg2[%dma_wait3A_646, %dma_wait3A_647] : memref<16384x8xf32, #tpu.memory_space<hbm>> -> memref<16384x8xf32, #tpu.memory_space<hbm>>
    tpu.wait_indirect_dma semaphore(%arg7 : memref<!tpu.dma_semaphore, #tpu.memory_space<semaphore_mem>>) src(%dma_wait3A_648 : memref<16384x8xf32, #tpu.memory_space<hbm>>) dst(%dma_wait3A_642 : memref<128x8xf32, #tpu.memory_space<vmem>>)
    %dma_wait3A_649 = arith.constant 1 : i32
    %dma_wait3A_650 = arith.constant 128 : i32
    %dma_wait3A_651 = arith.constant 0 : i32
    %dma_wait3A_652 = tpu.memref_slice %arg6[%dma_wait3A_650, %dma_wait3A_651] : memref<8192x8xf32, #tpu.memory_space<vmem>> -> memref<128x8xf32, #tpu.memory_space<vmem>>
    %dma_wait3A_653 = arith.constant 0 : i32
    %dma_wait3A_654 = tpu.memref_slice %arg5[%dma_wait3A_649, %dma_wait3A_653] : memref<64x128xi32, #tpu.memory_space<vmem>> -> memref<1x128xi32, #tpu.memory_space<vmem>>
    %dma_wait3A_655 = tpu.memref_squeeze %dma_wait3A_654 : memref<1x128xi32, #tpu.memory_space<vmem>> -> memref<128xi32, #tpu.memory_space<vmem>>
    %dma_wait3A_656 = arith.constant 0 : i32
    %dma_wait3A_657 = arith.constant 0 : i32
    %dma_wait3A_658 = tpu.memref_slice %arg2[%dma_wait3A_656, %dma_wait3A_657] : memref<16384x8xf32, #tpu.memory_space<hbm>> -> memref<16384x8xf32, #tpu.memory_space<hbm>>
    tpu.wait_indirect_dma semaphore(%arg7 : memref<!tpu.dma_semaphore, #tpu.memory_space<semaphore_mem>>) src(%dma_wait3A_658 : memref<16384x8xf32, #tpu.memory_space<hbm>>) dst(%dma_wait3A_652 : memref<128x8xf32, #tpu.memory_space<vmem>>)
    %dma_wait3A_659 = arith.constant 2 : i32
    %dma_wait3A_660 = arith.constant 256 : i32
    %dma_wait3A_661 = arith.constant 0 : i32
    %dma_wait3A_662 = tpu.memref_slice %arg6[%dma_wait3A_660, %dma_wait3A_661] : memref<8192x8xf32, #tpu.memory_space<vmem>> -> memref<128x8xf32, #tpu.memory_space<vmem>>
    %dma_wait3A_663 = arith.constant 0 : i32
    %dma_wait3A_664 = tpu.memref_slice %arg5[%dma_wait3A_659, %dma_wait3A_663] : memref<64x128xi32, #tpu.memory_space<vmem>> -> memref<1x128xi32, #tpu.memory_space<vmem>>
    %dma_wait3A_665 = tpu.memref_squeeze %dma_wait3A_664 : memref<1x128xi32, #tpu.memory_space<vmem>> -> memref<128xi32, #tpu.memory_space<vmem>>
    %dma_wait3A_666 = arith.constant 0 : i32
    %dma_wait3A_667 = arith.constant 0 : i32
    %dma_wait3A_668 = tpu.memref_slice %arg2[%dma_wait3A_666, %dma_wait3A_667] : memref<16384x8xf32, #tpu.memory_space<hbm>> -> memref<16384x8xf32, #tpu.memory_space<hbm>>
    tpu.wait_indirect_dma semaphore(%arg7 : memref<!tpu.dma_semaphore, #tpu.memory_space<semaphore_mem>>) src(%dma_wait3A_668 : memref<16384x8xf32, #tpu.memory_space<hbm>>) dst(%dma_wait3A_662 : memref<128x8xf32, #tpu.memory_space<vmem>>)
    %dma_wait3A_669 = arith.constant 3 : i32
    %dma_wait3A_670 = arith.constant 384 : i32
    %dma_wait3A_671 = arith.constant 0 : i32
    %dma_wait3A_672 = tpu.memref_slice %arg6[%dma_wait3A_670, %dma_wait3A_671] : memref<8192x8xf32, #tpu.memory_space<vmem>> -> memref<128x8xf32, #tpu.memory_space<vmem>>
    %dma_wait3A_673 = arith.constant 0 : i32
    %dma_wait3A_674 = tpu.memref_slice %arg5[%dma_wait3A_669, %dma_wait3A_673] : memref<64x128xi32, #tpu.memory_space<vmem>> -> memref<1x128xi32, #tpu.memory_space<vmem>>
    %dma_wait3A_675 = tpu.memref_squeeze %dma_wait3A_674 : memref<1x128xi32, #tpu.memory_space<vmem>> -> memref<128xi32, #tpu.memory_space<vmem>>
    %dma_wait3A_676 = arith.constant 0 : i32
    %dma_wait3A_677 = arith.constant 0 : i32
    %dma_wait3A_678 = tpu.memref_slice %arg2[%dma_wait3A_676, %dma_wait3A_677] : memref<16384x8xf32, #tpu.memory_space<hbm>> -> memref<16384x8xf32, #tpu.memory_space<hbm>>
    tpu.wait_indirect_dma semaphore(%arg7 : memref<!tpu.dma_semaphore, #tpu.memory_space<semaphore_mem>>) src(%dma_wait3A_678 : memref<16384x8xf32, #tpu.memory_space<hbm>>) dst(%dma_wait3A_672 : memref<128x8xf32, #tpu.memory_space<vmem>>)
    %dma_wait3A_679 = arith.constant 4 : i32
    %dma_wait3A_680 = arith.constant 512 : i32
    %dma_wait3A_681 = arith.constant 0 : i32
    %dma_wait3A_682 = tpu.memref_slice %arg6[%dma_wait3A_680, %dma_wait3A_681] : memref<8192x8xf32, #tpu.memory_space<vmem>> -> memref<128x8xf32, #tpu.memory_space<vmem>>
    %dma_wait3A_683 = arith.constant 0 : i32
    %dma_wait3A_684 = tpu.memref_slice %arg5[%dma_wait3A_679, %dma_wait3A_683] : memref<64x128xi32, #tpu.memory_space<vmem>> -> memref<1x128xi32, #tpu.memory_space<vmem>>
    %dma_wait3A_685 = tpu.memref_squeeze %dma_wait3A_684 : memref<1x128xi32, #tpu.memory_space<vmem>> -> memref<128xi32, #tpu.memory_space<vmem>>
    %dma_wait3A_686 = arith.constant 0 : i32
    %dma_wait3A_687 = arith.constant 0 : i32
    %dma_wait3A_688 = tpu.memref_slice %arg2[%dma_wait3A_686, %dma_wait3A_687] : memref<16384x8xf32, #tpu.memory_space<hbm>> -> memref<16384x8xf32, #tpu.memory_space<hbm>>
    tpu.wait_indirect_dma semaphore(%arg7 : memref<!tpu.dma_semaphore, #tpu.memory_space<semaphore_mem>>) src(%dma_wait3A_688 : memref<16384x8xf32, #tpu.memory_space<hbm>>) dst(%dma_wait3A_682 : memref<128x8xf32, #tpu.memory_space<vmem>>)
    %dma_wait3A_689 = arith.constant 5 : i32
    %dma_wait3A_690 = arith.constant 640 : i32
    %dma_wait3A_691 = arith.constant 0 : i32
    %dma_wait3A_692 = tpu.memref_slice %arg6[%dma_wait3A_690, %dma_wait3A_691] : memref<8192x8xf32, #tpu.memory_space<vmem>> -> memref<128x8xf32, #tpu.memory_space<vmem>>
    %dma_wait3A_693 = arith.constant 0 : i32
    %dma_wait3A_694 = tpu.memref_slice %arg5[%dma_wait3A_689, %dma_wait3A_693] : memref<64x128xi32, #tpu.memory_space<vmem>> -> memref<1x128xi32, #tpu.memory_space<vmem>>
    %dma_wait3A_695 = tpu.memref_squeeze %dma_wait3A_694 : memref<1x128xi32, #tpu.memory_space<vmem>> -> memref<128xi32, #tpu.memory_space<vmem>>
    %dma_wait3A_696 = arith.constant 0 : i32
    %dma_wait3A_697 = arith.constant 0 : i32
    %dma_wait3A_698 = tpu.memref_slice %arg2[%dma_wait3A_696, %dma_wait3A_697] : memref<16384x8xf32, #tpu.memory_space<hbm>> -> memref<16384x8xf32, #tpu.memory_space<hbm>>
    tpu.wait_indirect_dma semaphore(%arg7 : memref<!tpu.dma_semaphore, #tpu.memory_space<semaphore_mem>>) src(%dma_wait3A_698 : memref<16384x8xf32, #tpu.memory_space<hbm>>) dst(%dma_wait3A_692 : memref<128x8xf32, #tpu.memory_space<vmem>>)
    %dma_wait3A_699 = arith.constant 6 : i32
    %dma_wait3A_700 = arith.constant 768 : i32
    %dma_wait3A_701 = arith.constant 0 : i32
    %dma_wait3A_702 = tpu.memref_slice %arg6[%dma_wait3A_700, %dma_wait3A_701] : memref<8192x8xf32, #tpu.memory_space<vmem>> -> memref<128x8xf32, #tpu.memory_space<vmem>>
    %dma_wait3A_703 = arith.constant 0 : i32
    %dma_wait3A_704 = tpu.memref_slice %arg5[%dma_wait3A_699, %dma_wait3A_703] : memref<64x128xi32, #tpu.memory_space<vmem>> -> memref<1x128xi32, #tpu.memory_space<vmem>>
    %dma_wait3A_705 = tpu.memref_squeeze %dma_wait3A_704 : memref<1x128xi32, #tpu.memory_space<vmem>> -> memref<128xi32, #tpu.memory_space<vmem>>
    %dma_wait3A_706 = arith.constant 0 : i32
    %dma_wait3A_707 = arith.constant 0 : i32
    %dma_wait3A_708 = tpu.memref_slice %arg2[%dma_wait3A_706, %dma_wait3A_707] : memref<16384x8xf32, #tpu.memory_space<hbm>> -> memref<16384x8xf32, #tpu.memory_space<hbm>>
    tpu.wait_indirect_dma semaphore(%arg7 : memref<!tpu.dma_semaphore, #tpu.memory_space<semaphore_mem>>) src(%dma_wait3A_708 : memref<16384x8xf32, #tpu.memory_space<hbm>>) dst(%dma_wait3A_702 : memref<128x8xf32, #tpu.memory_space<vmem>>)
    %dma_wait3A_709 = arith.constant 7 : i32
    %dma_wait3A_710 = arith.constant 896 : i32
    %dma_wait3A_711 = arith.constant 0 : i32
    %dma_wait3A_712 = tpu.memref_slice %arg6[%dma_wait3A_710, %dma_wait3A_711] : memref<8192x8xf32, #tpu.memory_space<vmem>> -> memref<128x8xf32, #tpu.memory_space<vmem>>
    %dma_wait3A_713 = arith.constant 0 : i32
    %dma_wait3A_714 = tpu.memref_slice %arg5[%dma_wait3A_709, %dma_wait3A_713] : memref<64x128xi32, #tpu.memory_space<vmem>> -> memref<1x128xi32, #tpu.memory_space<vmem>>
    %dma_wait3A_715 = tpu.memref_squeeze %dma_wait3A_714 : memref<1x128xi32, #tpu.memory_space<vmem>> -> memref<128xi32, #tpu.memory_space<vmem>>
    %dma_wait3A_716 = arith.constant 0 : i32
    %dma_wait3A_717 = arith.constant 0 : i32
    %dma_wait3A_718 = tpu.memref_slice %arg2[%dma_wait3A_716, %dma_wait3A_717] : memref<16384x8xf32, #tpu.memory_space<hbm>> -> memref<16384x8xf32, #tpu.memory_space<hbm>>
    tpu.wait_indirect_dma semaphore(%arg7 : memref<!tpu.dma_semaphore, #tpu.memory_space<semaphore_mem>>) src(%dma_wait3A_718 : memref<16384x8xf32, #tpu.memory_space<hbm>>) dst(%dma_wait3A_712 : memref<128x8xf32, #tpu.memory_space<vmem>>)
    %dma_wait3A_719 = arith.constant 8 : i32
    %dma_wait3A_720 = arith.constant 1024 : i32
    %dma_wait3A_721 = arith.constant 0 : i32
    %dma_wait3A_722 = tpu.memref_slice %arg6[%dma_wait3A_720, %dma_wait3A_721] : memref<8192x8xf32, #tpu.memory_space<vmem>> -> memref<128x8xf32, #tpu.memory_space<vmem>>
    %dma_wait3A_723 = arith.constant 0 : i32
    %dma_wait3A_724 = tpu.memref_slice %arg5[%dma_wait3A_719, %dma_wait3A_723] : memref<64x128xi32, #tpu.memory_space<vmem>> -> memref<1x128xi32, #tpu.memory_space<vmem>>
    %dma_wait3A_725 = tpu.memref_squeeze %dma_wait3A_724 : memref<1x128xi32, #tpu.memory_space<vmem>> -> memref<128xi32, #tpu.memory_space<vmem>>
    %dma_wait3A_726 = arith.constant 0 : i32
    %dma_wait3A_727 = arith.constant 0 : i32
    %dma_wait3A_728 = tpu.memref_slice %arg2[%dma_wait3A_726, %dma_wait3A_727] : memref<16384x8xf32, #tpu.memory_space<hbm>> -> memref<16384x8xf32, #tpu.memory_space<hbm>>
    tpu.wait_indirect_dma semaphore(%arg7 : memref<!tpu.dma_semaphore, #tpu.memory_space<semaphore_mem>>) src(%dma_wait3A_728 : memref<16384x8xf32, #tpu.memory_space<hbm>>) dst(%dma_wait3A_722 : memref<128x8xf32, #tpu.memory_space<vmem>>)
    %dma_wait3A_729 = arith.constant 9 : i32
    %dma_wait3A_730 = arith.constant 1152 : i32
    %dma_wait3A_731 = arith.constant 0 : i32
    %dma_wait3A_732 = tpu.memref_slice %arg6[%dma_wait3A_730, %dma_wait3A_731] : memref<8192x8xf32, #tpu.memory_space<vmem>> -> memref<128x8xf32, #tpu.memory_space<vmem>>
    %dma_wait3A_733 = arith.constant 0 : i32
    %dma_wait3A_734 = tpu.memref_slice %arg5[%dma_wait3A_729, %dma_wait3A_733] : memref<64x128xi32, #tpu.memory_space<vmem>> -> memref<1x128xi32, #tpu.memory_space<vmem>>
    %dma_wait3A_735 = tpu.memref_squeeze %dma_wait3A_734 : memref<1x128xi32, #tpu.memory_space<vmem>> -> memref<128xi32, #tpu.memory_space<vmem>>
    %dma_wait3A_736 = arith.constant 0 : i32
    %dma_wait3A_737 = arith.constant 0 : i32
    %dma_wait3A_738 = tpu.memref_slice %arg2[%dma_wait3A_736, %dma_wait3A_737] : memref<16384x8xf32, #tpu.memory_space<hbm>> -> memref<16384x8xf32, #tpu.memory_space<hbm>>
    tpu.wait_indirect_dma semaphore(%arg7 : memref<!tpu.dma_semaphore, #tpu.memory_space<semaphore_mem>>) src(%dma_wait3A_738 : memref<16384x8xf32, #tpu.memory_space<hbm>>) dst(%dma_wait3A_732 : memref<128x8xf32, #tpu.memory_space<vmem>>)
    %dma_wait3A_739 = arith.constant 10 : i32
    %dma_wait3A_740 = arith.constant 1280 : i32
    %dma_wait3A_741 = arith.constant 0 : i32
    %dma_wait3A_742 = tpu.memref_slice %arg6[%dma_wait3A_740, %dma_wait3A_741] : memref<8192x8xf32, #tpu.memory_space<vmem>> -> memref<128x8xf32, #tpu.memory_space<vmem>>
    %dma_wait3A_743 = arith.constant 0 : i32
    %dma_wait3A_744 = tpu.memref_slice %arg5[%dma_wait3A_739, %dma_wait3A_743] : memref<64x128xi32, #tpu.memory_space<vmem>> -> memref<1x128xi32, #tpu.memory_space<vmem>>
    %dma_wait3A_745 = tpu.memref_squeeze %dma_wait3A_744 : memref<1x128xi32, #tpu.memory_space<vmem>> -> memref<128xi32, #tpu.memory_space<vmem>>
    %dma_wait3A_746 = arith.constant 0 : i32
    %dma_wait3A_747 = arith.constant 0 : i32
    %dma_wait3A_748 = tpu.memref_slice %arg2[%dma_wait3A_746, %dma_wait3A_747] : memref<16384x8xf32, #tpu.memory_space<hbm>> -> memref<16384x8xf32, #tpu.memory_space<hbm>>
    tpu.wait_indirect_dma semaphore(%arg7 : memref<!tpu.dma_semaphore, #tpu.memory_space<semaphore_mem>>) src(%dma_wait3A_748 : memref<16384x8xf32, #tpu.memory_space<hbm>>) dst(%dma_wait3A_742 : memref<128x8xf32, #tpu.memory_space<vmem>>)
    %dma_wait3A_749 = arith.constant 11 : i32
    %dma_wait3A_750 = arith.constant 1408 : i32
    %dma_wait3A_751 = arith.constant 0 : i32
    %dma_wait3A_752 = tpu.memref_slice %arg6[%dma_wait3A_750, %dma_wait3A_751] : memref<8192x8xf32, #tpu.memory_space<vmem>> -> memref<128x8xf32, #tpu.memory_space<vmem>>
    %dma_wait3A_753 = arith.constant 0 : i32
    %dma_wait3A_754 = tpu.memref_slice %arg5[%dma_wait3A_749, %dma_wait3A_753] : memref<64x128xi32, #tpu.memory_space<vmem>> -> memref<1x128xi32, #tpu.memory_space<vmem>>
    %dma_wait3A_755 = tpu.memref_squeeze %dma_wait3A_754 : memref<1x128xi32, #tpu.memory_space<vmem>> -> memref<128xi32, #tpu.memory_space<vmem>>
    %dma_wait3A_756 = arith.constant 0 : i32
    %dma_wait3A_757 = arith.constant 0 : i32
    %dma_wait3A_758 = tpu.memref_slice %arg2[%dma_wait3A_756, %dma_wait3A_757] : memref<16384x8xf32, #tpu.memory_space<hbm>> -> memref<16384x8xf32, #tpu.memory_space<hbm>>
    tpu.wait_indirect_dma semaphore(%arg7 : memref<!tpu.dma_semaphore, #tpu.memory_space<semaphore_mem>>) src(%dma_wait3A_758 : memref<16384x8xf32, #tpu.memory_space<hbm>>) dst(%dma_wait3A_752 : memref<128x8xf32, #tpu.memory_space<vmem>>)
    %dma_wait3A_759 = arith.constant 12 : i32
    %dma_wait3A_760 = arith.constant 1536 : i32
    %dma_wait3A_761 = arith.constant 0 : i32
    %dma_wait3A_762 = tpu.memref_slice %arg6[%dma_wait3A_760, %dma_wait3A_761] : memref<8192x8xf32, #tpu.memory_space<vmem>> -> memref<128x8xf32, #tpu.memory_space<vmem>>
    %dma_wait3A_763 = arith.constant 0 : i32
    %dma_wait3A_764 = tpu.memref_slice %arg5[%dma_wait3A_759, %dma_wait3A_763] : memref<64x128xi32, #tpu.memory_space<vmem>> -> memref<1x128xi32, #tpu.memory_space<vmem>>
    %dma_wait3A_765 = tpu.memref_squeeze %dma_wait3A_764 : memref<1x128xi32, #tpu.memory_space<vmem>> -> memref<128xi32, #tpu.memory_space<vmem>>
    %dma_wait3A_766 = arith.constant 0 : i32
    %dma_wait3A_767 = arith.constant 0 : i32
    %dma_wait3A_768 = tpu.memref_slice %arg2[%dma_wait3A_766, %dma_wait3A_767] : memref<16384x8xf32, #tpu.memory_space<hbm>> -> memref<16384x8xf32, #tpu.memory_space<hbm>>
    tpu.wait_indirect_dma semaphore(%arg7 : memref<!tpu.dma_semaphore, #tpu.memory_space<semaphore_mem>>) src(%dma_wait3A_768 : memref<16384x8xf32, #tpu.memory_space<hbm>>) dst(%dma_wait3A_762 : memref<128x8xf32, #tpu.memory_space<vmem>>)
    %dma_wait3A_769 = arith.constant 13 : i32
    %dma_wait3A_770 = arith.constant 1664 : i32
    %dma_wait3A_771 = arith.constant 0 : i32
    %dma_wait3A_772 = tpu.memref_slice %arg6[%dma_wait3A_770, %dma_wait3A_771] : memref<8192x8xf32, #tpu.memory_space<vmem>> -> memref<128x8xf32, #tpu.memory_space<vmem>>
    %dma_wait3A_773 = arith.constant 0 : i32
    %dma_wait3A_774 = tpu.memref_slice %arg5[%dma_wait3A_769, %dma_wait3A_773] : memref<64x128xi32, #tpu.memory_space<vmem>> -> memref<1x128xi32, #tpu.memory_space<vmem>>
    %dma_wait3A_775 = tpu.memref_squeeze %dma_wait3A_774 : memref<1x128xi32, #tpu.memory_space<vmem>> -> memref<128xi32, #tpu.memory_space<vmem>>
    %dma_wait3A_776 = arith.constant 0 : i32
    %dma_wait3A_777 = arith.constant 0 : i32
    %dma_wait3A_778 = tpu.memref_slice %arg2[%dma_wait3A_776, %dma_wait3A_777] : memref<16384x8xf32, #tpu.memory_space<hbm>> -> memref<16384x8xf32, #tpu.memory_space<hbm>>
    tpu.wait_indirect_dma semaphore(%arg7 : memref<!tpu.dma_semaphore, #tpu.memory_space<semaphore_mem>>) src(%dma_wait3A_778 : memref<16384x8xf32, #tpu.memory_space<hbm>>) dst(%dma_wait3A_772 : memref<128x8xf32, #tpu.memory_space<vmem>>)
    %dma_wait3A_779 = arith.constant 14 : i32
    %dma_wait3A_780 = arith.constant 1792 : i32
    %dma_wait3A_781 = arith.constant 0 : i32
    %dma_wait3A_782 = tpu.memref_slice %arg6[%dma_wait3A_780, %dma_wait3A_781] : memref<8192x8xf32, #tpu.memory_space<vmem>> -> memref<128x8xf32, #tpu.memory_space<vmem>>
    %dma_wait3A_783 = arith.constant 0 : i32
    %dma_wait3A_784 = tpu.memref_slice %arg5[%dma_wait3A_779, %dma_wait3A_783] : memref<64x128xi32, #tpu.memory_space<vmem>> -> memref<1x128xi32, #tpu.memory_space<vmem>>
    %dma_wait3A_785 = tpu.memref_squeeze %dma_wait3A_784 : memref<1x128xi32, #tpu.memory_space<vmem>> -> memref<128xi32, #tpu.memory_space<vmem>>
    %dma_wait3A_786 = arith.constant 0 : i32
    %dma_wait3A_787 = arith.constant 0 : i32
    %dma_wait3A_788 = tpu.memref_slice %arg2[%dma_wait3A_786, %dma_wait3A_787] : memref<16384x8xf32, #tpu.memory_space<hbm>> -> memref<16384x8xf32, #tpu.memory_space<hbm>>
    tpu.wait_indirect_dma semaphore(%arg7 : memref<!tpu.dma_semaphore, #tpu.memory_space<semaphore_mem>>) src(%dma_wait3A_788 : memref<16384x8xf32, #tpu.memory_space<hbm>>) dst(%dma_wait3A_782 : memref<128x8xf32, #tpu.memory_space<vmem>>)
    %dma_wait3A_789 = arith.constant 15 : i32
    %dma_wait3A_790 = arith.constant 1920 : i32
    %dma_wait3A_791 = arith.constant 0 : i32
    %dma_wait3A_792 = tpu.memref_slice %arg6[%dma_wait3A_790, %dma_wait3A_791] : memref<8192x8xf32, #tpu.memory_space<vmem>> -> memref<128x8xf32, #tpu.memory_space<vmem>>
    %dma_wait3A_793 = arith.constant 0 : i32
    %dma_wait3A_794 = tpu.memref_slice %arg5[%dma_wait3A_789, %dma_wait3A_793] : memref<64x128xi32, #tpu.memory_space<vmem>> -> memref<1x128xi32, #tpu.memory_space<vmem>>
    %dma_wait3A_795 = tpu.memref_squeeze %dma_wait3A_794 : memref<1x128xi32, #tpu.memory_space<vmem>> -> memref<128xi32, #tpu.memory_space<vmem>>
    %dma_wait3A_796 = arith.constant 0 : i32
    %dma_wait3A_797 = arith.constant 0 : i32
    %dma_wait3A_798 = tpu.memref_slice %arg2[%dma_wait3A_796, %dma_wait3A_797] : memref<16384x8xf32, #tpu.memory_space<hbm>> -> memref<16384x8xf32, #tpu.memory_space<hbm>>
    tpu.wait_indirect_dma semaphore(%arg7 : memref<!tpu.dma_semaphore, #tpu.memory_space<semaphore_mem>>) src(%dma_wait3A_798 : memref<16384x8xf32, #tpu.memory_space<hbm>>) dst(%dma_wait3A_792 : memref<128x8xf32, #tpu.memory_space<vmem>>)
    %dma_wait3A_799 = arith.constant 16 : i32
    %dma_wait3A_800 = arith.constant 2048 : i32
    %dma_wait3A_801 = arith.constant 0 : i32
    %dma_wait3A_802 = tpu.memref_slice %arg6[%dma_wait3A_800, %dma_wait3A_801] : memref<8192x8xf32, #tpu.memory_space<vmem>> -> memref<128x8xf32, #tpu.memory_space<vmem>>
    %dma_wait3A_803 = arith.constant 0 : i32
    %dma_wait3A_804 = tpu.memref_slice %arg5[%dma_wait3A_799, %dma_wait3A_803] : memref<64x128xi32, #tpu.memory_space<vmem>> -> memref<1x128xi32, #tpu.memory_space<vmem>>
    %dma_wait3A_805 = tpu.memref_squeeze %dma_wait3A_804 : memref<1x128xi32, #tpu.memory_space<vmem>> -> memref<128xi32, #tpu.memory_space<vmem>>
    %dma_wait3A_806 = arith.constant 0 : i32
    %dma_wait3A_807 = arith.constant 0 : i32
    %dma_wait3A_808 = tpu.memref_slice %arg2[%dma_wait3A_806, %dma_wait3A_807] : memref<16384x8xf32, #tpu.memory_space<hbm>> -> memref<16384x8xf32, #tpu.memory_space<hbm>>
    tpu.wait_indirect_dma semaphore(%arg7 : memref<!tpu.dma_semaphore, #tpu.memory_space<semaphore_mem>>) src(%dma_wait3A_808 : memref<16384x8xf32, #tpu.memory_space<hbm>>) dst(%dma_wait3A_802 : memref<128x8xf32, #tpu.memory_space<vmem>>)
    %dma_wait3A_809 = arith.constant 17 : i32
    %dma_wait3A_810 = arith.constant 2176 : i32
    %dma_wait3A_811 = arith.constant 0 : i32
    %dma_wait3A_812 = tpu.memref_slice %arg6[%dma_wait3A_810, %dma_wait3A_811] : memref<8192x8xf32, #tpu.memory_space<vmem>> -> memref<128x8xf32, #tpu.memory_space<vmem>>
    %dma_wait3A_813 = arith.constant 0 : i32
    %dma_wait3A_814 = tpu.memref_slice %arg5[%dma_wait3A_809, %dma_wait3A_813] : memref<64x128xi32, #tpu.memory_space<vmem>> -> memref<1x128xi32, #tpu.memory_space<vmem>>
    %dma_wait3A_815 = tpu.memref_squeeze %dma_wait3A_814 : memref<1x128xi32, #tpu.memory_space<vmem>> -> memref<128xi32, #tpu.memory_space<vmem>>
    %dma_wait3A_816 = arith.constant 0 : i32
    %dma_wait3A_817 = arith.constant 0 : i32
    %dma_wait3A_818 = tpu.memref_slice %arg2[%dma_wait3A_816, %dma_wait3A_817] : memref<16384x8xf32, #tpu.memory_space<hbm>> -> memref<16384x8xf32, #tpu.memory_space<hbm>>
    tpu.wait_indirect_dma semaphore(%arg7 : memref<!tpu.dma_semaphore, #tpu.memory_space<semaphore_mem>>) src(%dma_wait3A_818 : memref<16384x8xf32, #tpu.memory_space<hbm>>) dst(%dma_wait3A_812 : memref<128x8xf32, #tpu.memory_space<vmem>>)
    %dma_wait3A_819 = arith.constant 18 : i32
    %dma_wait3A_820 = arith.constant 2304 : i32
    %dma_wait3A_821 = arith.constant 0 : i32
    %dma_wait3A_822 = tpu.memref_slice %arg6[%dma_wait3A_820, %dma_wait3A_821] : memref<8192x8xf32, #tpu.memory_space<vmem>> -> memref<128x8xf32, #tpu.memory_space<vmem>>
    %dma_wait3A_823 = arith.constant 0 : i32
    %dma_wait3A_824 = tpu.memref_slice %arg5[%dma_wait3A_819, %dma_wait3A_823] : memref<64x128xi32, #tpu.memory_space<vmem>> -> memref<1x128xi32, #tpu.memory_space<vmem>>
    %dma_wait3A_825 = tpu.memref_squeeze %dma_wait3A_824 : memref<1x128xi32, #tpu.memory_space<vmem>> -> memref<128xi32, #tpu.memory_space<vmem>>
    %dma_wait3A_826 = arith.constant 0 : i32
    %dma_wait3A_827 = arith.constant 0 : i32
    %dma_wait3A_828 = tpu.memref_slice %arg2[%dma_wait3A_826, %dma_wait3A_827] : memref<16384x8xf32, #tpu.memory_space<hbm>> -> memref<16384x8xf32, #tpu.memory_space<hbm>>
    tpu.wait_indirect_dma semaphore(%arg7 : memref<!tpu.dma_semaphore, #tpu.memory_space<semaphore_mem>>) src(%dma_wait3A_828 : memref<16384x8xf32, #tpu.memory_space<hbm>>) dst(%dma_wait3A_822 : memref<128x8xf32, #tpu.memory_space<vmem>>)
    %dma_wait3A_829 = arith.constant 19 : i32
    %dma_wait3A_830 = arith.constant 2432 : i32
    %dma_wait3A_831 = arith.constant 0 : i32
    %dma_wait3A_832 = tpu.memref_slice %arg6[%dma_wait3A_830, %dma_wait3A_831] : memref<8192x8xf32, #tpu.memory_space<vmem>> -> memref<128x8xf32, #tpu.memory_space<vmem>>
    %dma_wait3A_833 = arith.constant 0 : i32
    %dma_wait3A_834 = tpu.memref_slice %arg5[%dma_wait3A_829, %dma_wait3A_833] : memref<64x128xi32, #tpu.memory_space<vmem>> -> memref<1x128xi32, #tpu.memory_space<vmem>>
    %dma_wait3A_835 = tpu.memref_squeeze %dma_wait3A_834 : memref<1x128xi32, #tpu.memory_space<vmem>> -> memref<128xi32, #tpu.memory_space<vmem>>
    %dma_wait3A_836 = arith.constant 0 : i32
    %dma_wait3A_837 = arith.constant 0 : i32
    %dma_wait3A_838 = tpu.memref_slice %arg2[%dma_wait3A_836, %dma_wait3A_837] : memref<16384x8xf32, #tpu.memory_space<hbm>> -> memref<16384x8xf32, #tpu.memory_space<hbm>>
    tpu.wait_indirect_dma semaphore(%arg7 : memref<!tpu.dma_semaphore, #tpu.memory_space<semaphore_mem>>) src(%dma_wait3A_838 : memref<16384x8xf32, #tpu.memory_space<hbm>>) dst(%dma_wait3A_832 : memref<128x8xf32, #tpu.memory_space<vmem>>)
    %dma_wait3A_839 = arith.constant 20 : i32
    %dma_wait3A_840 = arith.constant 2560 : i32
    %dma_wait3A_841 = arith.constant 0 : i32
    %dma_wait3A_842 = tpu.memref_slice %arg6[%dma_wait3A_840, %dma_wait3A_841] : memref<8192x8xf32, #tpu.memory_space<vmem>> -> memref<128x8xf32, #tpu.memory_space<vmem>>
    %dma_wait3A_843 = arith.constant 0 : i32
    %dma_wait3A_844 = tpu.memref_slice %arg5[%dma_wait3A_839, %dma_wait3A_843] : memref<64x128xi32, #tpu.memory_space<vmem>> -> memref<1x128xi32, #tpu.memory_space<vmem>>
    %dma_wait3A_845 = tpu.memref_squeeze %dma_wait3A_844 : memref<1x128xi32, #tpu.memory_space<vmem>> -> memref<128xi32, #tpu.memory_space<vmem>>
    %dma_wait3A_846 = arith.constant 0 : i32
    %dma_wait3A_847 = arith.constant 0 : i32
    %dma_wait3A_848 = tpu.memref_slice %arg2[%dma_wait3A_846, %dma_wait3A_847] : memref<16384x8xf32, #tpu.memory_space<hbm>> -> memref<16384x8xf32, #tpu.memory_space<hbm>>
    tpu.wait_indirect_dma semaphore(%arg7 : memref<!tpu.dma_semaphore, #tpu.memory_space<semaphore_mem>>) src(%dma_wait3A_848 : memref<16384x8xf32, #tpu.memory_space<hbm>>) dst(%dma_wait3A_842 : memref<128x8xf32, #tpu.memory_space<vmem>>)
    %dma_wait3A_849 = arith.constant 21 : i32
    %dma_wait3A_850 = arith.constant 2688 : i32
    %dma_wait3A_851 = arith.constant 0 : i32
    %dma_wait3A_852 = tpu.memref_slice %arg6[%dma_wait3A_850, %dma_wait3A_851] : memref<8192x8xf32, #tpu.memory_space<vmem>> -> memref<128x8xf32, #tpu.memory_space<vmem>>
    %dma_wait3A_853 = arith.constant 0 : i32
    %dma_wait3A_854 = tpu.memref_slice %arg5[%dma_wait3A_849, %dma_wait3A_853] : memref<64x128xi32, #tpu.memory_space<vmem>> -> memref<1x128xi32, #tpu.memory_space<vmem>>
    %dma_wait3A_855 = tpu.memref_squeeze %dma_wait3A_854 : memref<1x128xi32, #tpu.memory_space<vmem>> -> memref<128xi32, #tpu.memory_space<vmem>>
    %dma_wait3A_856 = arith.constant 0 : i32
    %dma_wait3A_857 = arith.constant 0 : i32
    %dma_wait3A_858 = tpu.memref_slice %arg2[%dma_wait3A_856, %dma_wait3A_857] : memref<16384x8xf32, #tpu.memory_space<hbm>> -> memref<16384x8xf32, #tpu.memory_space<hbm>>
    tpu.wait_indirect_dma semaphore(%arg7 : memref<!tpu.dma_semaphore, #tpu.memory_space<semaphore_mem>>) src(%dma_wait3A_858 : memref<16384x8xf32, #tpu.memory_space<hbm>>) dst(%dma_wait3A_852 : memref<128x8xf32, #tpu.memory_space<vmem>>)
    %dma_wait3A_859 = arith.constant 22 : i32
    %dma_wait3A_860 = arith.constant 2816 : i32
    %dma_wait3A_861 = arith.constant 0 : i32
    %dma_wait3A_862 = tpu.memref_slice %arg6[%dma_wait3A_860, %dma_wait3A_861] : memref<8192x8xf32, #tpu.memory_space<vmem>> -> memref<128x8xf32, #tpu.memory_space<vmem>>
    %dma_wait3A_863 = arith.constant 0 : i32
    %dma_wait3A_864 = tpu.memref_slice %arg5[%dma_wait3A_859, %dma_wait3A_863] : memref<64x128xi32, #tpu.memory_space<vmem>> -> memref<1x128xi32, #tpu.memory_space<vmem>>
    %dma_wait3A_865 = tpu.memref_squeeze %dma_wait3A_864 : memref<1x128xi32, #tpu.memory_space<vmem>> -> memref<128xi32, #tpu.memory_space<vmem>>
    %dma_wait3A_866 = arith.constant 0 : i32
    %dma_wait3A_867 = arith.constant 0 : i32
    %dma_wait3A_868 = tpu.memref_slice %arg2[%dma_wait3A_866, %dma_wait3A_867] : memref<16384x8xf32, #tpu.memory_space<hbm>> -> memref<16384x8xf32, #tpu.memory_space<hbm>>
    tpu.wait_indirect_dma semaphore(%arg7 : memref<!tpu.dma_semaphore, #tpu.memory_space<semaphore_mem>>) src(%dma_wait3A_868 : memref<16384x8xf32, #tpu.memory_space<hbm>>) dst(%dma_wait3A_862 : memref<128x8xf32, #tpu.memory_space<vmem>>)
    %dma_wait3A_869 = arith.constant 23 : i32
    %dma_wait3A_870 = arith.constant 2944 : i32
    %dma_wait3A_871 = arith.constant 0 : i32
    %dma_wait3A_872 = tpu.memref_slice %arg6[%dma_wait3A_870, %dma_wait3A_871] : memref<8192x8xf32, #tpu.memory_space<vmem>> -> memref<128x8xf32, #tpu.memory_space<vmem>>
    %dma_wait3A_873 = arith.constant 0 : i32
    %dma_wait3A_874 = tpu.memref_slice %arg5[%dma_wait3A_869, %dma_wait3A_873] : memref<64x128xi32, #tpu.memory_space<vmem>> -> memref<1x128xi32, #tpu.memory_space<vmem>>
    %dma_wait3A_875 = tpu.memref_squeeze %dma_wait3A_874 : memref<1x128xi32, #tpu.memory_space<vmem>> -> memref<128xi32, #tpu.memory_space<vmem>>
    %dma_wait3A_876 = arith.constant 0 : i32
    %dma_wait3A_877 = arith.constant 0 : i32
    %dma_wait3A_878 = tpu.memref_slice %arg2[%dma_wait3A_876, %dma_wait3A_877] : memref<16384x8xf32, #tpu.memory_space<hbm>> -> memref<16384x8xf32, #tpu.memory_space<hbm>>
    tpu.wait_indirect_dma semaphore(%arg7 : memref<!tpu.dma_semaphore, #tpu.memory_space<semaphore_mem>>) src(%dma_wait3A_878 : memref<16384x8xf32, #tpu.memory_space<hbm>>) dst(%dma_wait3A_872 : memref<128x8xf32, #tpu.memory_space<vmem>>)
    %dma_wait3A_879 = arith.constant 24 : i32
    %dma_wait3A_880 = arith.constant 3072 : i32
    %dma_wait3A_881 = arith.constant 0 : i32
    %dma_wait3A_882 = tpu.memref_slice %arg6[%dma_wait3A_880, %dma_wait3A_881] : memref<8192x8xf32, #tpu.memory_space<vmem>> -> memref<128x8xf32, #tpu.memory_space<vmem>>
    %dma_wait3A_883 = arith.constant 0 : i32
    %dma_wait3A_884 = tpu.memref_slice %arg5[%dma_wait3A_879, %dma_wait3A_883] : memref<64x128xi32, #tpu.memory_space<vmem>> -> memref<1x128xi32, #tpu.memory_space<vmem>>
    %dma_wait3A_885 = tpu.memref_squeeze %dma_wait3A_884 : memref<1x128xi32, #tpu.memory_space<vmem>> -> memref<128xi32, #tpu.memory_space<vmem>>
    %dma_wait3A_886 = arith.constant 0 : i32
    %dma_wait3A_887 = arith.constant 0 : i32
    %dma_wait3A_888 = tpu.memref_slice %arg2[%dma_wait3A_886, %dma_wait3A_887] : memref<16384x8xf32, #tpu.memory_space<hbm>> -> memref<16384x8xf32, #tpu.memory_space<hbm>>
    tpu.wait_indirect_dma semaphore(%arg7 : memref<!tpu.dma_semaphore, #tpu.memory_space<semaphore_mem>>) src(%dma_wait3A_888 : memref<16384x8xf32, #tpu.memory_space<hbm>>) dst(%dma_wait3A_882 : memref<128x8xf32, #tpu.memory_space<vmem>>)
    %dma_wait3A_889 = arith.constant 25 : i32
    %dma_wait3A_890 = arith.constant 3200 : i32
    %dma_wait3A_891 = arith.constant 0 : i32
    %dma_wait3A_892 = tpu.memref_slice %arg6[%dma_wait3A_890, %dma_wait3A_891] : memref<8192x8xf32, #tpu.memory_space<vmem>> -> memref<128x8xf32, #tpu.memory_space<vmem>>
    %dma_wait3A_893 = arith.constant 0 : i32
    %dma_wait3A_894 = tpu.memref_slice %arg5[%dma_wait3A_889, %dma_wait3A_893] : memref<64x128xi32, #tpu.memory_space<vmem>> -> memref<1x128xi32, #tpu.memory_space<vmem>>
    %dma_wait3A_895 = tpu.memref_squeeze %dma_wait3A_894 : memref<1x128xi32, #tpu.memory_space<vmem>> -> memref<128xi32, #tpu.memory_space<vmem>>
    %dma_wait3A_896 = arith.constant 0 : i32
    %dma_wait3A_897 = arith.constant 0 : i32
    %dma_wait3A_898 = tpu.memref_slice %arg2[%dma_wait3A_896, %dma_wait3A_897] : memref<16384x8xf32, #tpu.memory_space<hbm>> -> memref<16384x8xf32, #tpu.memory_space<hbm>>
    tpu.wait_indirect_dma semaphore(%arg7 : memref<!tpu.dma_semaphore, #tpu.memory_space<semaphore_mem>>) src(%dma_wait3A_898 : memref<16384x8xf32, #tpu.memory_space<hbm>>) dst(%dma_wait3A_892 : memref<128x8xf32, #tpu.memory_space<vmem>>)
    %dma_wait3A_899 = arith.constant 26 : i32
    %dma_wait3A_900 = arith.constant 3328 : i32
    %dma_wait3A_901 = arith.constant 0 : i32
    %dma_wait3A_902 = tpu.memref_slice %arg6[%dma_wait3A_900, %dma_wait3A_901] : memref<8192x8xf32, #tpu.memory_space<vmem>> -> memref<128x8xf32, #tpu.memory_space<vmem>>
    %dma_wait3A_903 = arith.constant 0 : i32
    %dma_wait3A_904 = tpu.memref_slice %arg5[%dma_wait3A_899, %dma_wait3A_903] : memref<64x128xi32, #tpu.memory_space<vmem>> -> memref<1x128xi32, #tpu.memory_space<vmem>>
    %dma_wait3A_905 = tpu.memref_squeeze %dma_wait3A_904 : memref<1x128xi32, #tpu.memory_space<vmem>> -> memref<128xi32, #tpu.memory_space<vmem>>
    %dma_wait3A_906 = arith.constant 0 : i32
    %dma_wait3A_907 = arith.constant 0 : i32
    %dma_wait3A_908 = tpu.memref_slice %arg2[%dma_wait3A_906, %dma_wait3A_907] : memref<16384x8xf32, #tpu.memory_space<hbm>> -> memref<16384x8xf32, #tpu.memory_space<hbm>>
    tpu.wait_indirect_dma semaphore(%arg7 : memref<!tpu.dma_semaphore, #tpu.memory_space<semaphore_mem>>) src(%dma_wait3A_908 : memref<16384x8xf32, #tpu.memory_space<hbm>>) dst(%dma_wait3A_902 : memref<128x8xf32, #tpu.memory_space<vmem>>)
    %dma_wait3A_909 = arith.constant 27 : i32
    %dma_wait3A_910 = arith.constant 3456 : i32
    %dma_wait3A_911 = arith.constant 0 : i32
    %dma_wait3A_912 = tpu.memref_slice %arg6[%dma_wait3A_910, %dma_wait3A_911] : memref<8192x8xf32, #tpu.memory_space<vmem>> -> memref<128x8xf32, #tpu.memory_space<vmem>>
    %dma_wait3A_913 = arith.constant 0 : i32
    %dma_wait3A_914 = tpu.memref_slice %arg5[%dma_wait3A_909, %dma_wait3A_913] : memref<64x128xi32, #tpu.memory_space<vmem>> -> memref<1x128xi32, #tpu.memory_space<vmem>>
    %dma_wait3A_915 = tpu.memref_squeeze %dma_wait3A_914 : memref<1x128xi32, #tpu.memory_space<vmem>> -> memref<128xi32, #tpu.memory_space<vmem>>
    %dma_wait3A_916 = arith.constant 0 : i32
    %dma_wait3A_917 = arith.constant 0 : i32
    %dma_wait3A_918 = tpu.memref_slice %arg2[%dma_wait3A_916, %dma_wait3A_917] : memref<16384x8xf32, #tpu.memory_space<hbm>> -> memref<16384x8xf32, #tpu.memory_space<hbm>>
    tpu.wait_indirect_dma semaphore(%arg7 : memref<!tpu.dma_semaphore, #tpu.memory_space<semaphore_mem>>) src(%dma_wait3A_918 : memref<16384x8xf32, #tpu.memory_space<hbm>>) dst(%dma_wait3A_912 : memref<128x8xf32, #tpu.memory_space<vmem>>)
    %dma_wait3A_919 = arith.constant 28 : i32
    %dma_wait3A_920 = arith.constant 3584 : i32
    %dma_wait3A_921 = arith.constant 0 : i32
    %dma_wait3A_922 = tpu.memref_slice %arg6[%dma_wait3A_920, %dma_wait3A_921] : memref<8192x8xf32, #tpu.memory_space<vmem>> -> memref<128x8xf32, #tpu.memory_space<vmem>>
    %dma_wait3A_923 = arith.constant 0 : i32
    %dma_wait3A_924 = tpu.memref_slice %arg5[%dma_wait3A_919, %dma_wait3A_923] : memref<64x128xi32, #tpu.memory_space<vmem>> -> memref<1x128xi32, #tpu.memory_space<vmem>>
    %dma_wait3A_925 = tpu.memref_squeeze %dma_wait3A_924 : memref<1x128xi32, #tpu.memory_space<vmem>> -> memref<128xi32, #tpu.memory_space<vmem>>
    %dma_wait3A_926 = arith.constant 0 : i32
    %dma_wait3A_927 = arith.constant 0 : i32
    %dma_wait3A_928 = tpu.memref_slice %arg2[%dma_wait3A_926, %dma_wait3A_927] : memref<16384x8xf32, #tpu.memory_space<hbm>> -> memref<16384x8xf32, #tpu.memory_space<hbm>>
    tpu.wait_indirect_dma semaphore(%arg7 : memref<!tpu.dma_semaphore, #tpu.memory_space<semaphore_mem>>) src(%dma_wait3A_928 : memref<16384x8xf32, #tpu.memory_space<hbm>>) dst(%dma_wait3A_922 : memref<128x8xf32, #tpu.memory_space<vmem>>)
    %dma_wait3A_929 = arith.constant 29 : i32
    %dma_wait3A_930 = arith.constant 3712 : i32
    %dma_wait3A_931 = arith.constant 0 : i32
    %dma_wait3A_932 = tpu.memref_slice %arg6[%dma_wait3A_930, %dma_wait3A_931] : memref<8192x8xf32, #tpu.memory_space<vmem>> -> memref<128x8xf32, #tpu.memory_space<vmem>>
    %dma_wait3A_933 = arith.constant 0 : i32
    %dma_wait3A_934 = tpu.memref_slice %arg5[%dma_wait3A_929, %dma_wait3A_933] : memref<64x128xi32, #tpu.memory_space<vmem>> -> memref<1x128xi32, #tpu.memory_space<vmem>>
    %dma_wait3A_935 = tpu.memref_squeeze %dma_wait3A_934 : memref<1x128xi32, #tpu.memory_space<vmem>> -> memref<128xi32, #tpu.memory_space<vmem>>
    %dma_wait3A_936 = arith.constant 0 : i32
    %dma_wait3A_937 = arith.constant 0 : i32
    %dma_wait3A_938 = tpu.memref_slice %arg2[%dma_wait3A_936, %dma_wait3A_937] : memref<16384x8xf32, #tpu.memory_space<hbm>> -> memref<16384x8xf32, #tpu.memory_space<hbm>>
    tpu.wait_indirect_dma semaphore(%arg7 : memref<!tpu.dma_semaphore, #tpu.memory_space<semaphore_mem>>) src(%dma_wait3A_938 : memref<16384x8xf32, #tpu.memory_space<hbm>>) dst(%dma_wait3A_932 : memref<128x8xf32, #tpu.memory_space<vmem>>)
    %dma_wait3A_939 = arith.constant 30 : i32
    %dma_wait3A_940 = arith.constant 3840 : i32
    %dma_wait3A_941 = arith.constant 0 : i32
    %dma_wait3A_942 = tpu.memref_slice %arg6[%dma_wait3A_940, %dma_wait3A_941] : memref<8192x8xf32, #tpu.memory_space<vmem>> -> memref<128x8xf32, #tpu.memory_space<vmem>>
    %dma_wait3A_943 = arith.constant 0 : i32
    %dma_wait3A_944 = tpu.memref_slice %arg5[%dma_wait3A_939, %dma_wait3A_943] : memref<64x128xi32, #tpu.memory_space<vmem>> -> memref<1x128xi32, #tpu.memory_space<vmem>>
    %dma_wait3A_945 = tpu.memref_squeeze %dma_wait3A_944 : memref<1x128xi32, #tpu.memory_space<vmem>> -> memref<128xi32, #tpu.memory_space<vmem>>
    %dma_wait3A_946 = arith.constant 0 : i32
    %dma_wait3A_947 = arith.constant 0 : i32
    %dma_wait3A_948 = tpu.memref_slice %arg2[%dma_wait3A_946, %dma_wait3A_947] : memref<16384x8xf32, #tpu.memory_space<hbm>> -> memref<16384x8xf32, #tpu.memory_space<hbm>>
    tpu.wait_indirect_dma semaphore(%arg7 : memref<!tpu.dma_semaphore, #tpu.memory_space<semaphore_mem>>) src(%dma_wait3A_948 : memref<16384x8xf32, #tpu.memory_space<hbm>>) dst(%dma_wait3A_942 : memref<128x8xf32, #tpu.memory_space<vmem>>)
    %dma_wait3A_949 = arith.constant 31 : i32
    %dma_wait3A_950 = arith.constant 3968 : i32
    %dma_wait3A_951 = arith.constant 0 : i32
    %dma_wait3A_952 = tpu.memref_slice %arg6[%dma_wait3A_950, %dma_wait3A_951] : memref<8192x8xf32, #tpu.memory_space<vmem>> -> memref<128x8xf32, #tpu.memory_space<vmem>>
    %dma_wait3A_953 = arith.constant 0 : i32
    %dma_wait3A_954 = tpu.memref_slice %arg5[%dma_wait3A_949, %dma_wait3A_953] : memref<64x128xi32, #tpu.memory_space<vmem>> -> memref<1x128xi32, #tpu.memory_space<vmem>>
    %dma_wait3A_955 = tpu.memref_squeeze %dma_wait3A_954 : memref<1x128xi32, #tpu.memory_space<vmem>> -> memref<128xi32, #tpu.memory_space<vmem>>
    %dma_wait3A_956 = arith.constant 0 : i32
    %dma_wait3A_957 = arith.constant 0 : i32
    %dma_wait3A_958 = tpu.memref_slice %arg2[%dma_wait3A_956, %dma_wait3A_957] : memref<16384x8xf32, #tpu.memory_space<hbm>> -> memref<16384x8xf32, #tpu.memory_space<hbm>>
    tpu.wait_indirect_dma semaphore(%arg7 : memref<!tpu.dma_semaphore, #tpu.memory_space<semaphore_mem>>) src(%dma_wait3A_958 : memref<16384x8xf32, #tpu.memory_space<hbm>>) dst(%dma_wait3A_952 : memref<128x8xf32, #tpu.memory_space<vmem>>)
    %dma_wait3A_959 = arith.constant 32 : i32
    %dma_wait3A_960 = arith.constant 4096 : i32
    %dma_wait3A_961 = arith.constant 0 : i32
    %dma_wait3A_962 = tpu.memref_slice %arg6[%dma_wait3A_960, %dma_wait3A_961] : memref<8192x8xf32, #tpu.memory_space<vmem>> -> memref<128x8xf32, #tpu.memory_space<vmem>>
    %dma_wait3A_963 = arith.constant 0 : i32
    %dma_wait3A_964 = tpu.memref_slice %arg5[%dma_wait3A_959, %dma_wait3A_963] : memref<64x128xi32, #tpu.memory_space<vmem>> -> memref<1x128xi32, #tpu.memory_space<vmem>>
    %dma_wait3A_965 = tpu.memref_squeeze %dma_wait3A_964 : memref<1x128xi32, #tpu.memory_space<vmem>> -> memref<128xi32, #tpu.memory_space<vmem>>
    %dma_wait3A_966 = arith.constant 0 : i32
    %dma_wait3A_967 = arith.constant 0 : i32
    %dma_wait3A_968 = tpu.memref_slice %arg2[%dma_wait3A_966, %dma_wait3A_967] : memref<16384x8xf32, #tpu.memory_space<hbm>> -> memref<16384x8xf32, #tpu.memory_space<hbm>>
    tpu.wait_indirect_dma semaphore(%arg7 : memref<!tpu.dma_semaphore, #tpu.memory_space<semaphore_mem>>) src(%dma_wait3A_968 : memref<16384x8xf32, #tpu.memory_space<hbm>>) dst(%dma_wait3A_962 : memref<128x8xf32, #tpu.memory_space<vmem>>)
    %dma_wait3A_969 = arith.constant 33 : i32
    %dma_wait3A_970 = arith.constant 4224 : i32
    %dma_wait3A_971 = arith.constant 0 : i32
    %dma_wait3A_972 = tpu.memref_slice %arg6[%dma_wait3A_970, %dma_wait3A_971] : memref<8192x8xf32, #tpu.memory_space<vmem>> -> memref<128x8xf32, #tpu.memory_space<vmem>>
    %dma_wait3A_973 = arith.constant 0 : i32
    %dma_wait3A_974 = tpu.memref_slice %arg5[%dma_wait3A_969, %dma_wait3A_973] : memref<64x128xi32, #tpu.memory_space<vmem>> -> memref<1x128xi32, #tpu.memory_space<vmem>>
    %dma_wait3A_975 = tpu.memref_squeeze %dma_wait3A_974 : memref<1x128xi32, #tpu.memory_space<vmem>> -> memref<128xi32, #tpu.memory_space<vmem>>
    %dma_wait3A_976 = arith.constant 0 : i32
    %dma_wait3A_977 = arith.constant 0 : i32
    %dma_wait3A_978 = tpu.memref_slice %arg2[%dma_wait3A_976, %dma_wait3A_977] : memref<16384x8xf32, #tpu.memory_space<hbm>> -> memref<16384x8xf32, #tpu.memory_space<hbm>>
    tpu.wait_indirect_dma semaphore(%arg7 : memref<!tpu.dma_semaphore, #tpu.memory_space<semaphore_mem>>) src(%dma_wait3A_978 : memref<16384x8xf32, #tpu.memory_space<hbm>>) dst(%dma_wait3A_972 : memref<128x8xf32, #tpu.memory_space<vmem>>)
    %dma_wait3A_979 = arith.constant 34 : i32
    %dma_wait3A_980 = arith.constant 4352 : i32
    %dma_wait3A_981 = arith.constant 0 : i32
    %dma_wait3A_982 = tpu.memref_slice %arg6[%dma_wait3A_980, %dma_wait3A_981] : memref<8192x8xf32, #tpu.memory_space<vmem>> -> memref<128x8xf32, #tpu.memory_space<vmem>>
    %dma_wait3A_983 = arith.constant 0 : i32
    %dma_wait3A_984 = tpu.memref_slice %arg5[%dma_wait3A_979, %dma_wait3A_983] : memref<64x128xi32, #tpu.memory_space<vmem>> -> memref<1x128xi32, #tpu.memory_space<vmem>>
    %dma_wait3A_985 = tpu.memref_squeeze %dma_wait3A_984 : memref<1x128xi32, #tpu.memory_space<vmem>> -> memref<128xi32, #tpu.memory_space<vmem>>
    %dma_wait3A_986 = arith.constant 0 : i32
    %dma_wait3A_987 = arith.constant 0 : i32
    %dma_wait3A_988 = tpu.memref_slice %arg2[%dma_wait3A_986, %dma_wait3A_987] : memref<16384x8xf32, #tpu.memory_space<hbm>> -> memref<16384x8xf32, #tpu.memory_space<hbm>>
    tpu.wait_indirect_dma semaphore(%arg7 : memref<!tpu.dma_semaphore, #tpu.memory_space<semaphore_mem>>) src(%dma_wait3A_988 : memref<16384x8xf32, #tpu.memory_space<hbm>>) dst(%dma_wait3A_982 : memref<128x8xf32, #tpu.memory_space<vmem>>)
    %dma_wait3A_989 = arith.constant 35 : i32
    %dma_wait3A_990 = arith.constant 4480 : i32
    %dma_wait3A_991 = arith.constant 0 : i32
    %dma_wait3A_992 = tpu.memref_slice %arg6[%dma_wait3A_990, %dma_wait3A_991] : memref<8192x8xf32, #tpu.memory_space<vmem>> -> memref<128x8xf32, #tpu.memory_space<vmem>>
    %dma_wait3A_993 = arith.constant 0 : i32
    %dma_wait3A_994 = tpu.memref_slice %arg5[%dma_wait3A_989, %dma_wait3A_993] : memref<64x128xi32, #tpu.memory_space<vmem>> -> memref<1x128xi32, #tpu.memory_space<vmem>>
    %dma_wait3A_995 = tpu.memref_squeeze %dma_wait3A_994 : memref<1x128xi32, #tpu.memory_space<vmem>> -> memref<128xi32, #tpu.memory_space<vmem>>
    %dma_wait3A_996 = arith.constant 0 : i32
    %dma_wait3A_997 = arith.constant 0 : i32
    %dma_wait3A_998 = tpu.memref_slice %arg2[%dma_wait3A_996, %dma_wait3A_997] : memref<16384x8xf32, #tpu.memory_space<hbm>> -> memref<16384x8xf32, #tpu.memory_space<hbm>>
    tpu.wait_indirect_dma semaphore(%arg7 : memref<!tpu.dma_semaphore, #tpu.memory_space<semaphore_mem>>) src(%dma_wait3A_998 : memref<16384x8xf32, #tpu.memory_space<hbm>>) dst(%dma_wait3A_992 : memref<128x8xf32, #tpu.memory_space<vmem>>)
    %dma_wait3A_999 = arith.constant 36 : i32
    %dma_wait3A_1000 = arith.constant 4608 : i32
    %dma_wait3A_1001 = arith.constant 0 : i32
    %dma_wait3A_1002 = tpu.memref_slice %arg6[%dma_wait3A_1000, %dma_wait3A_1001] : memref<8192x8xf32, #tpu.memory_space<vmem>> -> memref<128x8xf32, #tpu.memory_space<vmem>>
    %dma_wait3A_1003 = arith.constant 0 : i32
    %dma_wait3A_1004 = tpu.memref_slice %arg5[%dma_wait3A_999, %dma_wait3A_1003] : memref<64x128xi32, #tpu.memory_space<vmem>> -> memref<1x128xi32, #tpu.memory_space<vmem>>
    %dma_wait3A_1005 = tpu.memref_squeeze %dma_wait3A_1004 : memref<1x128xi32, #tpu.memory_space<vmem>> -> memref<128xi32, #tpu.memory_space<vmem>>
    %dma_wait3A_1006 = arith.constant 0 : i32
    %dma_wait3A_1007 = arith.constant 0 : i32
    %dma_wait3A_1008 = tpu.memref_slice %arg2[%dma_wait3A_1006, %dma_wait3A_1007] : memref<16384x8xf32, #tpu.memory_space<hbm>> -> memref<16384x8xf32, #tpu.memory_space<hbm>>
    tpu.wait_indirect_dma semaphore(%arg7 : memref<!tpu.dma_semaphore, #tpu.memory_space<semaphore_mem>>) src(%dma_wait3A_1008 : memref<16384x8xf32, #tpu.memory_space<hbm>>) dst(%dma_wait3A_1002 : memref<128x8xf32, #tpu.memory_space<vmem>>)
    %dma_wait3A_1009 = arith.constant 37 : i32
    %dma_wait3A_1010 = arith.constant 4736 : i32
    %dma_wait3A_1011 = arith.constant 0 : i32
    %dma_wait3A_1012 = tpu.memref_slice %arg6[%dma_wait3A_1010, %dma_wait3A_1011] : memref<8192x8xf32, #tpu.memory_space<vmem>> -> memref<128x8xf32, #tpu.memory_space<vmem>>
    %dma_wait3A_1013 = arith.constant 0 : i32
    %dma_wait3A_1014 = tpu.memref_slice %arg5[%dma_wait3A_1009, %dma_wait3A_1013] : memref<64x128xi32, #tpu.memory_space<vmem>> -> memref<1x128xi32, #tpu.memory_space<vmem>>
    %dma_wait3A_1015 = tpu.memref_squeeze %dma_wait3A_1014 : memref<1x128xi32, #tpu.memory_space<vmem>> -> memref<128xi32, #tpu.memory_space<vmem>>
    %dma_wait3A_1016 = arith.constant 0 : i32
    %dma_wait3A_1017 = arith.constant 0 : i32
    %dma_wait3A_1018 = tpu.memref_slice %arg2[%dma_wait3A_1016, %dma_wait3A_1017] : memref<16384x8xf32, #tpu.memory_space<hbm>> -> memref<16384x8xf32, #tpu.memory_space<hbm>>
    tpu.wait_indirect_dma semaphore(%arg7 : memref<!tpu.dma_semaphore, #tpu.memory_space<semaphore_mem>>) src(%dma_wait3A_1018 : memref<16384x8xf32, #tpu.memory_space<hbm>>) dst(%dma_wait3A_1012 : memref<128x8xf32, #tpu.memory_space<vmem>>)
    %dma_wait3A_1019 = arith.constant 38 : i32
    %dma_wait3A_1020 = arith.constant 4864 : i32
    %dma_wait3A_1021 = arith.constant 0 : i32
    %dma_wait3A_1022 = tpu.memref_slice %arg6[%dma_wait3A_1020, %dma_wait3A_1021] : memref<8192x8xf32, #tpu.memory_space<vmem>> -> memref<128x8xf32, #tpu.memory_space<vmem>>
    %dma_wait3A_1023 = arith.constant 0 : i32
    %dma_wait3A_1024 = tpu.memref_slice %arg5[%dma_wait3A_1019, %dma_wait3A_1023] : memref<64x128xi32, #tpu.memory_space<vmem>> -> memref<1x128xi32, #tpu.memory_space<vmem>>
    %dma_wait3A_1025 = tpu.memref_squeeze %dma_wait3A_1024 : memref<1x128xi32, #tpu.memory_space<vmem>> -> memref<128xi32, #tpu.memory_space<vmem>>
    %dma_wait3A_1026 = arith.constant 0 : i32
    %dma_wait3A_1027 = arith.constant 0 : i32
    %dma_wait3A_1028 = tpu.memref_slice %arg2[%dma_wait3A_1026, %dma_wait3A_1027] : memref<16384x8xf32, #tpu.memory_space<hbm>> -> memref<16384x8xf32, #tpu.memory_space<hbm>>
    tpu.wait_indirect_dma semaphore(%arg7 : memref<!tpu.dma_semaphore, #tpu.memory_space<semaphore_mem>>) src(%dma_wait3A_1028 : memref<16384x8xf32, #tpu.memory_space<hbm>>) dst(%dma_wait3A_1022 : memref<128x8xf32, #tpu.memory_space<vmem>>)
    %dma_wait3A_1029 = arith.constant 39 : i32
    %dma_wait3A_1030 = arith.constant 4992 : i32
    %dma_wait3A_1031 = arith.constant 0 : i32
    %dma_wait3A_1032 = tpu.memref_slice %arg6[%dma_wait3A_1030, %dma_wait3A_1031] : memref<8192x8xf32, #tpu.memory_space<vmem>> -> memref<128x8xf32, #tpu.memory_space<vmem>>
    %dma_wait3A_1033 = arith.constant 0 : i32
    %dma_wait3A_1034 = tpu.memref_slice %arg5[%dma_wait3A_1029, %dma_wait3A_1033] : memref<64x128xi32, #tpu.memory_space<vmem>> -> memref<1x128xi32, #tpu.memory_space<vmem>>
    %dma_wait3A_1035 = tpu.memref_squeeze %dma_wait3A_1034 : memref<1x128xi32, #tpu.memory_space<vmem>> -> memref<128xi32, #tpu.memory_space<vmem>>
    %dma_wait3A_1036 = arith.constant 0 : i32
    %dma_wait3A_1037 = arith.constant 0 : i32
    %dma_wait3A_1038 = tpu.memref_slice %arg2[%dma_wait3A_1036, %dma_wait3A_1037] : memref<16384x8xf32, #tpu.memory_space<hbm>> -> memref<16384x8xf32, #tpu.memory_space<hbm>>
    tpu.wait_indirect_dma semaphore(%arg7 : memref<!tpu.dma_semaphore, #tpu.memory_space<semaphore_mem>>) src(%dma_wait3A_1038 : memref<16384x8xf32, #tpu.memory_space<hbm>>) dst(%dma_wait3A_1032 : memref<128x8xf32, #tpu.memory_space<vmem>>)
    %dma_wait3A_1039 = arith.constant 40 : i32
    %dma_wait3A_1040 = arith.constant 5120 : i32
    %dma_wait3A_1041 = arith.constant 0 : i32
    %dma_wait3A_1042 = tpu.memref_slice %arg6[%dma_wait3A_1040, %dma_wait3A_1041] : memref<8192x8xf32, #tpu.memory_space<vmem>> -> memref<128x8xf32, #tpu.memory_space<vmem>>
    %dma_wait3A_1043 = arith.constant 0 : i32
    %dma_wait3A_1044 = tpu.memref_slice %arg5[%dma_wait3A_1039, %dma_wait3A_1043] : memref<64x128xi32, #tpu.memory_space<vmem>> -> memref<1x128xi32, #tpu.memory_space<vmem>>
    %dma_wait3A_1045 = tpu.memref_squeeze %dma_wait3A_1044 : memref<1x128xi32, #tpu.memory_space<vmem>> -> memref<128xi32, #tpu.memory_space<vmem>>
    %dma_wait3A_1046 = arith.constant 0 : i32
    %dma_wait3A_1047 = arith.constant 0 : i32
    %dma_wait3A_1048 = tpu.memref_slice %arg2[%dma_wait3A_1046, %dma_wait3A_1047] : memref<16384x8xf32, #tpu.memory_space<hbm>> -> memref<16384x8xf32, #tpu.memory_space<hbm>>
    tpu.wait_indirect_dma semaphore(%arg7 : memref<!tpu.dma_semaphore, #tpu.memory_space<semaphore_mem>>) src(%dma_wait3A_1048 : memref<16384x8xf32, #tpu.memory_space<hbm>>) dst(%dma_wait3A_1042 : memref<128x8xf32, #tpu.memory_space<vmem>>)
    %dma_wait3A_1049 = arith.constant 41 : i32
    %dma_wait3A_1050 = arith.constant 5248 : i32
    %dma_wait3A_1051 = arith.constant 0 : i32
    %dma_wait3A_1052 = tpu.memref_slice %arg6[%dma_wait3A_1050, %dma_wait3A_1051] : memref<8192x8xf32, #tpu.memory_space<vmem>> -> memref<128x8xf32, #tpu.memory_space<vmem>>
    %dma_wait3A_1053 = arith.constant 0 : i32
    %dma_wait3A_1054 = tpu.memref_slice %arg5[%dma_wait3A_1049, %dma_wait3A_1053] : memref<64x128xi32, #tpu.memory_space<vmem>> -> memref<1x128xi32, #tpu.memory_space<vmem>>
    %dma_wait3A_1055 = tpu.memref_squeeze %dma_wait3A_1054 : memref<1x128xi32, #tpu.memory_space<vmem>> -> memref<128xi32, #tpu.memory_space<vmem>>
    %dma_wait3A_1056 = arith.constant 0 : i32
    %dma_wait3A_1057 = arith.constant 0 : i32
    %dma_wait3A_1058 = tpu.memref_slice %arg2[%dma_wait3A_1056, %dma_wait3A_1057] : memref<16384x8xf32, #tpu.memory_space<hbm>> -> memref<16384x8xf32, #tpu.memory_space<hbm>>
    tpu.wait_indirect_dma semaphore(%arg7 : memref<!tpu.dma_semaphore, #tpu.memory_space<semaphore_mem>>) src(%dma_wait3A_1058 : memref<16384x8xf32, #tpu.memory_space<hbm>>) dst(%dma_wait3A_1052 : memref<128x8xf32, #tpu.memory_space<vmem>>)
    %dma_wait3A_1059 = arith.constant 42 : i32
    %dma_wait3A_1060 = arith.constant 5376 : i32
    %dma_wait3A_1061 = arith.constant 0 : i32
    %dma_wait3A_1062 = tpu.memref_slice %arg6[%dma_wait3A_1060, %dma_wait3A_1061] : memref<8192x8xf32, #tpu.memory_space<vmem>> -> memref<128x8xf32, #tpu.memory_space<vmem>>
    %dma_wait3A_1063 = arith.constant 0 : i32
    %dma_wait3A_1064 = tpu.memref_slice %arg5[%dma_wait3A_1059, %dma_wait3A_1063] : memref<64x128xi32, #tpu.memory_space<vmem>> -> memref<1x128xi32, #tpu.memory_space<vmem>>
    %dma_wait3A_1065 = tpu.memref_squeeze %dma_wait3A_1064 : memref<1x128xi32, #tpu.memory_space<vmem>> -> memref<128xi32, #tpu.memory_space<vmem>>
    %dma_wait3A_1066 = arith.constant 0 : i32
    %dma_wait3A_1067 = arith.constant 0 : i32
    %dma_wait3A_1068 = tpu.memref_slice %arg2[%dma_wait3A_1066, %dma_wait3A_1067] : memref<16384x8xf32, #tpu.memory_space<hbm>> -> memref<16384x8xf32, #tpu.memory_space<hbm>>
    tpu.wait_indirect_dma semaphore(%arg7 : memref<!tpu.dma_semaphore, #tpu.memory_space<semaphore_mem>>) src(%dma_wait3A_1068 : memref<16384x8xf32, #tpu.memory_space<hbm>>) dst(%dma_wait3A_1062 : memref<128x8xf32, #tpu.memory_space<vmem>>)
    %dma_wait3A_1069 = arith.constant 43 : i32
    %dma_wait3A_1070 = arith.constant 5504 : i32
    %dma_wait3A_1071 = arith.constant 0 : i32
    %dma_wait3A_1072 = tpu.memref_slice %arg6[%dma_wait3A_1070, %dma_wait3A_1071] : memref<8192x8xf32, #tpu.memory_space<vmem>> -> memref<128x8xf32, #tpu.memory_space<vmem>>
    %dma_wait3A_1073 = arith.constant 0 : i32
    %dma_wait3A_1074 = tpu.memref_slice %arg5[%dma_wait3A_1069, %dma_wait3A_1073] : memref<64x128xi32, #tpu.memory_space<vmem>> -> memref<1x128xi32, #tpu.memory_space<vmem>>
    %dma_wait3A_1075 = tpu.memref_squeeze %dma_wait3A_1074 : memref<1x128xi32, #tpu.memory_space<vmem>> -> memref<128xi32, #tpu.memory_space<vmem>>
    %dma_wait3A_1076 = arith.constant 0 : i32
    %dma_wait3A_1077 = arith.constant 0 : i32
    %dma_wait3A_1078 = tpu.memref_slice %arg2[%dma_wait3A_1076, %dma_wait3A_1077] : memref<16384x8xf32, #tpu.memory_space<hbm>> -> memref<16384x8xf32, #tpu.memory_space<hbm>>
    tpu.wait_indirect_dma semaphore(%arg7 : memref<!tpu.dma_semaphore, #tpu.memory_space<semaphore_mem>>) src(%dma_wait3A_1078 : memref<16384x8xf32, #tpu.memory_space<hbm>>) dst(%dma_wait3A_1072 : memref<128x8xf32, #tpu.memory_space<vmem>>)
    %dma_wait3A_1079 = arith.constant 44 : i32
    %dma_wait3A_1080 = arith.constant 5632 : i32
    %dma_wait3A_1081 = arith.constant 0 : i32
    %dma_wait3A_1082 = tpu.memref_slice %arg6[%dma_wait3A_1080, %dma_wait3A_1081] : memref<8192x8xf32, #tpu.memory_space<vmem>> -> memref<128x8xf32, #tpu.memory_space<vmem>>
    %dma_wait3A_1083 = arith.constant 0 : i32
    %dma_wait3A_1084 = tpu.memref_slice %arg5[%dma_wait3A_1079, %dma_wait3A_1083] : memref<64x128xi32, #tpu.memory_space<vmem>> -> memref<1x128xi32, #tpu.memory_space<vmem>>
    %dma_wait3A_1085 = tpu.memref_squeeze %dma_wait3A_1084 : memref<1x128xi32, #tpu.memory_space<vmem>> -> memref<128xi32, #tpu.memory_space<vmem>>
    %dma_wait3A_1086 = arith.constant 0 : i32
    %dma_wait3A_1087 = arith.constant 0 : i32
    %dma_wait3A_1088 = tpu.memref_slice %arg2[%dma_wait3A_1086, %dma_wait3A_1087] : memref<16384x8xf32, #tpu.memory_space<hbm>> -> memref<16384x8xf32, #tpu.memory_space<hbm>>
    tpu.wait_indirect_dma semaphore(%arg7 : memref<!tpu.dma_semaphore, #tpu.memory_space<semaphore_mem>>) src(%dma_wait3A_1088 : memref<16384x8xf32, #tpu.memory_space<hbm>>) dst(%dma_wait3A_1082 : memref<128x8xf32, #tpu.memory_space<vmem>>)
    %dma_wait3A_1089 = arith.constant 45 : i32
    %dma_wait3A_1090 = arith.constant 5760 : i32
    %dma_wait3A_1091 = arith.constant 0 : i32
    %dma_wait3A_1092 = tpu.memref_slice %arg6[%dma_wait3A_1090, %dma_wait3A_1091] : memref<8192x8xf32, #tpu.memory_space<vmem>> -> memref<128x8xf32, #tpu.memory_space<vmem>>
    %dma_wait3A_1093 = arith.constant 0 : i32
    %dma_wait3A_1094 = tpu.memref_slice %arg5[%dma_wait3A_1089, %dma_wait3A_1093] : memref<64x128xi32, #tpu.memory_space<vmem>> -> memref<1x128xi32, #tpu.memory_space<vmem>>
    %dma_wait3A_1095 = tpu.memref_squeeze %dma_wait3A_1094 : memref<1x128xi32, #tpu.memory_space<vmem>> -> memref<128xi32, #tpu.memory_space<vmem>>
    %dma_wait3A_1096 = arith.constant 0 : i32
    %dma_wait3A_1097 = arith.constant 0 : i32
    %dma_wait3A_1098 = tpu.memref_slice %arg2[%dma_wait3A_1096, %dma_wait3A_1097] : memref<16384x8xf32, #tpu.memory_space<hbm>> -> memref<16384x8xf32, #tpu.memory_space<hbm>>
    tpu.wait_indirect_dma semaphore(%arg7 : memref<!tpu.dma_semaphore, #tpu.memory_space<semaphore_mem>>) src(%dma_wait3A_1098 : memref<16384x8xf32, #tpu.memory_space<hbm>>) dst(%dma_wait3A_1092 : memref<128x8xf32, #tpu.memory_space<vmem>>)
    %dma_wait3A_1099 = arith.constant 46 : i32
    %dma_wait3A_1100 = arith.constant 5888 : i32
    %dma_wait3A_1101 = arith.constant 0 : i32
    %dma_wait3A_1102 = tpu.memref_slice %arg6[%dma_wait3A_1100, %dma_wait3A_1101] : memref<8192x8xf32, #tpu.memory_space<vmem>> -> memref<128x8xf32, #tpu.memory_space<vmem>>
    %dma_wait3A_1103 = arith.constant 0 : i32
    %dma_wait3A_1104 = tpu.memref_slice %arg5[%dma_wait3A_1099, %dma_wait3A_1103] : memref<64x128xi32, #tpu.memory_space<vmem>> -> memref<1x128xi32, #tpu.memory_space<vmem>>
    %dma_wait3A_1105 = tpu.memref_squeeze %dma_wait3A_1104 : memref<1x128xi32, #tpu.memory_space<vmem>> -> memref<128xi32, #tpu.memory_space<vmem>>
    %dma_wait3A_1106 = arith.constant 0 : i32
    %dma_wait3A_1107 = arith.constant 0 : i32
    %dma_wait3A_1108 = tpu.memref_slice %arg2[%dma_wait3A_1106, %dma_wait3A_1107] : memref<16384x8xf32, #tpu.memory_space<hbm>> -> memref<16384x8xf32, #tpu.memory_space<hbm>>
    tpu.wait_indirect_dma semaphore(%arg7 : memref<!tpu.dma_semaphore, #tpu.memory_space<semaphore_mem>>) src(%dma_wait3A_1108 : memref<16384x8xf32, #tpu.memory_space<hbm>>) dst(%dma_wait3A_1102 : memref<128x8xf32, #tpu.memory_space<vmem>>)
    %dma_wait3A_1109 = arith.constant 47 : i32
    %dma_wait3A_1110 = arith.constant 6016 : i32
    %dma_wait3A_1111 = arith.constant 0 : i32
    %dma_wait3A_1112 = tpu.memref_slice %arg6[%dma_wait3A_1110, %dma_wait3A_1111] : memref<8192x8xf32, #tpu.memory_space<vmem>> -> memref<128x8xf32, #tpu.memory_space<vmem>>
    %dma_wait3A_1113 = arith.constant 0 : i32
    %dma_wait3A_1114 = tpu.memref_slice %arg5[%dma_wait3A_1109, %dma_wait3A_1113] : memref<64x128xi32, #tpu.memory_space<vmem>> -> memref<1x128xi32, #tpu.memory_space<vmem>>
    %dma_wait3A_1115 = tpu.memref_squeeze %dma_wait3A_1114 : memref<1x128xi32, #tpu.memory_space<vmem>> -> memref<128xi32, #tpu.memory_space<vmem>>
    %dma_wait3A_1116 = arith.constant 0 : i32
    %dma_wait3A_1117 = arith.constant 0 : i32
    %dma_wait3A_1118 = tpu.memref_slice %arg2[%dma_wait3A_1116, %dma_wait3A_1117] : memref<16384x8xf32, #tpu.memory_space<hbm>> -> memref<16384x8xf32, #tpu.memory_space<hbm>>
    tpu.wait_indirect_dma semaphore(%arg7 : memref<!tpu.dma_semaphore, #tpu.memory_space<semaphore_mem>>) src(%dma_wait3A_1118 : memref<16384x8xf32, #tpu.memory_space<hbm>>) dst(%dma_wait3A_1112 : memref<128x8xf32, #tpu.memory_space<vmem>>)
    %dma_wait3A_1119 = arith.constant 48 : i32
    %dma_wait3A_1120 = arith.constant 6144 : i32
    %dma_wait3A_1121 = arith.constant 0 : i32
    %dma_wait3A_1122 = tpu.memref_slice %arg6[%dma_wait3A_1120, %dma_wait3A_1121] : memref<8192x8xf32, #tpu.memory_space<vmem>> -> memref<128x8xf32, #tpu.memory_space<vmem>>
    %dma_wait3A_1123 = arith.constant 0 : i32
    %dma_wait3A_1124 = tpu.memref_slice %arg5[%dma_wait3A_1119, %dma_wait3A_1123] : memref<64x128xi32, #tpu.memory_space<vmem>> -> memref<1x128xi32, #tpu.memory_space<vmem>>
    %dma_wait3A_1125 = tpu.memref_squeeze %dma_wait3A_1124 : memref<1x128xi32, #tpu.memory_space<vmem>> -> memref<128xi32, #tpu.memory_space<vmem>>
    %dma_wait3A_1126 = arith.constant 0 : i32
    %dma_wait3A_1127 = arith.constant 0 : i32
    %dma_wait3A_1128 = tpu.memref_slice %arg2[%dma_wait3A_1126, %dma_wait3A_1127] : memref<16384x8xf32, #tpu.memory_space<hbm>> -> memref<16384x8xf32, #tpu.memory_space<hbm>>
    tpu.wait_indirect_dma semaphore(%arg7 : memref<!tpu.dma_semaphore, #tpu.memory_space<semaphore_mem>>) src(%dma_wait3A_1128 : memref<16384x8xf32, #tpu.memory_space<hbm>>) dst(%dma_wait3A_1122 : memref<128x8xf32, #tpu.memory_space<vmem>>)
    %dma_wait3A_1129 = arith.constant 49 : i32
    %dma_wait3A_1130 = arith.constant 6272 : i32
    %dma_wait3A_1131 = arith.constant 0 : i32
    %dma_wait3A_1132 = tpu.memref_slice %arg6[%dma_wait3A_1130, %dma_wait3A_1131] : memref<8192x8xf32, #tpu.memory_space<vmem>> -> memref<128x8xf32, #tpu.memory_space<vmem>>
    %dma_wait3A_1133 = arith.constant 0 : i32
    %dma_wait3A_1134 = tpu.memref_slice %arg5[%dma_wait3A_1129, %dma_wait3A_1133] : memref<64x128xi32, #tpu.memory_space<vmem>> -> memref<1x128xi32, #tpu.memory_space<vmem>>
    %dma_wait3A_1135 = tpu.memref_squeeze %dma_wait3A_1134 : memref<1x128xi32, #tpu.memory_space<vmem>> -> memref<128xi32, #tpu.memory_space<vmem>>
    %dma_wait3A_1136 = arith.constant 0 : i32
    %dma_wait3A_1137 = arith.constant 0 : i32
    %dma_wait3A_1138 = tpu.memref_slice %arg2[%dma_wait3A_1136, %dma_wait3A_1137] : memref<16384x8xf32, #tpu.memory_space<hbm>> -> memref<16384x8xf32, #tpu.memory_space<hbm>>
    tpu.wait_indirect_dma semaphore(%arg7 : memref<!tpu.dma_semaphore, #tpu.memory_space<semaphore_mem>>) src(%dma_wait3A_1138 : memref<16384x8xf32, #tpu.memory_space<hbm>>) dst(%dma_wait3A_1132 : memref<128x8xf32, #tpu.memory_space<vmem>>)
    %dma_wait3A_1139 = arith.constant 50 : i32
    %dma_wait3A_1140 = arith.constant 6400 : i32
    %dma_wait3A_1141 = arith.constant 0 : i32
    %dma_wait3A_1142 = tpu.memref_slice %arg6[%dma_wait3A_1140, %dma_wait3A_1141] : memref<8192x8xf32, #tpu.memory_space<vmem>> -> memref<128x8xf32, #tpu.memory_space<vmem>>
    %dma_wait3A_1143 = arith.constant 0 : i32
    %dma_wait3A_1144 = tpu.memref_slice %arg5[%dma_wait3A_1139, %dma_wait3A_1143] : memref<64x128xi32, #tpu.memory_space<vmem>> -> memref<1x128xi32, #tpu.memory_space<vmem>>
    %dma_wait3A_1145 = tpu.memref_squeeze %dma_wait3A_1144 : memref<1x128xi32, #tpu.memory_space<vmem>> -> memref<128xi32, #tpu.memory_space<vmem>>
    %dma_wait3A_1146 = arith.constant 0 : i32
    %dma_wait3A_1147 = arith.constant 0 : i32
    %dma_wait3A_1148 = tpu.memref_slice %arg2[%dma_wait3A_1146, %dma_wait3A_1147] : memref<16384x8xf32, #tpu.memory_space<hbm>> -> memref<16384x8xf32, #tpu.memory_space<hbm>>
    tpu.wait_indirect_dma semaphore(%arg7 : memref<!tpu.dma_semaphore, #tpu.memory_space<semaphore_mem>>) src(%dma_wait3A_1148 : memref<16384x8xf32, #tpu.memory_space<hbm>>) dst(%dma_wait3A_1142 : memref<128x8xf32, #tpu.memory_space<vmem>>)
    %dma_wait3A_1149 = arith.constant 51 : i32
    %dma_wait3A_1150 = arith.constant 6528 : i32
    %dma_wait3A_1151 = arith.constant 0 : i32
    %dma_wait3A_1152 = tpu.memref_slice %arg6[%dma_wait3A_1150, %dma_wait3A_1151] : memref<8192x8xf32, #tpu.memory_space<vmem>> -> memref<128x8xf32, #tpu.memory_space<vmem>>
    %dma_wait3A_1153 = arith.constant 0 : i32
    %dma_wait3A_1154 = tpu.memref_slice %arg5[%dma_wait3A_1149, %dma_wait3A_1153] : memref<64x128xi32, #tpu.memory_space<vmem>> -> memref<1x128xi32, #tpu.memory_space<vmem>>
    %dma_wait3A_1155 = tpu.memref_squeeze %dma_wait3A_1154 : memref<1x128xi32, #tpu.memory_space<vmem>> -> memref<128xi32, #tpu.memory_space<vmem>>
    %dma_wait3A_1156 = arith.constant 0 : i32
    %dma_wait3A_1157 = arith.constant 0 : i32
    %dma_wait3A_1158 = tpu.memref_slice %arg2[%dma_wait3A_1156, %dma_wait3A_1157] : memref<16384x8xf32, #tpu.memory_space<hbm>> -> memref<16384x8xf32, #tpu.memory_space<hbm>>
    tpu.wait_indirect_dma semaphore(%arg7 : memref<!tpu.dma_semaphore, #tpu.memory_space<semaphore_mem>>) src(%dma_wait3A_1158 : memref<16384x8xf32, #tpu.memory_space<hbm>>) dst(%dma_wait3A_1152 : memref<128x8xf32, #tpu.memory_space<vmem>>)
    %dma_wait3A_1159 = arith.constant 52 : i32
    %dma_wait3A_1160 = arith.constant 6656 : i32
    %dma_wait3A_1161 = arith.constant 0 : i32
    %dma_wait3A_1162 = tpu.memref_slice %arg6[%dma_wait3A_1160, %dma_wait3A_1161] : memref<8192x8xf32, #tpu.memory_space<vmem>> -> memref<128x8xf32, #tpu.memory_space<vmem>>
    %dma_wait3A_1163 = arith.constant 0 : i32
    %dma_wait3A_1164 = tpu.memref_slice %arg5[%dma_wait3A_1159, %dma_wait3A_1163] : memref<64x128xi32, #tpu.memory_space<vmem>> -> memref<1x128xi32, #tpu.memory_space<vmem>>
    %dma_wait3A_1165 = tpu.memref_squeeze %dma_wait3A_1164 : memref<1x128xi32, #tpu.memory_space<vmem>> -> memref<128xi32, #tpu.memory_space<vmem>>
    %dma_wait3A_1166 = arith.constant 0 : i32
    %dma_wait3A_1167 = arith.constant 0 : i32
    %dma_wait3A_1168 = tpu.memref_slice %arg2[%dma_wait3A_1166, %dma_wait3A_1167] : memref<16384x8xf32, #tpu.memory_space<hbm>> -> memref<16384x8xf32, #tpu.memory_space<hbm>>
    tpu.wait_indirect_dma semaphore(%arg7 : memref<!tpu.dma_semaphore, #tpu.memory_space<semaphore_mem>>) src(%dma_wait3A_1168 : memref<16384x8xf32, #tpu.memory_space<hbm>>) dst(%dma_wait3A_1162 : memref<128x8xf32, #tpu.memory_space<vmem>>)
    %dma_wait3A_1169 = arith.constant 53 : i32
    %dma_wait3A_1170 = arith.constant 6784 : i32
    %dma_wait3A_1171 = arith.constant 0 : i32
    %dma_wait3A_1172 = tpu.memref_slice %arg6[%dma_wait3A_1170, %dma_wait3A_1171] : memref<8192x8xf32, #tpu.memory_space<vmem>> -> memref<128x8xf32, #tpu.memory_space<vmem>>
    %dma_wait3A_1173 = arith.constant 0 : i32
    %dma_wait3A_1174 = tpu.memref_slice %arg5[%dma_wait3A_1169, %dma_wait3A_1173] : memref<64x128xi32, #tpu.memory_space<vmem>> -> memref<1x128xi32, #tpu.memory_space<vmem>>
    %dma_wait3A_1175 = tpu.memref_squeeze %dma_wait3A_1174 : memref<1x128xi32, #tpu.memory_space<vmem>> -> memref<128xi32, #tpu.memory_space<vmem>>
    %dma_wait3A_1176 = arith.constant 0 : i32
    %dma_wait3A_1177 = arith.constant 0 : i32
    %dma_wait3A_1178 = tpu.memref_slice %arg2[%dma_wait3A_1176, %dma_wait3A_1177] : memref<16384x8xf32, #tpu.memory_space<hbm>> -> memref<16384x8xf32, #tpu.memory_space<hbm>>
    tpu.wait_indirect_dma semaphore(%arg7 : memref<!tpu.dma_semaphore, #tpu.memory_space<semaphore_mem>>) src(%dma_wait3A_1178 : memref<16384x8xf32, #tpu.memory_space<hbm>>) dst(%dma_wait3A_1172 : memref<128x8xf32, #tpu.memory_space<vmem>>)
    %dma_wait3A_1179 = arith.constant 54 : i32
    %dma_wait3A_1180 = arith.constant 6912 : i32
    %dma_wait3A_1181 = arith.constant 0 : i32
    %dma_wait3A_1182 = tpu.memref_slice %arg6[%dma_wait3A_1180, %dma_wait3A_1181] : memref<8192x8xf32, #tpu.memory_space<vmem>> -> memref<128x8xf32, #tpu.memory_space<vmem>>
    %dma_wait3A_1183 = arith.constant 0 : i32
    %dma_wait3A_1184 = tpu.memref_slice %arg5[%dma_wait3A_1179, %dma_wait3A_1183] : memref<64x128xi32, #tpu.memory_space<vmem>> -> memref<1x128xi32, #tpu.memory_space<vmem>>
    %dma_wait3A_1185 = tpu.memref_squeeze %dma_wait3A_1184 : memref<1x128xi32, #tpu.memory_space<vmem>> -> memref<128xi32, #tpu.memory_space<vmem>>
    %dma_wait3A_1186 = arith.constant 0 : i32
    %dma_wait3A_1187 = arith.constant 0 : i32
    %dma_wait3A_1188 = tpu.memref_slice %arg2[%dma_wait3A_1186, %dma_wait3A_1187] : memref<16384x8xf32, #tpu.memory_space<hbm>> -> memref<16384x8xf32, #tpu.memory_space<hbm>>
    tpu.wait_indirect_dma semaphore(%arg7 : memref<!tpu.dma_semaphore, #tpu.memory_space<semaphore_mem>>) src(%dma_wait3A_1188 : memref<16384x8xf32, #tpu.memory_space<hbm>>) dst(%dma_wait3A_1182 : memref<128x8xf32, #tpu.memory_space<vmem>>)
    %dma_wait3A_1189 = arith.constant 55 : i32
    %dma_wait3A_1190 = arith.constant 7040 : i32
    %dma_wait3A_1191 = arith.constant 0 : i32
    %dma_wait3A_1192 = tpu.memref_slice %arg6[%dma_wait3A_1190, %dma_wait3A_1191] : memref<8192x8xf32, #tpu.memory_space<vmem>> -> memref<128x8xf32, #tpu.memory_space<vmem>>
    %dma_wait3A_1193 = arith.constant 0 : i32
    %dma_wait3A_1194 = tpu.memref_slice %arg5[%dma_wait3A_1189, %dma_wait3A_1193] : memref<64x128xi32, #tpu.memory_space<vmem>> -> memref<1x128xi32, #tpu.memory_space<vmem>>
    %dma_wait3A_1195 = tpu.memref_squeeze %dma_wait3A_1194 : memref<1x128xi32, #tpu.memory_space<vmem>> -> memref<128xi32, #tpu.memory_space<vmem>>
    %dma_wait3A_1196 = arith.constant 0 : i32
    %dma_wait3A_1197 = arith.constant 0 : i32
    %dma_wait3A_1198 = tpu.memref_slice %arg2[%dma_wait3A_1196, %dma_wait3A_1197] : memref<16384x8xf32, #tpu.memory_space<hbm>> -> memref<16384x8xf32, #tpu.memory_space<hbm>>
    tpu.wait_indirect_dma semaphore(%arg7 : memref<!tpu.dma_semaphore, #tpu.memory_space<semaphore_mem>>) src(%dma_wait3A_1198 : memref<16384x8xf32, #tpu.memory_space<hbm>>) dst(%dma_wait3A_1192 : memref<128x8xf32, #tpu.memory_space<vmem>>)
    %dma_wait3A_1199 = arith.constant 56 : i32
    %dma_wait3A_1200 = arith.constant 7168 : i32
    %dma_wait3A_1201 = arith.constant 0 : i32
    %dma_wait3A_1202 = tpu.memref_slice %arg6[%dma_wait3A_1200, %dma_wait3A_1201] : memref<8192x8xf32, #tpu.memory_space<vmem>> -> memref<128x8xf32, #tpu.memory_space<vmem>>
    %dma_wait3A_1203 = arith.constant 0 : i32
    %dma_wait3A_1204 = tpu.memref_slice %arg5[%dma_wait3A_1199, %dma_wait3A_1203] : memref<64x128xi32, #tpu.memory_space<vmem>> -> memref<1x128xi32, #tpu.memory_space<vmem>>
    %dma_wait3A_1205 = tpu.memref_squeeze %dma_wait3A_1204 : memref<1x128xi32, #tpu.memory_space<vmem>> -> memref<128xi32, #tpu.memory_space<vmem>>
    %dma_wait3A_1206 = arith.constant 0 : i32
    %dma_wait3A_1207 = arith.constant 0 : i32
    %dma_wait3A_1208 = tpu.memref_slice %arg2[%dma_wait3A_1206, %dma_wait3A_1207] : memref<16384x8xf32, #tpu.memory_space<hbm>> -> memref<16384x8xf32, #tpu.memory_space<hbm>>
    tpu.wait_indirect_dma semaphore(%arg7 : memref<!tpu.dma_semaphore, #tpu.memory_space<semaphore_mem>>) src(%dma_wait3A_1208 : memref<16384x8xf32, #tpu.memory_space<hbm>>) dst(%dma_wait3A_1202 : memref<128x8xf32, #tpu.memory_space<vmem>>)
    %dma_wait3A_1209 = arith.constant 57 : i32
    %dma_wait3A_1210 = arith.constant 7296 : i32
    %dma_wait3A_1211 = arith.constant 0 : i32
    %dma_wait3A_1212 = tpu.memref_slice %arg6[%dma_wait3A_1210, %dma_wait3A_1211] : memref<8192x8xf32, #tpu.memory_space<vmem>> -> memref<128x8xf32, #tpu.memory_space<vmem>>
    %dma_wait3A_1213 = arith.constant 0 : i32
    %dma_wait3A_1214 = tpu.memref_slice %arg5[%dma_wait3A_1209, %dma_wait3A_1213] : memref<64x128xi32, #tpu.memory_space<vmem>> -> memref<1x128xi32, #tpu.memory_space<vmem>>
    %dma_wait3A_1215 = tpu.memref_squeeze %dma_wait3A_1214 : memref<1x128xi32, #tpu.memory_space<vmem>> -> memref<128xi32, #tpu.memory_space<vmem>>
    %dma_wait3A_1216 = arith.constant 0 : i32
    %dma_wait3A_1217 = arith.constant 0 : i32
    %dma_wait3A_1218 = tpu.memref_slice %arg2[%dma_wait3A_1216, %dma_wait3A_1217] : memref<16384x8xf32, #tpu.memory_space<hbm>> -> memref<16384x8xf32, #tpu.memory_space<hbm>>
    tpu.wait_indirect_dma semaphore(%arg7 : memref<!tpu.dma_semaphore, #tpu.memory_space<semaphore_mem>>) src(%dma_wait3A_1218 : memref<16384x8xf32, #tpu.memory_space<hbm>>) dst(%dma_wait3A_1212 : memref<128x8xf32, #tpu.memory_space<vmem>>)
    %dma_wait3A_1219 = arith.constant 58 : i32
    %dma_wait3A_1220 = arith.constant 7424 : i32
    %dma_wait3A_1221 = arith.constant 0 : i32
    %dma_wait3A_1222 = tpu.memref_slice %arg6[%dma_wait3A_1220, %dma_wait3A_1221] : memref<8192x8xf32, #tpu.memory_space<vmem>> -> memref<128x8xf32, #tpu.memory_space<vmem>>
    %dma_wait3A_1223 = arith.constant 0 : i32
    %dma_wait3A_1224 = tpu.memref_slice %arg5[%dma_wait3A_1219, %dma_wait3A_1223] : memref<64x128xi32, #tpu.memory_space<vmem>> -> memref<1x128xi32, #tpu.memory_space<vmem>>
    %dma_wait3A_1225 = tpu.memref_squeeze %dma_wait3A_1224 : memref<1x128xi32, #tpu.memory_space<vmem>> -> memref<128xi32, #tpu.memory_space<vmem>>
    %dma_wait3A_1226 = arith.constant 0 : i32
    %dma_wait3A_1227 = arith.constant 0 : i32
    %dma_wait3A_1228 = tpu.memref_slice %arg2[%dma_wait3A_1226, %dma_wait3A_1227] : memref<16384x8xf32, #tpu.memory_space<hbm>> -> memref<16384x8xf32, #tpu.memory_space<hbm>>
    tpu.wait_indirect_dma semaphore(%arg7 : memref<!tpu.dma_semaphore, #tpu.memory_space<semaphore_mem>>) src(%dma_wait3A_1228 : memref<16384x8xf32, #tpu.memory_space<hbm>>) dst(%dma_wait3A_1222 : memref<128x8xf32, #tpu.memory_space<vmem>>)
    %dma_wait3A_1229 = arith.constant 59 : i32
    %dma_wait3A_1230 = arith.constant 7552 : i32
    %dma_wait3A_1231 = arith.constant 0 : i32
    %dma_wait3A_1232 = tpu.memref_slice %arg6[%dma_wait3A_1230, %dma_wait3A_1231] : memref<8192x8xf32, #tpu.memory_space<vmem>> -> memref<128x8xf32, #tpu.memory_space<vmem>>
    %dma_wait3A_1233 = arith.constant 0 : i32
    %dma_wait3A_1234 = tpu.memref_slice %arg5[%dma_wait3A_1229, %dma_wait3A_1233] : memref<64x128xi32, #tpu.memory_space<vmem>> -> memref<1x128xi32, #tpu.memory_space<vmem>>
    %dma_wait3A_1235 = tpu.memref_squeeze %dma_wait3A_1234 : memref<1x128xi32, #tpu.memory_space<vmem>> -> memref<128xi32, #tpu.memory_space<vmem>>
    %dma_wait3A_1236 = arith.constant 0 : i32
    %dma_wait3A_1237 = arith.constant 0 : i32
    %dma_wait3A_1238 = tpu.memref_slice %arg2[%dma_wait3A_1236, %dma_wait3A_1237] : memref<16384x8xf32, #tpu.memory_space<hbm>> -> memref<16384x8xf32, #tpu.memory_space<hbm>>
    tpu.wait_indirect_dma semaphore(%arg7 : memref<!tpu.dma_semaphore, #tpu.memory_space<semaphore_mem>>) src(%dma_wait3A_1238 : memref<16384x8xf32, #tpu.memory_space<hbm>>) dst(%dma_wait3A_1232 : memref<128x8xf32, #tpu.memory_space<vmem>>)
    %dma_wait3A_1239 = arith.constant 60 : i32
    %dma_wait3A_1240 = arith.constant 7680 : i32
    %dma_wait3A_1241 = arith.constant 0 : i32
    %dma_wait3A_1242 = tpu.memref_slice %arg6[%dma_wait3A_1240, %dma_wait3A_1241] : memref<8192x8xf32, #tpu.memory_space<vmem>> -> memref<128x8xf32, #tpu.memory_space<vmem>>
    %dma_wait3A_1243 = arith.constant 0 : i32
    %dma_wait3A_1244 = tpu.memref_slice %arg5[%dma_wait3A_1239, %dma_wait3A_1243] : memref<64x128xi32, #tpu.memory_space<vmem>> -> memref<1x128xi32, #tpu.memory_space<vmem>>
    %dma_wait3A_1245 = tpu.memref_squeeze %dma_wait3A_1244 : memref<1x128xi32, #tpu.memory_space<vmem>> -> memref<128xi32, #tpu.memory_space<vmem>>
    %dma_wait3A_1246 = arith.constant 0 : i32
    %dma_wait3A_1247 = arith.constant 0 : i32
    %dma_wait3A_1248 = tpu.memref_slice %arg2[%dma_wait3A_1246, %dma_wait3A_1247] : memref<16384x8xf32, #tpu.memory_space<hbm>> -> memref<16384x8xf32, #tpu.memory_space<hbm>>
    tpu.wait_indirect_dma semaphore(%arg7 : memref<!tpu.dma_semaphore, #tpu.memory_space<semaphore_mem>>) src(%dma_wait3A_1248 : memref<16384x8xf32, #tpu.memory_space<hbm>>) dst(%dma_wait3A_1242 : memref<128x8xf32, #tpu.memory_space<vmem>>)
    %dma_wait3A_1249 = arith.constant 61 : i32
    %dma_wait3A_1250 = arith.constant 7808 : i32
    %dma_wait3A_1251 = arith.constant 0 : i32
    %dma_wait3A_1252 = tpu.memref_slice %arg6[%dma_wait3A_1250, %dma_wait3A_1251] : memref<8192x8xf32, #tpu.memory_space<vmem>> -> memref<128x8xf32, #tpu.memory_space<vmem>>
    %dma_wait3A_1253 = arith.constant 0 : i32
    %dma_wait3A_1254 = tpu.memref_slice %arg5[%dma_wait3A_1249, %dma_wait3A_1253] : memref<64x128xi32, #tpu.memory_space<vmem>> -> memref<1x128xi32, #tpu.memory_space<vmem>>
    %dma_wait3A_1255 = tpu.memref_squeeze %dma_wait3A_1254 : memref<1x128xi32, #tpu.memory_space<vmem>> -> memref<128xi32, #tpu.memory_space<vmem>>
    %dma_wait3A_1256 = arith.constant 0 : i32
    %dma_wait3A_1257 = arith.constant 0 : i32
    %dma_wait3A_1258 = tpu.memref_slice %arg2[%dma_wait3A_1256, %dma_wait3A_1257] : memref<16384x8xf32, #tpu.memory_space<hbm>> -> memref<16384x8xf32, #tpu.memory_space<hbm>>
    tpu.wait_indirect_dma semaphore(%arg7 : memref<!tpu.dma_semaphore, #tpu.memory_space<semaphore_mem>>) src(%dma_wait3A_1258 : memref<16384x8xf32, #tpu.memory_space<hbm>>) dst(%dma_wait3A_1252 : memref<128x8xf32, #tpu.memory_space<vmem>>)
    %dma_wait3A_1259 = arith.constant 62 : i32
    %dma_wait3A_1260 = arith.constant 7936 : i32
    %dma_wait3A_1261 = arith.constant 0 : i32
    %dma_wait3A_1262 = tpu.memref_slice %arg6[%dma_wait3A_1260, %dma_wait3A_1261] : memref<8192x8xf32, #tpu.memory_space<vmem>> -> memref<128x8xf32, #tpu.memory_space<vmem>>
    %dma_wait3A_1263 = arith.constant 0 : i32
    %dma_wait3A_1264 = tpu.memref_slice %arg5[%dma_wait3A_1259, %dma_wait3A_1263] : memref<64x128xi32, #tpu.memory_space<vmem>> -> memref<1x128xi32, #tpu.memory_space<vmem>>
    %dma_wait3A_1265 = tpu.memref_squeeze %dma_wait3A_1264 : memref<1x128xi32, #tpu.memory_space<vmem>> -> memref<128xi32, #tpu.memory_space<vmem>>
    %dma_wait3A_1266 = arith.constant 0 : i32
    %dma_wait3A_1267 = arith.constant 0 : i32
    %dma_wait3A_1268 = tpu.memref_slice %arg2[%dma_wait3A_1266, %dma_wait3A_1267] : memref<16384x8xf32, #tpu.memory_space<hbm>> -> memref<16384x8xf32, #tpu.memory_space<hbm>>
    tpu.wait_indirect_dma semaphore(%arg7 : memref<!tpu.dma_semaphore, #tpu.memory_space<semaphore_mem>>) src(%dma_wait3A_1268 : memref<16384x8xf32, #tpu.memory_space<hbm>>) dst(%dma_wait3A_1262 : memref<128x8xf32, #tpu.memory_space<vmem>>)
    %dma_wait3A_1269 = arith.constant 63 : i32
    %dma_wait3A_1270 = arith.constant 8064 : i32
    %dma_wait3A_1271 = arith.constant 0 : i32
    %dma_wait3A_1272 = tpu.memref_slice %arg6[%dma_wait3A_1270, %dma_wait3A_1271] : memref<8192x8xf32, #tpu.memory_space<vmem>> -> memref<128x8xf32, #tpu.memory_space<vmem>>
    %dma_wait3A_1273 = arith.constant 0 : i32
    %dma_wait3A_1274 = tpu.memref_slice %arg5[%dma_wait3A_1269, %dma_wait3A_1273] : memref<64x128xi32, #tpu.memory_space<vmem>> -> memref<1x128xi32, #tpu.memory_space<vmem>>
    %dma_wait3A_1275 = tpu.memref_squeeze %dma_wait3A_1274 : memref<1x128xi32, #tpu.memory_space<vmem>> -> memref<128xi32, #tpu.memory_space<vmem>>
    %dma_wait3A_1276 = arith.constant 0 : i32
    %dma_wait3A_1277 = arith.constant 0 : i32
    %dma_wait3A_1278 = tpu.memref_slice %arg2[%dma_wait3A_1276, %dma_wait3A_1277] : memref<16384x8xf32, #tpu.memory_space<hbm>> -> memref<16384x8xf32, #tpu.memory_space<hbm>>
    tpu.wait_indirect_dma semaphore(%arg7 : memref<!tpu.dma_semaphore, #tpu.memory_space<semaphore_mem>>) src(%dma_wait3A_1278 : memref<16384x8xf32, #tpu.memory_space<hbm>>) dst(%dma_wait3A_1272 : memref<128x8xf32, #tpu.memory_space<vmem>>)
    %mul3A_1279 = arith.constant 8192 : i32
    %mul3A_1280 = arith.muli %add3A, %mul3A_1279 : i32
    "tpu.region"() ({
      %run_scoped3A = tpu.sem_alloc : memref<!tpu.dma_semaphore, #tpu.memory_space<semaphore_mem>>
      %dma_start3A_1281 = arith.constant 0 : i32
      %dma_start3A_1282 = tpu.memref_slice %arg4[%mul3A_1280, %dma_start3A_1281] : memref<262144x8xf32, #tpu.memory_space<hbm>> -> memref<8192x8xf32, #tpu.memory_space<hbm>>
      %dma_start3A_1283 = arith.constant 0 : i32
      %dma_start3A_1284 = tpu.memref_slice %arg4[%mul3A_1280, %dma_start3A_1283] : memref<262144x8xf32, #tpu.memory_space<hbm>> -> memref<8192x8xf32, #tpu.memory_space<hbm>>
      tpu.enqueue_dma source(%arg6 : memref<8192x8xf32, #tpu.memory_space<vmem>>) target(%dma_start3A_1284 : memref<8192x8xf32, #tpu.memory_space<hbm>>) target_semaphore(%run_scoped3A : memref<!tpu.dma_semaphore, #tpu.memory_space<semaphore_mem>>)
      %dma_wait3A_1285 = arith.constant 0 : i32
      %dma_wait3A_1286 = tpu.memref_slice %arg4[%mul3A_1280, %dma_wait3A_1285] : memref<262144x8xf32, #tpu.memory_space<hbm>> -> memref<8192x8xf32, #tpu.memory_space<hbm>>
      %dma_wait3A_1287 = arith.constant 0 : i32
      %dma_wait3A_1288 = tpu.memref_slice %arg4[%mul3A_1280, %dma_wait3A_1287] : memref<262144x8xf32, #tpu.memory_space<hbm>> -> memref<8192x8xf32, #tpu.memory_space<hbm>>
      tpu.wait_dma2 semaphore(%run_scoped3A : memref<!tpu.dma_semaphore, #tpu.memory_space<semaphore_mem>>) src(%arg6 : memref<8192x8xf32, #tpu.memory_space<vmem>>) dst(%dma_wait3A_1288 : memref<8192x8xf32, #tpu.memory_space<hbm>>)
      tpu.yield
    }) : () -> ()
    return
  }
}

module attributes {stable_mosaic.version = 14 : i64} {
  func.func @_knn_kernel(%arg0: i32, %arg1: i32, %arg2: memref<1x8192x3xf32, #tpu.memory_space<vmem>>, %arg3: memref<1x256x16xi32, #tpu.memory_space<vmem>>, %arg4: memref<256x8192xf32, #tpu.memory_space<vmem>>, %arg5: memref<32x256xf32, #tpu.memory_space<vmem>>) attributes {dimension_semantics = [#tpu.dimension_semantics<arbitrary>, #tpu.dimension_semantics<arbitrary>], iteration_bounds = array<i64: 2, 32>, scalar_prefetch = 0 : i64, scratch_operands = 2 : i64, tpu.core_type = #tpu.core_type<tc>, window_params = [{transform_indices = @transform_0, window_bounds = array<i64: 1, 8192, 3>}, {transform_indices = @transform_1, window_bounds = array<i64: 1, 256, 16>}]} {
    %get3A = arith.constant 0 : index
    %get3A_0 = arith.constant 0 : index
    %get3A_1 = arith.constant 0 : index
    %get3A_2 = vector.load %arg2[%get3A, %get3A_0, %get3A_1] : memref<1x8192x3xf32, #tpu.memory_space<vmem>>, vector<1x8192x3xf32>
    %get3A_3 = vector.shape_cast %get3A_2 : vector<1x8192x3xf32> to vector<8192x3xf32>
    %mul3A = arith.constant 256 : i32
    %mul3A_4 = arith.muli %arg1, %mul3A : i32
    %get3A_5 = arith.constant 0 : index
    %get3A_6 = arith.index_cast %mul3A_4 : i32 to index
    %get3A_7 = arith.constant 0 : index
    %get3A_8 = vector.load %arg2[%get3A_5, %get3A_6, %get3A_7] : memref<1x8192x3xf32, #tpu.memory_space<vmem>>, vector<1x256x3xf32>
    %get3A_9 = vector.shape_cast %get3A_8 : vector<1x256x3xf32> to vector<256x3xf32>
    %mul3A_10 = arith.mulf %get3A_3, %get3A_3 : vector<8192x3xf32>
    %reduce_sum3A = arith.constant dense<0.000000e+00> : vector<8192xf32>
    %reduce_sum3A_11 = vector.multi_reduction <add>, %mul3A_10, %reduce_sum3A [1] : vector<8192x3xf32> to vector<8192xf32>
    %mul3A_12 = arith.mulf %get3A_9, %get3A_9 : vector<256x3xf32>
    %reduce_sum3A_13 = arith.constant dense<0.000000e+00> : vector<256xf32>
    %reduce_sum3A_14 = vector.multi_reduction <add>, %mul3A_12, %reduce_sum3A_13 [1] : vector<256x3xf32> to vector<256xf32>
    %dot_general3A = arith.constant dense<0.000000e+00> : vector<256x8192xf32>
    %dot_general3A_15 = tpu.matmul %get3A_9, %get3A_3, %dot_general3A {dimension_numbers = #tpu.dot_dimension_numbers<[1], [1], [0], [0], [0, 0, 1, 0], [], []>, transpose_lhs_hint = false} : vector<256x3xf32>, vector<8192x3xf32>, vector<256x8192xf32> -> vector<256x8192xf32>
    %broadcast_in_dim3A = vector.shape_cast %reduce_sum3A_14 : vector<256xf32> to vector<256x1xf32>
    %broadcast_in_dim3A_16 = vector.shape_cast %reduce_sum3A_11 : vector<8192xf32> to vector<1x8192xf32>
    %add3A = vector.broadcast %broadcast_in_dim3A : vector<256x1xf32> to vector<256x8192xf32>
    %add3A_17 = vector.broadcast %broadcast_in_dim3A_16 : vector<1x8192xf32> to vector<256x8192xf32>
    %add3A_18 = arith.addf %add3A, %add3A_17 : vector<256x8192xf32>
    %mul3A_19 = arith.constant 2.000000e+00 : f32
    %mul3A_20 = vector.broadcast %mul3A_19 : f32 to vector<256x8192xf32>
    %mul3A_21 = arith.mulf %mul3A_20, %dot_general3A_15 : vector<256x8192xf32>
    %sub3A = arith.subf %add3A_18, %mul3A_21 : vector<256x8192xf32>
    %max3A = arith.constant 0.000000e+00 : f32
    %max3A_22 = vector.broadcast %max3A : f32 to vector<256x8192xf32>
    %max3A_23 = arith.maximumf %sub3A, %max3A_22 : vector<256x8192xf32>
    %sqrt3A = math.sqrt %max3A_23 : vector<256x8192xf32>
    %swap3A = arith.constant 0 : index
    %swap3A_24 = arith.constant 0 : index
    %swap3A_25 = vector.load %arg4[%swap3A, %swap3A_24] : memref<256x8192xf32, #tpu.memory_space<vmem>>, vector<256x8192xf32>
    tpu.vector_store %arg4[%swap3A, %swap3A_24], %sqrt3A {strides = array<i32>} : memref<256x8192xf32, #tpu.memory_space<vmem>>, vector<256x8192xf32>,
    %scan3A = arith.constant 0 : i32
    %scan3A_26 = arith.constant 31 : i32
    %scan3A_27 = arith.addi %scan3A, %scan3A_26 : i32
    %scan3A_28 = arith.constant 1 : i32
    scf.for %scan3A_43 = %scan3A to %scan3A_27 step %scan3A_28  : i32 {
      %get3A_44 = arith.constant 0 : index
      %get3A_45 = arith.constant 0 : index
      %get3A_46 = vector.load %arg4[%get3A_44, %get3A_45] : memref<256x8192xf32, #tpu.memory_space<vmem>>, vector<256x8192xf32>
      %iota3A = tpu.iota {dimensions = array<i32: 1>} : vector<256x8192xi32>
      %convert_element_type3A_47 = arith.sitofp %iota3A : vector<256x8192xi32> to vector<256x8192xf32>
      %reduce_min3A = arith.constant dense<0x7F800000> : vector<256xf32>
      %reduce_min3A_48 = vector.multi_reduction <minimumf>, %get3A_46, %reduce_min3A [1] : vector<256x8192xf32> to vector<256xf32>
      %broadcast_in_dim3A_49 = vector.shape_cast %reduce_min3A_48 : vector<256xf32> to vector<256x1xf32>
      %eq3A = vector.broadcast %broadcast_in_dim3A_49 : vector<256x1xf32> to vector<256x8192xf32>
      %eq3A_50 = arith.cmpf oeq, %get3A_46, %eq3A : vector<256x8192xf32>
      %jit3A = arith.constant 8.192000e+03 : f32
      %broadcast_in_dim3A_51 = vector.broadcast %jit3A : f32 to vector<256x8192xf32>
      %select_n3A = arith.select %eq3A_50, %convert_element_type3A_47, %broadcast_in_dim3A_51 : vector<256x8192xi1>, vector<256x8192xf32>
      %reduce_min3A_52 = arith.constant dense<0x7F800000> : vector<256xf32>
      %reduce_min3A_53 = vector.multi_reduction <minimumf>, %select_n3A, %reduce_min3A_52 [1] : vector<256x8192xf32> to vector<256xf32>
      %broadcast_in_dim3A_54 = vector.shape_cast %reduce_min3A_53 : vector<256xf32> to vector<256x1xf32>
      %transpose3A_55 = tpu.transpose %broadcast_in_dim3A_54, [1, 0] : vector<256x1xf32> -> vector<1x256xf32>
      %swap3A_56 = arith.index_cast %scan3A_43 : i32 to index
      %swap3A_57 = arith.constant 0 : index
      %swap3A_58 = vector.load %arg5[%swap3A_56, %swap3A_57] : memref<32x256xf32, #tpu.memory_space<vmem>>, vector<1x256xf32>
      tpu.vector_store %arg5[%swap3A_56, %swap3A_57], %transpose3A_55 {strides = array<i32>} : memref<32x256xf32, #tpu.memory_space<vmem>>, vector<1x256xf32>,
      %eq3A_59 = vector.broadcast %broadcast_in_dim3A_54 : vector<256x1xf32> to vector<256x8192xf32>
      %eq3A_60 = arith.cmpf oeq, %convert_element_type3A_47, %eq3A_59 : vector<256x8192xf32>
      %jit3A_61 = arith.constant 0x7F800000 : f32
      %broadcast_in_dim3A_62 = vector.broadcast %jit3A_61 : f32 to vector<256x8192xf32>
      %select_n3A_63 = arith.select %eq3A_60, %broadcast_in_dim3A_62, %get3A_46 : vector<256x8192xi1>, vector<256x8192xf32>
      %swap3A_64 = arith.constant 0 : index
      %swap3A_65 = arith.constant 0 : index
      %swap3A_66 = vector.load %arg4[%swap3A_64, %swap3A_65] : memref<256x8192xf32, #tpu.memory_space<vmem>>, vector<256x8192xf32>
      tpu.vector_store %arg4[%swap3A_64, %swap3A_65], %select_n3A_63 {strides = array<i32>} : memref<256x8192xf32, #tpu.memory_space<vmem>>, vector<256x8192xf32>,
    }
    %scan3A_29 = arith.constant 31 : i32
    %get3A_30 = arith.constant 0 : index
    %get3A_31 = arith.constant 0 : index
    %get3A_32 = vector.load %arg5[%get3A_30, %get3A_31] : memref<32x256xf32, #tpu.memory_space<vmem>>, vector<32x256xf32>
    %reshape3A = vector.shape_cast %get3A_32 : vector<32x256xf32> to vector<16x2x256xf32>
    %slice3A = vector.extract_strided_slice %reshape3A {offsets = [0, 0, 0], sizes = [16, 1, 256], strides = [1, 1, 1]} : vector<16x2x256xf32> to vector<16x1x256xf32>
    %squeeze3A = vector.shape_cast %slice3A : vector<16x1x256xf32> to vector<16x256xf32>
    %transpose3A = tpu.transpose %squeeze3A, [1, 0] : vector<16x256xf32> -> vector<256x16xf32>
    %convert_element_type3A = arith.fptosi %transpose3A : vector<256x16xf32> to vector<256x16xi32>
    %mul3A_33 = arith.constant 8192 : i32
    %mul3A_34 = arith.muli %arg0, %mul3A_33 : i32
    %add3A_35 = vector.broadcast %mul3A_34 : i32 to vector<256x16xi32>
    %add3A_36 = arith.addi %convert_element_type3A, %add3A_35 : vector<256x16xi32>
    %swap3A_37 = arith.constant 0 : index
    %swap3A_38 = arith.constant 0 : index
    %swap3A_39 = arith.constant 0 : index
    %swap3A_40 = vector.load %arg3[%swap3A_37, %swap3A_38, %swap3A_39] : memref<1x256x16xi32, #tpu.memory_space<vmem>>, vector<1x256x16xi32>
    %swap3A_41 = vector.shape_cast %swap3A_40 : vector<1x256x16xi32> to vector<256x16xi32>
    %swap3A_42 = vector.shape_cast %add3A_36 : vector<256x16xi32> to vector<1x256x16xi32>
    tpu.vector_store %arg3[%swap3A_37, %swap3A_38, %swap3A_39], %swap3A_42 {strides = array<i32>} : memref<1x256x16xi32, #tpu.memory_space<vmem>>, vector<1x256x16xi32>,
    return
  }
  func.func @transform_0(%arg0: i32, %arg1: i32) -> (i32, i32, i32) {
    %c0_i32 = arith.constant 0 : i32
    %c0_i32_0 = arith.constant 0 : i32
    %c0_i32_1 = arith.constant 0 : i32
    return %arg0, %c0_i32, %c0_i32_0 : i32, i32, i32
  }
  func.func @transform_1(%arg0: i32, %arg1: i32) -> (i32, i32, i32) {
    %c0_i32 = arith.constant 0 : i32
    %c0_i32_0 = arith.constant 0 : i32
    return %arg0, %arg1, %c0_i32 : i32, i32, i32
  }
}

module attributes {stable_mosaic.version = 14 : i64} {
  func.func @_fa_kernel(%arg0: i32, %arg1: i32, %arg2: memref<4096x8xf32, #tpu.memory_space<vmem>>, %arg3: memref<256x8xf32, #tpu.memory_space<vmem>>, %arg4: memref<256x16xf32, #tpu.memory_space<vmem>>) attributes {dimension_semantics = [#tpu.dimension_semantics<arbitrary>, #tpu.dimension_semantics<arbitrary>], iteration_bounds = array<i64: 2, 32>, scalar_prefetch = 0 : i64, scratch_operands = 0 : i64, tpu.core_type = #tpu.core_type<tc>, window_params = [{transform_indices = @transform_0, window_bounds = array<i64: 4096, 8>}, {transform_indices = @transform_1, window_bounds = array<i64: 256, 8>}, {transform_indices = @transform_2, window_bounds = array<i64: 256, 16>}]} {
    %get3A = arith.constant 0 : index
    %get3A_0 = arith.constant 0 : index
    %get3A_1 = vector.load %arg2[%get3A, %get3A_0] : memref<4096x8xf32, #tpu.memory_space<vmem>>, vector<4096x8xf32>
    %get3A_2 = arith.constant 0 : index
    %get3A_3 = arith.constant 0 : index
    %get3A_4 = vector.load %arg3[%get3A_2, %get3A_3] : memref<256x8xf32, #tpu.memory_space<vmem>>, vector<256x8xf32>
    %broadcast_in_dim3A = vector.shape_cast %get3A_4 : vector<256x8xf32> to vector<256x1x8xf32>
    %broadcast_in_dim3A_5 = vector.shape_cast %broadcast_in_dim3A : vector<256x1x8xf32> to vector<256x1x8xf32>
    %broadcast_in_dim3A_6 = vector.broadcast %broadcast_in_dim3A_5 : vector<256x1x8xf32> to vector<256x16x8xf32>
    %reshape3A = vector.shape_cast %broadcast_in_dim3A_6 : vector<256x16x8xf32> to vector<4096x8xf32>
    %slice3A = vector.extract_strided_slice %reshape3A {offsets = [0, 3], sizes = [4096, 3], strides = [1, 1]} : vector<4096x8xf32> to vector<4096x3xf32>
    %slice3A_7 = vector.extract_strided_slice %get3A_1 {offsets = [0, 3], sizes = [4096, 3], strides = [1, 1]} : vector<4096x8xf32> to vector<4096x3xf32>
    %sub3A = arith.subf %slice3A, %slice3A_7 : vector<4096x3xf32>
    %add3A = arith.constant 9.99999997E-7 : f32
    %add3A_8 = vector.broadcast %add3A : f32 to vector<4096x3xf32>
    %add3A_9 = arith.addf %sub3A, %add3A_8 : vector<4096x3xf32>
    %mul3A = arith.mulf %add3A_9, %add3A_9 : vector<4096x3xf32>
    %reduce_sum3A = arith.constant dense<0.000000e+00> : vector<4096xf32>
    %reduce_sum3A_10 = vector.multi_reduction <add>, %mul3A, %reduce_sum3A [1] : vector<4096x3xf32> to vector<4096xf32>
    %sqrt3A = math.sqrt %reduce_sum3A_10 : vector<4096xf32>
    %reshape3A_11 = vector.shape_cast %sqrt3A : vector<4096xf32> to vector<256x16xf32>
    %swap3A = arith.constant 0 : index
    %swap3A_12 = arith.constant 0 : index
    %swap3A_13 = vector.load %arg4[%swap3A, %swap3A_12] : memref<256x16xf32, #tpu.memory_space<vmem>>, vector<256x16xf32>
    tpu.vector_store %arg4[%swap3A, %swap3A_12], %reshape3A_11 {strides = array<i32>} : memref<256x16xf32, #tpu.memory_space<vmem>>, vector<256x16xf32>,
    return
  }
  func.func @transform_0(%arg0: i32, %arg1: i32) -> (i32, i32) {
    %mul3A = arith.constant 32 : i32
    %mul3A_0 = arith.muli %arg0, %mul3A : i32
    %add3A = arith.addi %mul3A_0, %arg1 : i32
    %c0_i32 = arith.constant 0 : i32
    %c0_i32_1 = arith.constant 0 : i32
    return %add3A, %c0_i32 : i32, i32
  }
  func.func @transform_1(%arg0: i32, %arg1: i32) -> (i32, i32) {
    %mul3A = arith.constant 32 : i32
    %mul3A_0 = arith.muli %arg0, %mul3A : i32
    %add3A = arith.addi %mul3A_0, %arg1 : i32
    %c0_i32 = arith.constant 0 : i32
    %c0_i32_1 = arith.constant 0 : i32
    return %add3A, %c0_i32 : i32, i32
  }
  func.func @transform_2(%arg0: i32, %arg1: i32) -> (i32, i32) {
    %mul3A = arith.constant 32 : i32
    %mul3A_0 = arith.muli %arg0, %mul3A : i32
    %add3A = arith.addi %mul3A_0, %arg1 : i32
    %c0_i32 = arith.constant 0 : i32
    %c0_i32_1 = arith.constant 0 : i32
    return %add3A, %c0_i32 : i32, i32
  }
}

module attributes {stable_mosaic.version = 14 : i64} {
  func.func @_conv1_kernel(%arg0: i32, %arg1: i32, %arg2: memref<4096x8xf32, #tpu.memory_space<vmem>>, %arg3: memref<256x8xf32, #tpu.memory_space<vmem>>, %arg4: memref<4096x1xf32, #tpu.memory_space<vmem>>, %arg5: memref<64x10xf32, #tpu.memory_space<vmem>>, %arg6: memref<1x64xf32, #tpu.memory_space<vmem>>, %arg7: memref<4096x64xf32, #tpu.memory_space<vmem>>, %arg8: memref<1x2x64xf32, #tpu.memory_space<vmem>>) attributes {dimension_semantics = [#tpu.dimension_semantics<arbitrary>, #tpu.dimension_semantics<arbitrary>], iteration_bounds = array<i64: 2, 32>, scalar_prefetch = 0 : i64, scratch_operands = 0 : i64, tpu.core_type = #tpu.core_type<tc>, window_params = [{transform_indices = @transform_0, window_bounds = array<i64: 4096, 8>}, {transform_indices = @transform_1, window_bounds = array<i64: 256, 8>}, {transform_indices = @transform_2, window_bounds = array<i64: 4096, 1>}, {pipeline_mode = #tpu.pipeline_mode<synchronous>, transform_indices = @transform_3, window_bounds = array<i64: 64, 10>}, {pipeline_mode = #tpu.pipeline_mode<synchronous>, transform_indices = @transform_4, window_bounds = array<i64: 1, 64>}, {transform_indices = @transform_5, window_bounds = array<i64: 4096, 64>}, {transform_indices = @transform_6, window_bounds = array<i64: 1, 2, 64>}]} {
    %get3A = arith.constant 0 : index
    %get3A_0 = arith.constant 0 : index
    %get3A_1 = vector.load %arg2[%get3A, %get3A_0] : memref<4096x8xf32, #tpu.memory_space<vmem>>, vector<4096x8xf32>
    %get3A_2 = arith.constant 0 : index
    %get3A_3 = arith.constant 0 : index
    %get3A_4 = vector.load %arg3[%get3A_2, %get3A_3] : memref<256x8xf32, #tpu.memory_space<vmem>>, vector<256x8xf32>
    %broadcast_in_dim3A = vector.shape_cast %get3A_4 : vector<256x8xf32> to vector<256x1x8xf32>
    %broadcast_in_dim3A_5 = vector.shape_cast %broadcast_in_dim3A : vector<256x1x8xf32> to vector<256x1x8xf32>
    %broadcast_in_dim3A_6 = vector.broadcast %broadcast_in_dim3A_5 : vector<256x1x8xf32> to vector<256x16x8xf32>
    %reshape3A = vector.shape_cast %broadcast_in_dim3A_6 : vector<256x16x8xf32> to vector<4096x8xf32>
    %slice3A = vector.extract_strided_slice %get3A_1 {offsets = [0, 0], sizes = [4096, 3], strides = [1, 1]} : vector<4096x8xf32> to vector<4096x3xf32>
    %slice3A_7 = vector.extract_strided_slice %reshape3A {offsets = [0, 0], sizes = [4096, 3], strides = [1, 1]} : vector<4096x8xf32> to vector<4096x3xf32>
    %sub3A = arith.subf %slice3A, %slice3A_7 : vector<4096x3xf32>
    %slice3A_8 = vector.extract_strided_slice %get3A_1 {offsets = [0, 3], sizes = [4096, 3], strides = [1, 1]} : vector<4096x8xf32> to vector<4096x3xf32>
    %slice3A_9 = vector.extract_strided_slice %reshape3A {offsets = [0, 3], sizes = [4096, 3], strides = [1, 1]} : vector<4096x8xf32> to vector<4096x3xf32>
    %sub3A_10 = arith.subf %slice3A_8, %slice3A_9 : vector<4096x3xf32>
    %get3A_11 = arith.constant 0 : index
    %get3A_12 = arith.constant 0 : index
    %get3A_13 = vector.load %arg4[%get3A_11, %get3A_12] : memref<4096x1xf32, #tpu.memory_space<vmem>>, vector<4096x1xf32>
    %slice3A_14 = vector.extract_strided_slice %reshape3A {offsets = [0, 0], sizes = [4096, 3], strides = [1, 1]} : vector<4096x8xf32> to vector<4096x3xf32>
    %concatenate3A = tpu.concatenate %sub3A, %sub3A_10, %get3A_13, %slice3A_14 in 1 : vector<4096x3xf32>, vector<4096x3xf32>, vector<4096x1xf32>, vector<4096x3xf32> -> vector<4096x10xf32>
    %get3A_15 = arith.constant 0 : index
    %get3A_16 = arith.constant 0 : index
    %get3A_17 = vector.load %arg5[%get3A_15, %get3A_16] : memref<64x10xf32, #tpu.memory_space<vmem>>, vector<64x10xf32>
    %dot_general3A = arith.constant dense<0.000000e+00> : vector<4096x64xf32>
    %dot_general3A_18 = tpu.matmul %concatenate3A, %get3A_17, %dot_general3A {dimension_numbers = #tpu.dot_dimension_numbers<[1], [1], [0], [0], [0, 0, 1, 0], [], []>, transpose_lhs_hint = false} : vector<4096x10xf32>, vector<64x10xf32>, vector<4096x64xf32> -> vector<4096x64xf32>
    %get3A_19 = arith.constant 0 : index
    %get3A_20 = arith.constant 0 : index
    %get3A_21 = vector.load %arg6[%get3A_19, %get3A_20] : memref<1x64xf32, #tpu.memory_space<vmem>>, vector<1x64xf32>
    %squeeze3A = vector.shape_cast %get3A_21 : vector<1x64xf32> to vector<64xf32>
    %broadcast_in_dim3A_22 = vector.shape_cast %squeeze3A : vector<64xf32> to vector<1x64xf32>
    %add3A = vector.broadcast %broadcast_in_dim3A_22 : vector<1x64xf32> to vector<4096x64xf32>
    %add3A_23 = arith.addf %dot_general3A_18, %add3A : vector<4096x64xf32>
    %swap3A = arith.constant 0 : index
    %swap3A_24 = arith.constant 0 : index
    %swap3A_25 = vector.load %arg7[%swap3A, %swap3A_24] : memref<4096x64xf32, #tpu.memory_space<vmem>>, vector<4096x64xf32>
    tpu.vector_store %arg7[%swap3A, %swap3A_24], %add3A_23 {strides = array<i32>} : memref<4096x64xf32, #tpu.memory_space<vmem>>, vector<4096x64xf32>,
    %reduce_sum3A = arith.constant dense<0.000000e+00> : vector<64xf32>
    %reduce_sum3A_26 = vector.multi_reduction <add>, %add3A_23, %reduce_sum3A [0] : vector<4096x64xf32> to vector<64xf32>
    %mul3A = arith.mulf %add3A_23, %add3A_23 : vector<4096x64xf32>
    %reduce_sum3A_27 = arith.constant dense<0.000000e+00> : vector<64xf32>
    %reduce_sum3A_28 = vector.multi_reduction <add>, %mul3A, %reduce_sum3A_27 [0] : vector<4096x64xf32> to vector<64xf32>
    %stack3A = vector.shape_cast %reduce_sum3A_26 : vector<64xf32> to vector<1x64xf32>
    %stack3A_29 = vector.shape_cast %reduce_sum3A_28 : vector<64xf32> to vector<1x64xf32>
    %stack3A_30 = tpu.concatenate %stack3A, %stack3A_29 in 0 : vector<1x64xf32>, vector<1x64xf32> -> vector<2x64xf32>
    %swap3A_31 = arith.constant 0 : index
    %swap3A_32 = arith.constant 0 : index
    %swap3A_33 = arith.constant 0 : index
    %swap3A_34 = vector.load %arg8[%swap3A_31, %swap3A_32, %swap3A_33] : memref<1x2x64xf32, #tpu.memory_space<vmem>>, vector<1x2x64xf32>
    %swap3A_35 = vector.shape_cast %swap3A_34 : vector<1x2x64xf32> to vector<2x64xf32>
    %swap3A_36 = vector.shape_cast %stack3A_30 : vector<2x64xf32> to vector<1x2x64xf32>
    tpu.vector_store %arg8[%swap3A_31, %swap3A_32, %swap3A_33], %swap3A_36 {strides = array<i32>} : memref<1x2x64xf32, #tpu.memory_space<vmem>>, vector<1x2x64xf32>,
    return
  }
  func.func @transform_0(%arg0: i32, %arg1: i32) -> (i32, i32) {
    %mul3A = arith.constant 32 : i32
    %mul3A_0 = arith.muli %arg0, %mul3A : i32
    %add3A = arith.addi %mul3A_0, %arg1 : i32
    %c0_i32 = arith.constant 0 : i32
    %c0_i32_1 = arith.constant 0 : i32
    return %add3A, %c0_i32 : i32, i32
  }
  func.func @transform_1(%arg0: i32, %arg1: i32) -> (i32, i32) {
    %mul3A = arith.constant 32 : i32
    %mul3A_0 = arith.muli %arg0, %mul3A : i32
    %add3A = arith.addi %mul3A_0, %arg1 : i32
    %c0_i32 = arith.constant 0 : i32
    %c0_i32_1 = arith.constant 0 : i32
    return %add3A, %c0_i32 : i32, i32
  }
  func.func @transform_2(%arg0: i32, %arg1: i32) -> (i32, i32) {
    %mul3A = arith.constant 32 : i32
    %mul3A_0 = arith.muli %arg0, %mul3A : i32
    %add3A = arith.addi %mul3A_0, %arg1 : i32
    %c0_i32 = arith.constant 0 : i32
    %c0_i32_1 = arith.constant 0 : i32
    return %add3A, %c0_i32 : i32, i32
  }
  func.func @transform_3(%arg0: i32, %arg1: i32) -> (i32, i32) {
    %c0_i32 = arith.constant 0 : i32
    %c0_i32_0 = arith.constant 0 : i32
    %c0_i32_1 = arith.constant 0 : i32
    return %c0_i32, %c0_i32_0 : i32, i32
  }
  func.func @transform_4(%arg0: i32, %arg1: i32) -> (i32, i32) {
    %c0_i32 = arith.constant 0 : i32
    %c0_i32_0 = arith.constant 0 : i32
    %c0_i32_1 = arith.constant 0 : i32
    return %c0_i32, %c0_i32_0 : i32, i32
  }
  func.func @transform_5(%arg0: i32, %arg1: i32) -> (i32, i32) {
    %mul3A = arith.constant 32 : i32
    %mul3A_0 = arith.muli %arg0, %mul3A : i32
    %add3A = arith.addi %mul3A_0, %arg1 : i32
    %c0_i32 = arith.constant 0 : i32
    %c0_i32_1 = arith.constant 0 : i32
    return %add3A, %c0_i32 : i32, i32
  }
  func.func @transform_6(%arg0: i32, %arg1: i32) -> (i32, i32, i32) {
    %mul3A = arith.constant 32 : i32
    %mul3A_0 = arith.muli %arg0, %mul3A : i32
    %add3A = arith.addi %mul3A_0, %arg1 : i32
    %c0_i32 = arith.constant 0 : i32
    %c0_i32_1 = arith.constant 0 : i32
    %c0_i32_2 = arith.constant 0 : i32
    return %add3A, %c0_i32, %c0_i32_1 : i32, i32, i32
  }
}

module attributes {stable_mosaic.version = 14 : i64} {
  func.func @_conv2_kernel(%arg0: i32, %arg1: i32, %arg2: memref<4096x64xf32, #tpu.memory_space<vmem>>, %arg3: memref<1x2x64xf32, #tpu.memory_space<vmem>>, %arg4: memref<64x64xf32, #tpu.memory_space<vmem>>, %arg5: memref<1x64xf32, #tpu.memory_space<vmem>>, %arg6: memref<4096x64xf32, #tpu.memory_space<vmem>>, %arg7: memref<1x2x64xf32, #tpu.memory_space<vmem>>) attributes {dimension_semantics = [#tpu.dimension_semantics<arbitrary>, #tpu.dimension_semantics<arbitrary>], iteration_bounds = array<i64: 2, 32>, scalar_prefetch = 0 : i64, scratch_operands = 0 : i64, tpu.core_type = #tpu.core_type<tc>, window_params = [{transform_indices = @transform_0, window_bounds = array<i64: 4096, 64>}, {transform_indices = @transform_1, window_bounds = array<i64: 1, 2, 64>}, {pipeline_mode = #tpu.pipeline_mode<synchronous>, transform_indices = @transform_2, window_bounds = array<i64: 64, 64>}, {pipeline_mode = #tpu.pipeline_mode<synchronous>, transform_indices = @transform_3, window_bounds = array<i64: 1, 64>}, {transform_indices = @transform_4, window_bounds = array<i64: 4096, 64>}, {transform_indices = @transform_5, window_bounds = array<i64: 1, 2, 64>}]} {
    %get3A = arith.constant 0 : index
    %get3A_0 = arith.constant 0 : index
    %get3A_1 = vector.load %arg2[%get3A, %get3A_0] : memref<4096x64xf32, #tpu.memory_space<vmem>>, vector<4096x64xf32>
    %get3A_2 = arith.constant 0 : index
    %get3A_3 = arith.constant 0 : index
    %get3A_4 = arith.constant 0 : index
    %get3A_5 = vector.load %arg3[%get3A_2, %get3A_3, %get3A_4] : memref<1x2x64xf32, #tpu.memory_space<vmem>>, vector<1x2x64xf32>
    %get3A_6 = vector.shape_cast %get3A_5 : vector<1x2x64xf32> to vector<2x64xf32>
    %slice3A = vector.extract_strided_slice %get3A_6 {offsets = [0, 0], sizes = [1, 64], strides = [1, 1]} : vector<2x64xf32> to vector<1x64xf32>
    %squeeze3A = vector.shape_cast %slice3A : vector<1x64xf32> to vector<64xf32>
    %broadcast_in_dim3A = vector.shape_cast %squeeze3A : vector<64xf32> to vector<1x64xf32>
    %mul3A = vector.broadcast %broadcast_in_dim3A : vector<1x64xf32> to vector<4096x64xf32>
    %mul3A_7 = arith.mulf %get3A_1, %mul3A : vector<4096x64xf32>
    %slice3A_8 = vector.extract_strided_slice %get3A_6 {offsets = [1, 0], sizes = [1, 64], strides = [1, 1]} : vector<2x64xf32> to vector<1x64xf32>
    %squeeze3A_9 = vector.shape_cast %slice3A_8 : vector<1x64xf32> to vector<64xf32>
    %broadcast_in_dim3A_10 = vector.shape_cast %squeeze3A_9 : vector<64xf32> to vector<1x64xf32>
    %add3A = vector.broadcast %broadcast_in_dim3A_10 : vector<1x64xf32> to vector<4096x64xf32>
    %add3A_11 = arith.addf %mul3A_7, %add3A : vector<4096x64xf32>
    %ge3A = arith.constant 0.000000e+00 : f32
    %ge3A_12 = vector.broadcast %ge3A : f32 to vector<4096x64xf32>
    %ge3A_13 = arith.cmpf oge, %add3A_11, %ge3A_12 : vector<4096x64xf32>
    %mul3A_14 = arith.constant 2.000000e-01 : f32
    %mul3A_15 = vector.broadcast %mul3A_14 : f32 to vector<4096x64xf32>
    %mul3A_16 = arith.mulf %mul3A_15, %add3A_11 : vector<4096x64xf32>
    %select_n3A = arith.select %ge3A_13, %add3A_11, %mul3A_16 : vector<4096x64xi1>, vector<4096x64xf32>
    %get3A_17 = arith.constant 0 : index
    %get3A_18 = arith.constant 0 : index
    %get3A_19 = vector.load %arg4[%get3A_17, %get3A_18] : memref<64x64xf32, #tpu.memory_space<vmem>>, vector<64x64xf32>
    %dot_general3A = arith.constant dense<0.000000e+00> : vector<4096x64xf32>
    %dot_general3A_20 = tpu.matmul %select_n3A, %get3A_19, %dot_general3A {dimension_numbers = #tpu.dot_dimension_numbers<[1], [1], [0], [0], [0, 0, 1, 0], [], []>, transpose_lhs_hint = false} : vector<4096x64xf32>, vector<64x64xf32>, vector<4096x64xf32> -> vector<4096x64xf32>
    %get3A_21 = arith.constant 0 : index
    %get3A_22 = arith.constant 0 : index
    %get3A_23 = vector.load %arg5[%get3A_21, %get3A_22] : memref<1x64xf32, #tpu.memory_space<vmem>>, vector<1x64xf32>
    %squeeze3A_24 = vector.shape_cast %get3A_23 : vector<1x64xf32> to vector<64xf32>
    %broadcast_in_dim3A_25 = vector.shape_cast %squeeze3A_24 : vector<64xf32> to vector<1x64xf32>
    %add3A_26 = vector.broadcast %broadcast_in_dim3A_25 : vector<1x64xf32> to vector<4096x64xf32>
    %add3A_27 = arith.addf %dot_general3A_20, %add3A_26 : vector<4096x64xf32>
    %swap3A = arith.constant 0 : index
    %swap3A_28 = arith.constant 0 : index
    %swap3A_29 = vector.load %arg6[%swap3A, %swap3A_28] : memref<4096x64xf32, #tpu.memory_space<vmem>>, vector<4096x64xf32>
    tpu.vector_store %arg6[%swap3A, %swap3A_28], %add3A_27 {strides = array<i32>} : memref<4096x64xf32, #tpu.memory_space<vmem>>, vector<4096x64xf32>,
    %reduce_sum3A = arith.constant dense<0.000000e+00> : vector<64xf32>
    %reduce_sum3A_30 = vector.multi_reduction <add>, %add3A_27, %reduce_sum3A [0] : vector<4096x64xf32> to vector<64xf32>
    %mul3A_31 = arith.mulf %add3A_27, %add3A_27 : vector<4096x64xf32>
    %reduce_sum3A_32 = arith.constant dense<0.000000e+00> : vector<64xf32>
    %reduce_sum3A_33 = vector.multi_reduction <add>, %mul3A_31, %reduce_sum3A_32 [0] : vector<4096x64xf32> to vector<64xf32>
    %stack3A = vector.shape_cast %reduce_sum3A_30 : vector<64xf32> to vector<1x64xf32>
    %stack3A_34 = vector.shape_cast %reduce_sum3A_33 : vector<64xf32> to vector<1x64xf32>
    %stack3A_35 = tpu.concatenate %stack3A, %stack3A_34 in 0 : vector<1x64xf32>, vector<1x64xf32> -> vector<2x64xf32>
    %swap3A_36 = arith.constant 0 : index
    %swap3A_37 = arith.constant 0 : index
    %swap3A_38 = arith.constant 0 : index
    %swap3A_39 = vector.load %arg7[%swap3A_36, %swap3A_37, %swap3A_38] : memref<1x2x64xf32, #tpu.memory_space<vmem>>, vector<1x2x64xf32>
    %swap3A_40 = vector.shape_cast %swap3A_39 : vector<1x2x64xf32> to vector<2x64xf32>
    %swap3A_41 = vector.shape_cast %stack3A_35 : vector<2x64xf32> to vector<1x2x64xf32>
    tpu.vector_store %arg7[%swap3A_36, %swap3A_37, %swap3A_38], %swap3A_41 {strides = array<i32>} : memref<1x2x64xf32, #tpu.memory_space<vmem>>, vector<1x2x64xf32>,
    return
  }
  func.func @transform_0(%arg0: i32, %arg1: i32) -> (i32, i32) {
    %mul3A = arith.constant 32 : i32
    %mul3A_0 = arith.muli %arg0, %mul3A : i32
    %add3A = arith.addi %mul3A_0, %arg1 : i32
    %c0_i32 = arith.constant 0 : i32
    %c0_i32_1 = arith.constant 0 : i32
    return %add3A, %c0_i32 : i32, i32
  }
  func.func @transform_1(%arg0: i32, %arg1: i32) -> (i32, i32, i32) {
    %c0_i32 = arith.constant 0 : i32
    %c0_i32_0 = arith.constant 0 : i32
    %c0_i32_1 = arith.constant 0 : i32
    return %arg0, %c0_i32, %c0_i32_0 : i32, i32, i32
  }
  func.func @transform_2(%arg0: i32, %arg1: i32) -> (i32, i32) {
    %c0_i32 = arith.constant 0 : i32
    %c0_i32_0 = arith.constant 0 : i32
    %c0_i32_1 = arith.constant 0 : i32
    return %c0_i32, %c0_i32_0 : i32, i32
  }
  func.func @transform_3(%arg0: i32, %arg1: i32) -> (i32, i32) {
    %c0_i32 = arith.constant 0 : i32
    %c0_i32_0 = arith.constant 0 : i32
    %c0_i32_1 = arith.constant 0 : i32
    return %c0_i32, %c0_i32_0 : i32, i32
  }
  func.func @transform_4(%arg0: i32, %arg1: i32) -> (i32, i32) {
    %mul3A = arith.constant 32 : i32
    %mul3A_0 = arith.muli %arg0, %mul3A : i32
    %add3A = arith.addi %mul3A_0, %arg1 : i32
    %c0_i32 = arith.constant 0 : i32
    %c0_i32_1 = arith.constant 0 : i32
    return %add3A, %c0_i32 : i32, i32
  }
  func.func @transform_5(%arg0: i32, %arg1: i32) -> (i32, i32, i32) {
    %mul3A = arith.constant 32 : i32
    %mul3A_0 = arith.muli %arg0, %mul3A : i32
    %add3A = arith.addi %mul3A_0, %arg1 : i32
    %c0_i32 = arith.constant 0 : i32
    %c0_i32_1 = arith.constant 0 : i32
    %c0_i32_2 = arith.constant 0 : i32
    return %add3A, %c0_i32, %c0_i32_1 : i32, i32, i32
  }
}

module attributes {stable_mosaic.version = 14 : i64} {
  func.func @_final_kernel(%arg0: i32, %arg1: i32, %arg2: memref<4096x64xf32, #tpu.memory_space<vmem>>, %arg3: memref<1x2x64xf32, #tpu.memory_space<vmem>>, %arg4: memref<256x64xf32, #tpu.memory_space<vmem>>) attributes {dimension_semantics = [#tpu.dimension_semantics<arbitrary>, #tpu.dimension_semantics<arbitrary>], iteration_bounds = array<i64: 2, 32>, scalar_prefetch = 0 : i64, scratch_operands = 0 : i64, tpu.core_type = #tpu.core_type<tc>, window_params = [{transform_indices = @transform_0, window_bounds = array<i64: 4096, 64>}, {transform_indices = @transform_1, window_bounds = array<i64: 1, 2, 64>}, {transform_indices = @transform_2, window_bounds = array<i64: 256, 64>}]} {
    %get3A = arith.constant 0 : index
    %get3A_0 = arith.constant 0 : index
    %get3A_1 = vector.load %arg2[%get3A, %get3A_0] : memref<4096x64xf32, #tpu.memory_space<vmem>>, vector<4096x64xf32>
    %get3A_2 = arith.constant 0 : index
    %get3A_3 = arith.constant 0 : index
    %get3A_4 = arith.constant 0 : index
    %get3A_5 = vector.load %arg3[%get3A_2, %get3A_3, %get3A_4] : memref<1x2x64xf32, #tpu.memory_space<vmem>>, vector<1x2x64xf32>
    %get3A_6 = vector.shape_cast %get3A_5 : vector<1x2x64xf32> to vector<2x64xf32>
    %slice3A = vector.extract_strided_slice %get3A_6 {offsets = [0, 0], sizes = [1, 64], strides = [1, 1]} : vector<2x64xf32> to vector<1x64xf32>
    %squeeze3A = vector.shape_cast %slice3A : vector<1x64xf32> to vector<64xf32>
    %broadcast_in_dim3A = vector.shape_cast %squeeze3A : vector<64xf32> to vector<1x64xf32>
    %mul3A = vector.broadcast %broadcast_in_dim3A : vector<1x64xf32> to vector<4096x64xf32>
    %mul3A_7 = arith.mulf %get3A_1, %mul3A : vector<4096x64xf32>
    %slice3A_8 = vector.extract_strided_slice %get3A_6 {offsets = [1, 0], sizes = [1, 64], strides = [1, 1]} : vector<2x64xf32> to vector<1x64xf32>
    %squeeze3A_9 = vector.shape_cast %slice3A_8 : vector<1x64xf32> to vector<64xf32>
    %broadcast_in_dim3A_10 = vector.shape_cast %squeeze3A_9 : vector<64xf32> to vector<1x64xf32>
    %add3A = vector.broadcast %broadcast_in_dim3A_10 : vector<1x64xf32> to vector<4096x64xf32>
    %add3A_11 = arith.addf %mul3A_7, %add3A : vector<4096x64xf32>
    %ge3A = arith.constant 0.000000e+00 : f32
    %ge3A_12 = vector.broadcast %ge3A : f32 to vector<4096x64xf32>
    %ge3A_13 = arith.cmpf oge, %add3A_11, %ge3A_12 : vector<4096x64xf32>
    %mul3A_14 = arith.constant 2.000000e-01 : f32
    %mul3A_15 = vector.broadcast %mul3A_14 : f32 to vector<4096x64xf32>
    %mul3A_16 = arith.mulf %mul3A_15, %add3A_11 : vector<4096x64xf32>
    %select_n3A = arith.select %ge3A_13, %add3A_11, %mul3A_16 : vector<4096x64xi1>, vector<4096x64xf32>
    %reshape3A = vector.shape_cast %select_n3A : vector<4096x64xf32> to vector<256x16x64xf32>
    %reduce_max3A = arith.constant dense<0xFF800000> : vector<256x64xf32>
    %reduce_max3A_17 = vector.multi_reduction <maximumf>, %reshape3A, %reduce_max3A [1] : vector<256x16x64xf32> to vector<256x64xf32>
    %swap3A = arith.constant 0 : index
    %swap3A_18 = arith.constant 0 : index
    %swap3A_19 = vector.load %arg4[%swap3A, %swap3A_18] : memref<256x64xf32, #tpu.memory_space<vmem>>, vector<256x64xf32>
    tpu.vector_store %arg4[%swap3A, %swap3A_18], %reduce_max3A_17 {strides = array<i32>} : memref<256x64xf32, #tpu.memory_space<vmem>>, vector<256x64xf32>,
    return
  }
  func.func @transform_0(%arg0: i32, %arg1: i32) -> (i32, i32) {
    %mul3A = arith.constant 32 : i32
    %mul3A_0 = arith.muli %arg0, %mul3A : i32
    %add3A = arith.addi %mul3A_0, %arg1 : i32
    %c0_i32 = arith.constant 0 : i32
    %c0_i32_1 = arith.constant 0 : i32
    return %add3A, %c0_i32 : i32, i32
  }
  func.func @transform_1(%arg0: i32, %arg1: i32) -> (i32, i32, i32) {
    %c0_i32 = arith.constant 0 : i32
    %c0_i32_0 = arith.constant 0 : i32
    %c0_i32_1 = arith.constant 0 : i32
    return %arg0, %c0_i32, %c0_i32_0 : i32, i32, i32
  }
  func.func @transform_2(%arg0: i32, %arg1: i32) -> (i32, i32) {
    %mul3A = arith.constant 32 : i32
    %mul3A_0 = arith.muli %arg0, %mul3A : i32
    %add3A = arith.addi %mul3A_0, %arg1 : i32
    %c0_i32 = arith.constant 0 : i32
    %c0_i32_1 = arith.constant 0 : i32
    return %add3A, %c0_i32 : i32, i32
  }
}

</mosaic_0001>

<sc_bundles>
// kernel: kernel.8.cloned.1.call-start
scs
__scs_entry_jumppad:
0x0: {  	(pc) =	sbr.rel $0x88, $3  }
0x1: {  	(tag) =	ssettag $0x0;
	lr =	simm.s32 $0x1  }
0x2: {  	[smem:$0x3F97] =	sst lr;
	_ =	strace $0xD0000000  }
0x3: {  	_ = 	snop  }
0x4: {  	_ = 	snop  }
0x5: {  	_ = 	snop  }
0x6: {  	_ = 	snop  }
0x7: {  	_ = 	snop  }
__scs_overlays_trampoline_lowered:
0x8: {  	[smem:$0x3FA6] =	sst s0  }
0x9: {  	[smem:$0x3FA7] =	sst s1  }
0xa: {  	[smem:$0x3FA8] =	sst s2  }
0xb: {  	[smem:$0x3FA9] =	sst s3  }
0xc: {  	[smem:$0x3FAA] =	sst s4  }
0xd: {  	[smem:$0x3FAB] =	sst s5  }
0xe: {  	[smem:$0x3FAC] =	sst s6  }
0xf: {  	[smem:$0x3FAD] =	sst s7  }
0x10: {  	[smem:$0x3FAE] =	sst s8  }
0x11: {  	[smem:$0x3FAF] =	sst s9;
	s0 =	simm.s32 @!p0 $0x0  }
0x12: {  	s1 =	sld [smem:$0x3F95];
	s0 =	simm.s32 @p0 $0x1  }
0x13: {  	[smem:$0x3FB0] =	sst s0;
	s0 =	simm.s32 @!p1 $0x0  }
0x14: {  	s2 =	sld [smem:$0x3F94];
	s0 =	simm.s32 @p1 $0x1  }
0x15: {  	[smem:$0x3FB1] =	sst s0;
	s0 =	simm.s32 @!p2 $0x0  }
0x16: {  	s3 =	sld [smem:$0x3FDB];
	s0 =	simm.s32 @p2 $0x1  }
0x17: {  	s4 =	simm.s32 $0x1BF5;
	[smem:$0x3FB3] =	sst s0  }
0x18: {  	s0 =	sld [smem:$0x3F96];
	_ =	swait.ge [sflag:s4], $0x0  }
0x19: {  	s7 =	sld [smem:$0x3F97]  }
0x1a: {  	s8 =	sadd.s32 $0xFFFFE003, lr  }
0x1b: {  	s9 =	sadd.s32 $0xFFFFFEF7, lr;
	s5 =	simm.s32 $0xFFFFFFFF;
	p2 =	slt.u32 s8, $0xFFFFF086  }
0x1c: {  	p1 =	slt.u32 s9, $0xF7A;
	s5 =	simm.s32 @!p2 $0x0  }
0x1d: {  	s5 =	simm.s32 @p1 $0x1;
	p0 =	seq.s32 s7, s2  }
0x1e: {  	s7 =	smul.u32 @!p0 $0xF7A, s2;
	p2 =	seq.s32 @!p0 s5, $0x0  }
0x1f: {  	s9 =	smul.u32 $0xF7A, s1;
	s8 =	simm.s32 @!p0 $0x1BF5;
	p2 =	por !p2, p0  }
0x20: {  	[sflag:s8] =	ssyncset.s32 @!p0 $0xFFFFF086;
	s6 =	sadd.s32 @!p0 s3, s7;
	s7 =	simm.s32 @!p0 $0x108  }
0x21: {  	s3 =	sadd.s32 s3, s9;
	s6 =	sadd.s32 @!p0 $0x88, s6;
	s7 =	simm.s32 @p2 $0x1082  }
0x22: {  	[simem:s7], [sflag:s8] =	dma.local @!p0 [hbm:s6], $0xF7A  }
0x23: {  	s9 =	sor.u32 $0xD0000000, s2;
	s6 =	simm.s32 $0x108;
	_ =	swait.ge @!p0 [sflag:s8], $0x0  }
0x24: {  	s3 =	sadd.s32 $0x88, s3;
	s6 =	simm.s32 @!p1 $0x1082;
	[sflag:s4] =	ssyncset.s32 $0xFFFFF086  }
0x25: {  	[simem:s6], [sflag:s4] =	dma.local [hbm:s3], $0xF7A  }
0x26: {  	[smem:$0x3F97] =	sst s1;
	(tag) =	ssettag s2;
	_ =	strace s9  }
0x27: {  	s1 =	sld [smem:$0x3FA7]  }
0x28: {  	s2 =	sld [smem:$0x3FA8]  }
0x29: {  	s4 =	sld [smem:$0x3FAA]  }
0x2a: {  	p0 =	seq.s32 s5, $0x0;
	s5 =	sld [smem:$0x3FAB]  }
0x2b: {  	s6 =	sld [smem:$0x3FAC]  }
0x2c: {  	s7 =	sld [smem:$0x3FAD]  }
0x2d: {  	s3 =	simm.s32 $0x108;
	s8 =	sld [smem:$0x3FAE]  }
0x2e: {  	s3 =	simm.s32 @!p0 $0x1082;
	s9 =	sld [smem:$0x3FAF]  }
0x2f: {  	lr =	sadd.s32 s0, s3;
	s0 =	sld [smem:$0x3FA6]  }
0x30: {  	s3 =	sld [smem:$0x3FA9]  }
0x31: {  	[smem:$0x3FB2] =	sst s10  }
0x32: {  	s10 =	sld [smem:$0x3FB0];
	_ =	sdelay $0x3  }
0x33: {  	p0 =	seq.s32 s10, $0x1;
	s10 =	sld [smem:$0x3FB2];
	_ =	sdelay $0x3  }
0x34: {  	[smem:$0x3FB2] =	sst s10  }
0x35: {  	s10 =	sld [smem:$0x3FB1];
	_ =	sdelay $0x3  }
0x36: {  	p1 =	seq.s32 s10, $0x1;
	s10 =	sld [smem:$0x3FB2];
	_ =	sdelay $0x3  }
0x37: {  	[smem:$0x3FB2] =	sst s10  }
0x38: {  	s10 =	sld [smem:$0x3FB3]  }
0x39: {  	_ = 	snop;
	(pc) =	sbr.ind lr, $3  }
0x3a: {  	_ = 	snop  }
0x3b: {  	_ = 	snop  }
0x3c: {  	p2 =	seq.s32 s10, $0x1;
	s10 =	sld [smem:$0x3FB2]  }
0x3d: {  	_ =	shalt  }
0x3e: {  	_ =	shalt  }
0x3f: {  	_ =	shalt  }
0x40: {  	_ =	shalt  }
0x41: {  	_ =	shalt  }
0x42: {  	_ =	shalt  }
0x43: {  	_ =	shalt  }
0x44: {  	_ =	shalt  }
0x45: {  	_ =	shalt  }
0x46: {  	_ =	shalt  }
0x47: {  	_ =	shalt  }
0x48: {  	_ =	shalt  }
0x49: {  	_ =	shalt  }
0x4a: {  	_ =	shalt  }
0x4b: {  	_ =	shalt  }
0x4c: {  	_ =	shalt  }
0x4d: {  	_ =	shalt  }
0x4e: {  	_ =	shalt  }
0x4f: {  	_ =	shalt  }
0x50: {  	_ =	shalt  }
0x51: {  	_ =	shalt  }
0x52: {  	_ =	shalt  }
0x53: {  	_ =	shalt  }
0x54: {  	_ =	shalt  }
0x55: {  	_ =	shalt  }
0x56: {  	_ =	shalt  }
0x57: {  	_ =	shalt  }
0x58: {  	_ =	shalt  }
0x59: {  	_ =	shalt  }
0x5a: {  	_ =	shalt  }
0x5b: {  	_ =	shalt  }
0x5c: {  	_ =	shalt  }
0x5d: {  	_ =	shalt  }
0x5e: {  	_ =	shalt  }
0x5f: {  	_ =	shalt  }
0x60: {  	_ =	shalt  }
0x61: {  	_ =	shalt  }
0x62: {  	_ =	shalt  }
0x63: {  	_ =	shalt  }
0x64: {  	_ =	shalt  }
0x65: {  	_ =	shalt  }
0x66: {  	_ =	shalt  }
0x67: {  	_ =	shalt  }
0x68: {  	_ =	shalt  }
0x69: {  	_ =	shalt  }
0x6a: {  	_ =	shalt  }
0x6b: {  	_ =	shalt  }
0x6c: {  	_ =	shalt  }
0x6d: {  	_ =	shalt  }
0x6e: {  	_ =	shalt  }
0x6f: {  	_ =	shalt  }
0x70: {  	_ =	shalt  }
0x71: {  	_ =	shalt  }
0x72: {  	_ =	shalt  }
0x73: {  	_ =	shalt  }
0x74: {  	_ =	shalt  }
0x75: {  	_ =	shalt  }
0x76: {  	_ =	shalt  }
0x77: {  	_ =	shalt  }
0x78: {  	_ =	shalt  }
0x79: {  	_ =	shalt  }
0x7a: {  	_ =	shalt  }
0x7b: {  	_ =	shalt  }
0x7c: {  	_ =	shalt  }
0x7d: {  	_ =	shalt  }
0x7e: {  	_ =	shalt  }
0x7f: {  	_ =	shalt  }
0x80: {  	_ =	shalt  }
0x81: {  	_ =	shalt  }
0x82: {  	_ =	shalt  }
0x83: {  	_ =	shalt  }
0x84: {  	_ =	shalt  }
0x85: {  	_ =	shalt  }
0x86: {  	_ =	shalt  }
0x87: {  	_ =	shalt  }
.Lfunc_end0:
.L_simem_size_0:
called_computation_lowered:
.L_overlay_start_0:
0x88: {  	s2 =	sld [smem:$0x3FD9]  }
0x89: {  	s3 =	sld [smem:$0x3FFE];
	_ =	sdelay $0x1  }
0x8a: {  	s1 =	srdreg.scid  }
0x8b: {  	s0 =	sand.u32 $0x1, s1  }
0x8c: {  	s17 =	sshll.u32 s0, $0xA;
	s2 =	sadd.s32 s3, s2  }
0x8d: {  	s2 =	sadd.s32 s2, s17  }
0x8e: {  	[smem:$0x3FBE] =	sst s2  }
0x8f: {  	_ = 	snop  }
0x90: {  	s2 =	sld [smem:$0x3FD0];
	(tm) =	ssettm $0x1  }
0x91: {  	s18 =	sld [smem:$0x3FFB];
	_ =	sdelay $0x3  }
0x92: {  	_ =	strace s18  }
0x93: {  	s3 =	sld [smem:$0x3FFC];
	_ =	sdelay $0x3  }
0x94: {  	_ =	strace s3  }
0x95: {  	s3 =	sld [smem:$0x3FFD];
	_ =	sdelay $0x3  }
0x96: {  	_ =	strace s3  }
0x97: {  	_ =	strace $0x8FFFFFFF  }
0x98: {  	s19 =	sld [smem:$0x3FDB];
	_ =	sdelay $0x1  }
0x99: {  	s4 =	simm.s32 $_scs_section_size  }
0x9a: {  	s5 =	simm.s32 $_size__tile_overlayer_lowered;
	s6 =	simm.s32 $_tile_overlayer_lowered  }
0x9b: {  	s22 =	simm.s32 $0x1BFF;
	s21 =	sshll.u32 s6, $0x1;
	s3 =	sadd.s32 s4, s19  }
0x9c: {  	s7 =	simm.s32 $0x0;
	s20 =	sshll.u32 s5, $0x1;
	s5 =	sadd.s32 s21, s3  }
0x9d: {  	[timem:s7], [sflag:s22] =	dma.local [hbm:s5], s20  }
0x9e: {  	_ =	swait.ge [sflag:s22], s20  }
0x9f: {  	s4 =	ssub.s32 $0x0, s20;
	[sflag:s22] =	ssyncset.done $0x0  }
0xa0: {  	[sflag:s22] =	ssyncadd.s32 s4;
	_ =	sdelay $0x1  }
0xa1: {  	s23 =	simm.s32 $0x1B8B  }
0xa2: {  	_ =	swait.ge [sflag:s23], $0x1  }
0xa3: {  	[sflag:s23] =	ssyncset.done $0x0  }
0xa4: {  	s25 =	simm.s32 $0x1B8E;
	s24 =	sld [smem:$0x3FFE];
	[sflag:s23] =	ssyncadd.s32 $0xFFFFFFFF  }
0xa5: {  	s26 =	simm.s32 $execute0_lowered;
	[smem:$0x3FD2] =	sst s25  }
0xa6: {  	s5 =	sshll.u32 s26, $0x1;
	_ =	strace $0x80000046;
	[dreg:$0x1] =	wrdreg $0xFFFFFFFF  }
0xa7: {  	s28 =	simm.s32 $_size_execute0_lowered;
	s3 =	sadd.s32 s3, s5;
	[dreg:$0x0] =	wrdreg $0x0  }
0xa8: {  	s5 =	sshll.u32 s28, $0x1;
	[dreg:$0x2] =	wrdreg s3  }
0xa9: {  	[dreg:$0x3] =	wrdreg s5  }
0xaa: {  	[dreg:$0x4] =	wrdreg $0xC0  }
0xab: {  	_ =	task [dreg:s7], $0x5FFFF  }
0xac: {  	[dreg:$0x1] =	wrdreg $0xFFFFFFFF  }
0xad: {  	[dreg:$0x0] =	wrdreg $0x60  }
0xae: {  	[dreg:$0x2] =	wrdreg s24  }
0xaf: {  	[dreg:$0x3] =	wrdreg s2  }
0xb0: {  	[dreg:$0x4] =	wrdreg $0x9  }
0xb1: {  	_ =	task.clear_ibuf [dreg:s7], $0x5FFFF;
	_ =	strace $0x90000046  }
0xb2: {  	s29 =	simm.s32 $0x9;
	_ =	strace $0x80000048  }
0xb3: {  	_ =	swait.ge [sflag:s29], $0x1  }
0xb4: {  	[sflag:s29] =	ssyncadd.s32 $0xFFFFFFFF  }
0xb5: {  	_ =	strace $0x90000048  }
0xb6: {  	_ =	sfence  }
0xb7: {  	s30 =	sld [smem:$0x0];
	_ =	sdelay $0x2  }
0xb8: {  	s31 =	sshll.u32 s1, $0xD;
	s1 =	sshrl.u32 s1, $0x2  }
0xb9: {  	s3 =	sand.u32 $0x4000, s31;
	s1 =	sadd.s32 s1, s30  }
0xba: {  	s0 =	sor.u32 s3, s0;
	s1 =	sshll.u32 s1, $0x11  }
0xbb: {  	s0 =	sor.u32 s1, s0  }
0xbc: {  	s0 =	sadd.s32 $0x8F2B, s0  }
0xbd: {  	[sflag:s0] =	ssyncadd.remote.s32 $0x1  }
0xbe: {  	_ =	sfence.sel $0xFFFF  }
0xbf: {  	[dreg:$0x0] =	wrdreg $0xFFFFFFFF;
	(pc) =	sbr.abs _section_cstart, $3  }
0xc0: {  	[dreg:$0x1] =	wrdreg $0xFFFFFFFF  }
0xc1: {  	_ =	task.clear_ibuf [dreg:s7], $0x2FFFF;
	_ =	strace $0x9FFFFFFF  }
0xc2: {  	(tm) =	ssettm $0x7FFFFFFF  }
0xc3: {  	_ =	shalt  }
tec
execute0_lowered:
.L_overlay_start_1:
0x0: {  	(tag) =	ssettag $0x1  }
0x1: {  	s3 =	rddreg [dreg:$0x0]  }
0x2: {  	s4 =	rddreg [dreg:$0x1];
	s2 =	simm.s32 $0x0  }
0x3: {  	s16 =	simm.s32 $0x2400;
	[smem:$0x7FF] =	sst s2  }
0x4: {  	s17 =	simm.s32 $0x100;
	_ =	strace $0x80000047;
	[dreg:$0x5] =	wrdreg s16  }
0x5: {  	s18 =	simm.s32 $0x2800;
	[dreg:$0x6] =	wrdreg s17  }
0x6: {  	s19 =	simm.s32 $0x180;
	[dreg:$0x7] =	wrdreg s18  }
0x7: {  	s20 =	simm.s32 $0x2C00;
	[dreg:$0x8] =	wrdreg s19  }
0x8: {  	s21 =	simm.s32 $0x200;
	[dreg:$0x9] =	wrdreg s20  }
0x9: {  	s22 =	simm.s32 $0x3000;
	[dreg:$0xa] =	wrdreg s21  }
0xa: {  	s23 =	simm.s32 $0x280;
	[dreg:$0xb] =	wrdreg s22  }
0xb: {  	s24 =	simm.s32 $0x3400;
	[dreg:$0xc] =	wrdreg s23  }
0xc: {  	s25 =	simm.s32 $0x300;
	[dreg:$0xd] =	wrdreg s24  }
0xd: {  	s0 =	stileid.u32;
	s26 =	simm.s32 $0x3800;
	[dreg:$0xe] =	wrdreg s25  }
0xe: {  	s5 =	sshll.u32 s0, $0xE;
	s0 =	simm.s32 $0x380;
	[dreg:$0xf] =	wrdreg s26  }
0xf: {  	s7 =	simm.s32 $0x4000;
	[dreg:$0x10] =	wrdreg s0  }
0x10: {  	s8 =	simm.s32 $0x480;
	[dreg:$0x13] =	wrdreg s7  }
0x11: {  	s9 =	simm.s32 $0x4400;
	[dreg:$0x14] =	wrdreg s8  }
0x12: {  	s10 =	simm.s32 $0x500;
	[dreg:$0x15] =	wrdreg s9  }
0x13: {  	s11 =	simm.s32 $0x4800;
	[dreg:$0x16] =	wrdreg s10  }
0x14: {  	s12 =	simm.s32 $0x580;
	[dreg:$0x17] =	wrdreg s11  }
0x15: {  	s13 =	simm.s32 $0x4C00;
	[dreg:$0x18] =	wrdreg s12  }
0x16: {  	s14 =	simm.s32 $0x600;
	[dreg:$0x19] =	wrdreg s13  }
0x17: {  	[dreg:$0x1a] =	wrdreg s14;
	s16 =	simm.s32 $0x680  }
0x18: {  	s17 =	simm.s32 $0x5400;
	[dreg:$0x1c] =	wrdreg s16  }
0x19: {  	s18 =	simm.s32 $0x700;
	[dreg:$0x1d] =	wrdreg s17  }
0x1a: {  	s19 =	simm.s32 $0x5800;
	[dreg:$0x1e] =	wrdreg s18  }
0x1b: {  	s20 =	simm.s32 $0x780;
	[dreg:$0x1f] =	wrdreg s19  }
0x1c: {  	s21 =	simm.s32 $0x5C00;
	[smem:$0x7B3] =	sst s20  }
0x1d: {  	s22 =	simm.s32 $0x800;
	[smem:$0x7B4] =	sst s21  }
0x1e: {  	s23 =	simm.s32 $0x6000;
	[smem:$0x7B5] =	sst s22  }
0x1f: {  	s24 =	simm.s32 $0x880;
	[smem:$0x7B6] =	sst s23  }
0x20: {  	s25 =	simm.s32 $0x6400;
	[smem:$0x7B7] =	sst s24  }
0x21: {  	s26 =	simm.s32 $0x900;
	[smem:$0x7B8] =	sst s25  }
0x22: {  	s0 =	simm.s32 $0x6800;
	[smem:$0x7B9] =	sst s26  }
0x23: {  	s7 =	simm.s32 $0xA00;
	[smem:$0x7BA] =	sst s0  }
0x24: {  	s8 =	simm.s32 $0x7000;
	[smem:$0x7BD] =	sst s7  }
0x25: {  	s9 =	simm.s32 $0xA80;
	[smem:$0x7BE] =	sst s8  }
0x26: {  	s10 =	simm.s32 $0x7400;
	[smem:$0x7BF] =	sst s9  }
0x27: {  	s11 =	simm.s32 $0xB00;
	[smem:$0x7C0] =	sst s10  }
0x28: {  	s12 =	simm.s32 $0x7800;
	[smem:$0x7C1] =	sst s11  }
0x29: {  	s13 =	simm.s32 $0xB80;
	[smem:$0x7C2] =	sst s12  }
0x2a: {  	s14 =	simm.s32 $0x7C00;
	[smem:$0x7C3] =	sst s13  }
0x2b: {  	[smem:$0x7C4] =	sst s14;
	s16 =	simm.s32 $0x8000  }
0x2c: {  	s17 =	simm.s32 $0xC80;
	[smem:$0x7C6] =	sst s16  }
0x2d: {  	s18 =	simm.s32 $0x8400;
	[smem:$0x7C7] =	sst s17  }
0x2e: {  	s19 =	simm.s32 $0xD00;
	[smem:$0x7C8] =	sst s18  }
0x2f: {  	s20 =	simm.s32 $0x8800;
	[smem:$0x7C9] =	sst s19  }
0x30: {  	s21 =	simm.s32 $0xD80;
	[smem:$0x7CA] =	sst s20  }
0x31: {  	s22 =	simm.s32 $0x8C00;
	[smem:$0x7CB] =	sst s21  }
0x32: {  	s23 =	simm.s32 $0xE00;
	[smem:$0x7CC] =	sst s22  }
0x33: {  	s24 =	simm.s32 $0x9000;
	[smem:$0x7CD] =	sst s23  }
0x34: {  	s25 =	simm.s32 $0xE80;
	[smem:$0x7CE] =	sst s24  }
0x35: {  	s26 =	simm.s32 $0x9400;
	[smem:$0x7CF] =	sst s25  }
0x36: {  	s0 =	simm.s32 $0xF00;
	[smem:$0x7D0] =	sst s26  }
0x37: {  	s7 =	simm.s32 $0x9C00;
	[smem:$0x7D1] =	sst s0  }
0x38: {  	s8 =	simm.s32 $0x1000;
	[smem:$0x7D4] =	sst s7  }
0x39: {  	s9 =	simm.s32 $0xA000;
	[smem:$0x7D5] =	sst s8  }
0x3a: {  	s10 =	simm.s32 $0x1080;
	[smem:$0x7D6] =	sst s9  }
0x3b: {  	s11 =	simm.s32 $0xA400;
	[smem:$0x7D7] =	sst s10  }
0x3c: {  	s12 =	simm.s32 $0x1100;
	[smem:$0x7D8] =	sst s11  }
0x3d: {  	s13 =	simm.s32 $0xA800;
	[smem:$0x7D9] =	sst s12  }
0x3e: {  	s14 =	simm.s32 $0x1180;
	[smem:$0x7DA] =	sst s13  }
0x3f: {  	[smem:$0x7DB] =	sst s14;
	s16 =	simm.s32 $0x1200  }
0x40: {  	s17 =	simm.s32 $0xB000;
	[smem:$0x7DD] =	sst s16  }
0x41: {  	s18 =	simm.s32 $0x1280;
	[smem:$0x7DE] =	sst s17  }
0x42: {  	s19 =	simm.s32 $0xB400;
	[smem:$0x7DF] =	sst s18  }
0x43: {  	s20 =	simm.s32 $0x1300;
	[smem:$0x7E0] =	sst s19  }
0x44: {  	s21 =	simm.s32 $0xB800;
	[smem:$0x7E1] =	sst s20  }
0x45: {  	s22 =	simm.s32 $0x1380;
	[smem:$0x7E2] =	sst s21  }
0x46: {  	s23 =	simm.s32 $0xBC00;
	[smem:$0x7E3] =	sst s22  }
0x47: {  	s24 =	simm.s32 $0x1400;
	[smem:$0x7E4] =	sst s23  }
0x48: {  	s25 =	simm.s32 $0xC000;
	[smem:$0x7E5] =	sst s24  }
0x49: {  	s26 =	simm.s32 $0x1480;
	[smem:$0x7E6] =	sst s25  }
0x4a: {  	s0 =	simm.s32 $0xC400;
	[smem:$0x7E7] =	sst s26  }
0x4b: {  	s7 =	simm.s32 $0x1580;
	[smem:$0x7E8] =	sst s0  }
0x4c: {  	s8 =	simm.s32 $0xCC00;
	[smem:$0x7EB] =	sst s7  }
0x4d: {  	s1 =	srdreg.scid;
	s9 =	simm.s32 $0x1600;
	[smem:$0x7EC] =	sst s8  }
0x4e: {  	s28 =	simm.s32 $0x1F00;
	s10 =	simm.s32 $0xD000;
	[smem:$0x7ED] =	sst s9  }
0x4f: {  	s1 =	sand.u32 $0x1, s1;
	s11 =	simm.s32 $0x1680;
	[smem:$0x7EE] =	sst s10  }
0x50: {  	s6 =	sshll.u32 s1, $0xD;
	s12 =	simm.s32 $0xD400;
	[smem:$0x7EF] =	sst s11  }
0x51: {  	s5 =	sor.u32 s6, s5;
	s13 =	simm.s32 $0x1700;
	[smem:$0x7F0] =	sst s12  }
0x52: {  	s6 =	sshrl.u32 s5, $0x3;
	s14 =	simm.s32 $0xD800;
	[smem:$0x7F1] =	sst s13  }
0x53: {  	s5 =	sadd.s32 s5, s3;
	s4 =	sadd.s32 s4, s6;
	[smem:$0x7F2] =	sst s14  }
0x54: {  	s29 =	simm.s32 $0x11800;
	s15 =	sadd.s32 $0x4C00, s5;
	[dreg:$0x3] =	wrdreg s4  }
0x55: {  	s30 =	simm.s32 $0x1F80;
	s5 =	simm.s32 $0x3C00;
	[dreg:$0x4] =	wrdreg s15  }
0x56: {  	s31 =	simm.s32 $0x11C00;
	s6 =	simm.s32 $0x400;
	[dreg:$0x11] =	wrdreg s5  }
0x57: {  	s1 =	ssub.s32 $0x2, s1;
	s16 =	simm.s32 $0xDC00;
	[dreg:$0x12] =	wrdreg s6  }
0x58: {  	s3 =	sadd.s32 $0xC00, s3;
	s17 =	simm.s32 $0x1800;
	[smem:$0x7F4] =	sst s16  }
0x59: {  	s18 =	simm.s32 $0xE000;
	s19 =	simm.s32 $0x1880;
	[smem:$0x7F5] =	sst s17  }
0x5a: {  	s20 =	simm.s32 $0xE400;
	s21 =	simm.s32 $0x1900;
	[smem:$0x7F6] =	sst s18  }
0x5b: {  	s22 =	sshrl.u32 s1, $0x1;
	s23 =	simm.s32 $0xE800;
	[smem:$0x7F7] =	sst s19  }
0x5c: {  	s24 =	simm.s32 $0x1980;
	s25 =	simm.s32 $0xEC00;
	[smem:$0x7F8] =	sst s20  }
0x5d: {  	s26 =	simm.s32 $0x1A00;
	s7 =	simm.s32 $0x2000;
	[smem:$0x7F9] =	sst s21  }
0x5e: {  	s11 =	simm.s32 $0x1B00;
	s12 =	simm.s32 $0xF800;
	[smem:$0x7FA] =	sst s23  }
0x5f: {  	s13 =	simm.s32 $0x1B80;
	s14 =	simm.s32 $0xFC00;
	[smem:$0x7FB] =	sst s24  }
0x60: {  	s15 =	simm.s32 $0x5000;
	s5 =	simm.s32 $0x980;
	[smem:$0x7FC] =	sst s25  }
0x61: {  	s6 =	simm.s32 $0x6C00;
	s1 =	ssub.s32 s1, s22;
	[smem:$0x7FD] =	sst s26  }
0x62: {  	s16 =	simm.s32 $0x10000;
	s17 =	simm.s32 $0x1C80;
	s18 =	simm.s32 $0x10400  }
0x63: {  	s19 =	simm.s32 $0x1D00;
	s20 =	simm.s32 $0x10800;
	[dreg:$0x1b] =	wrdreg s15  }
0x64: {  	s21 =	simm.s32 $0x1D80;
	s22 =	simm.s32 $0x10C00;
	[smem:$0x7BB] =	sst s5  }
0x65: {  	s23 =	simm.s32 $0x1E00;
	[smem:$0x7BC] =	sst s6;
	s15 =	simm.s32 $0xC00  }
0x66: {  	s24 =	simm.s32 $0x11000;
	s5 =	simm.s32 $0x9800;
	[smem:$0x7C5] =	sst s15  }
0x67: {  	s25 =	simm.s32 $0x1E80;
	s6 =	simm.s32 $0xF80;
	[smem:$0x7D2] =	sst s5  }
0x68: {  	s26 =	simm.s32 $0x11400;
	[smem:$0x7D3] =	sst s6;
	s15 =	simm.s32 $0xAC00  }
0x69: {  	s4 =	smax.u32 s1, $0x1;
	s5 =	simm.s32 $0x1500;
	[smem:$0x7DC] =	sst s15  }
0x6a: {  	s1 =	simm.s32 $0x1;
	s6 =	simm.s32 $0xC800;
	[smem:$0x7E9] =	sst s5  }
0x6b: {  	[smem:$0x7EA] =	sst s6;
	s15 =	simm.s32 $0x1780;
	s5 =	simm.s32 $0x2  }
0x6c: {  	s6 =	simm.s32 $0x80;
	[smem:$0x7F3] =	sst s15;
	s15 =	simm.s32 $0x1C00  }
.LBB2_1:
0x6d: {  	s0 =	rddreg [dreg:$0x3]  }
0x6e: {  	[tilespmem:s2], [sflag:$0x2] =	stream.linear.gather [hbm4b:s0+s2], $0x2000, $0x38;
	[tilespmem:$0x12000] =	vst v63  }
0x6f: {  	_ =	swait.ge [sflag:s5], $0x2000  }
0x70: {  	s10 =	rddreg [dreg:$0x5]  }
0x71: {  	[sflag:s5] =	ssyncset.done $0x0;
	s0 =	rddreg [dreg:$0x6]  }
0x72: {  	s8 =	rddreg [dreg:$0x7];
	[sflag:s5] =	ssyncadd.s32 $0xFFFFE000  }
0x73: {  	[tilespmem:s7], [sflag:$0x1] =	stream.indirect.gather [hbm4b:s3+s6], $0x8, s2, s6, $0xb8;
	[tilespmem:$0x12000] =	vst v63  }
0x74: {  	s9 =	rddreg [dreg:$0x8]  }
0x75: {  	[tilespmem:s10], [sflag:$0x1] =	stream.indirect.gather [hbm4b:s3+s6], $0x8, s6, s6, $0xb8;
	[tilespmem:$0x12000] =	vst v63  }
0x76: {  	s10 =	rddreg [dreg:$0x9]  }
0x77: {  	[tilespmem:s8], [sflag:$0x1] =	stream.indirect.gather [hbm4b:s3+s6], $0x8, s0, s6, $0xb8;
	[tilespmem:$0x12000] =	vst v63  }
0x78: {  	s0 =	rddreg [dreg:$0xa]  }
0x79: {  	s8 =	rddreg [dreg:$0xb]  }
0x7a: {  	[tilespmem:s10], [sflag:$0x1] =	stream.indirect.gather [hbm4b:s3+s6], $0x8, s9, s6, $0xb8;
	[tilespmem:$0x12000] =	vst v63  }
0x7b: {  	s9 =	rddreg [dreg:$0xc]  }
0x7c: {  	s10 =	rddreg [dreg:$0xd]  }
0x7d: {  	[tilespmem:s8], [sflag:$0x1] =	stream.indirect.gather [hbm4b:s3+s6], $0x8, s0, s6, $0xb8;
	[tilespmem:$0x12000] =	vst v63  }
0x7e: {  	s0 =	rddreg [dreg:$0xe]  }
0x7f: {  	s8 =	rddreg [dreg:$0xf]  }
0x80: {  	[tilespmem:s10], [sflag:$0x1] =	stream.indirect.gather [hbm4b:s3+s6], $0x8, s9, s6, $0xb8;
	[tilespmem:$0x12000] =	vst v63  }
0x81: {  	s9 =	rddreg [dreg:$0x10]  }
0x82: {  	s10 =	rddreg [dreg:$0x11]  }
0x83: {  	[tilespmem:s8], [sflag:$0x1] =	stream.indirect.gather [hbm4b:s3+s6], $0x8, s0, s6, $0xb8;
	[tilespmem:$0x12000] =	vst v63  }
0x84: {  	s0 =	rddreg [dreg:$0x12]  }
0x85: {  	s8 =	rddreg [dreg:$0x13]  }
0x86: {  	[tilespmem:s10], [sflag:$0x1] =	stream.indirect.gather [hbm4b:s3+s6], $0x8, s9, s6, $0xb8;
	[tilespmem:$0x12000] =	vst v63  }
0x87: {  	s9 =	rddreg [dreg:$0x14]  }
0x88: {  	s10 =	rddreg [dreg:$0x15]  }
0x89: {  	[tilespmem:s8], [sflag:$0x1] =	stream.indirect.gather [hbm4b:s3+s6], $0x8, s0, s6, $0xb8;
	[tilespmem:$0x12000] =	vst v63  }
0x8a: {  	s0 =	rddreg [dreg:$0x16]  }
0x8b: {  	s8 =	rddreg [dreg:$0x17]  }
0x8c: {  	[tilespmem:s10], [sflag:$0x1] =	stream.indirect.gather [hbm4b:s3+s6], $0x8, s9, s6, $0xb8;
	[tilespmem:$0x12000] =	vst v63  }
0x8d: {  	s9 =	rddreg [dreg:$0x18]  }
0x8e: {  	s10 =	rddreg [dreg:$0x19]  }
0x8f: {  	[tilespmem:s8], [sflag:$0x1] =	stream.indirect.gather [hbm4b:s3+s6], $0x8, s0, s6, $0xb8;
	[tilespmem:$0x12000] =	vst v63  }
0x90: {  	s0 =	rddreg [dreg:$0x1a]  }
0x91: {  	s8 =	rddreg [dreg:$0x1b]  }
0x92: {  	[tilespmem:s10], [sflag:$0x1] =	stream.indirect.gather [hbm4b:s3+s6], $0x8, s9, s6, $0xb8;
	[tilespmem:$0x12000] =	vst v63  }
0x93: {  	s9 =	rddreg [dreg:$0x1c]  }
0x94: {  	s10 =	rddreg [dreg:$0x1d]  }
0x95: {  	[tilespmem:s8], [sflag:$0x1] =	stream.indirect.gather [hbm4b:s3+s6], $0x8, s0, s6, $0xb8;
	[tilespmem:$0x12000] =	vst v63  }
0x96: {  	s0 =	rddreg [dreg:$0x1e]  }
0x97: {  	s8 =	rddreg [dreg:$0x1f]  }
0x98: {  	[tilespmem:s10], [sflag:$0x1] =	stream.indirect.gather [hbm4b:s3+s6], $0x8, s9, s6, $0xb8;
	[tilespmem:$0x12000] =	vst v63  }
0x99: {  	s9 =	sld [smem:$0x7B3]  }
0x9a: {  	s10 =	sld [smem:$0x7B4]  }
0x9b: {  	[tilespmem:s8], [sflag:$0x1] =	stream.indirect.gather [hbm4b:s3+s6], $0x8, s0, s6, $0xb8;
	[tilespmem:$0x12000] =	vst v63  }
0x9c: {  	s0 =	sld [smem:$0x7B5]  }
0x9d: {  	s8 =	sld [smem:$0x7B6]  }
0x9e: {  	[tilespmem:s10], [sflag:$0x1] =	stream.indirect.gather [hbm4b:s3+s6], $0x8, s9, s6, $0xb8;
	[tilespmem:$0x12000] =	vst v63  }
0x9f: {  	s9 =	sld [smem:$0x7B7]  }
0xa0: {  	s10 =	sld [smem:$0x7B8]  }
0xa1: {  	[tilespmem:s8], [sflag:$0x1] =	stream.indirect.gather [hbm4b:s3+s6], $0x8, s0, s6, $0xb8;
	[tilespmem:$0x12000] =	vst v63  }
0xa2: {  	s0 =	sld [smem:$0x7B9]  }
0xa3: {  	s8 =	sld [smem:$0x7BA]  }
0xa4: {  	[tilespmem:s10], [sflag:$0x1] =	stream.indirect.gather [hbm4b:s3+s6], $0x8, s9, s6, $0xb8;
	[tilespmem:$0x12000] =	vst v63  }
0xa5: {  	s9 =	sld [smem:$0x7BB]  }
0xa6: {  	s10 =	sld [smem:$0x7BC]  }
0xa7: {  	[tilespmem:s8], [sflag:$0x1] =	stream.indirect.gather [hbm4b:s3+s6], $0x8, s0, s6, $0xb8;
	[tilespmem:$0x12000] =	vst v63  }
0xa8: {  	s0 =	sld [smem:$0x7BD]  }
0xa9: {  	s8 =	sld [smem:$0x7BE]  }
0xaa: {  	[tilespmem:s10], [sflag:$0x1] =	stream.indirect.gather [hbm4b:s3+s6], $0x8, s9, s6, $0xb8;
	[tilespmem:$0x12000] =	vst v63  }
0xab: {  	s9 =	sld [smem:$0x7BF]  }
0xac: {  	s10 =	sld [smem:$0x7C0]  }
0xad: {  	[tilespmem:s8], [sflag:$0x1] =	stream.indirect.gather [hbm4b:s3+s6], $0x8, s0, s6, $0xb8;
	[tilespmem:$0x12000] =	vst v63  }
0xae: {  	s0 =	sld [smem:$0x7C1]  }
0xaf: {  	s8 =	sld [smem:$0x7C2]  }
0xb0: {  	[tilespmem:s10], [sflag:$0x1] =	stream.indirect.gather [hbm4b:s3+s6], $0x8, s9, s6, $0xb8;
	[tilespmem:$0x12000] =	vst v63  }
0xb1: {  	s9 =	sld [smem:$0x7C3]  }
0xb2: {  	s10 =	sld [smem:$0x7C4]  }
0xb3: {  	[tilespmem:s8], [sflag:$0x1] =	stream.indirect.gather [hbm4b:s3+s6], $0x8, s0, s6, $0xb8;
	[tilespmem:$0x12000] =	vst v63  }
0xb4: {  	s0 =	sld [smem:$0x7C5]  }
0xb5: {  	s8 =	sld [smem:$0x7C6]  }
0xb6: {  	[tilespmem:s10], [sflag:$0x1] =	stream.indirect.gather [hbm4b:s3+s6], $0x8, s9, s6, $0xb8;
	[tilespmem:$0x12000] =	vst v63  }
0xb7: {  	s9 =	sld [smem:$0x7C7]  }
0xb8: {  	s10 =	sld [smem:$0x7C8]  }
0xb9: {  	[tilespmem:s8], [sflag:$0x1] =	stream.indirect.gather [hbm4b:s3+s6], $0x8, s0, s6, $0xb8;
	[tilespmem:$0x12000] =	vst v63  }
0xba: {  	s0 =	sld [smem:$0x7C9]  }
0xbb: {  	s8 =	sld [smem:$0x7CA]  }
0xbc: {  	[tilespmem:s10], [sflag:$0x1] =	stream.indirect.gather [hbm4b:s3+s6], $0x8, s9, s6, $0xb8;
	[tilespmem:$0x12000] =	vst v63  }
0xbd: {  	s9 =	sld [smem:$0x7CB]  }
0xbe: {  	s10 =	sld [smem:$0x7CC]  }
0xbf: {  	[tilespmem:s8], [sflag:$0x1] =	stream.indirect.gather [hbm4b:s3+s6], $0x8, s0, s6, $0xb8;
	[tilespmem:$0x12000] =	vst v63  }
0xc0: {  	s0 =	sld [smem:$0x7CD]  }
0xc1: {  	s8 =	sld [smem:$0x7CE]  }
0xc2: {  	[tilespmem:s10], [sflag:$0x1] =	stream.indirect.gather [hbm4b:s3+s6], $0x8, s9, s6, $0xb8;
	[tilespmem:$0x12000] =	vst v63  }
0xc3: {  	s9 =	sld [smem:$0x7CF]  }
0xc4: {  	s10 =	sld [smem:$0x7D0]  }
0xc5: {  	[tilespmem:s8], [sflag:$0x1] =	stream.indirect.gather [hbm4b:s3+s6], $0x8, s0, s6, $0xb8;
	[tilespmem:$0x12000] =	vst v63  }
0xc6: {  	s0 =	sld [smem:$0x7D1]  }
0xc7: {  	s8 =	sld [smem:$0x7D2]  }
0xc8: {  	[tilespmem:s10], [sflag:$0x1] =	stream.indirect.gather [hbm4b:s3+s6], $0x8, s9, s6, $0xb8;
	[tilespmem:$0x12000] =	vst v63  }
0xc9: {  	s9 =	sld [smem:$0x7D3]  }
0xca: {  	s10 =	sld [smem:$0x7D4]  }
0xcb: {  	[tilespmem:s8], [sflag:$0x1] =	stream.indirect.gather [hbm4b:s3+s6], $0x8, s0, s6, $0xb8;
	[tilespmem:$0x12000] =	vst v63  }
0xcc: {  	s0 =	sld [smem:$0x7D5]  }
0xcd: {  	s8 =	sld [smem:$0x7D6]  }
0xce: {  	[tilespmem:s10], [sflag:$0x1] =	stream.indirect.gather [hbm4b:s3+s6], $0x8, s9, s6, $0xb8;
	[tilespmem:$0x12000] =	vst v63  }
0xcf: {  	s9 =	sld [smem:$0x7D7]  }
0xd0: {  	s10 =	sld [smem:$0x7D8]  }
0xd1: {  	[tilespmem:s8], [sflag:$0x1] =	stream.indirect.gather [hbm4b:s3+s6], $0x8, s0, s6, $0xb8;
	[tilespmem:$0x12000] =	vst v63  }
0xd2: {  	s0 =	sld [smem:$0x7D9]  }
0xd3: {  	s8 =	sld [smem:$0x7DA]  }
0xd4: {  	[tilespmem:s10], [sflag:$0x1] =	stream.indirect.gather [hbm4b:s3+s6], $0x8, s9, s6, $0xb8;
	[tilespmem:$0x12000] =	vst v63  }
0xd5: {  	s9 =	sld [smem:$0x7DB]  }
0xd6: {  	s10 =	sld [smem:$0x7DC]  }
0xd7: {  	[tilespmem:s8], [sflag:$0x1] =	stream.indirect.gather [hbm4b:s3+s6], $0x8, s0, s6, $0xb8;
	[tilespmem:$0x12000] =	vst v63  }
0xd8: {  	s0 =	sld [smem:$0x7DD]  }
0xd9: {  	s8 =	sld [smem:$0x7DE]  }
0xda: {  	[tilespmem:s10], [sflag:$0x1] =	stream.indirect.gather [hbm4b:s3+s6], $0x8, s9, s6, $0xb8;
	[tilespmem:$0x12000] =	vst v63  }
0xdb: {  	s9 =	sld [smem:$0x7DF]  }
0xdc: {  	s10 =	sld [smem:$0x7E0]  }
0xdd: {  	[tilespmem:s8], [sflag:$0x1] =	stream.indirect.gather [hbm4b:s3+s6], $0x8, s0, s6, $0xb8;
	[tilespmem:$0x12000] =	vst v63  }
0xde: {  	s0 =	sld [smem:$0x7E1]  }
0xdf: {  	s8 =	sld [smem:$0x7E2]  }
0xe0: {  	[tilespmem:s10], [sflag:$0x1] =	stream.indirect.gather [hbm4b:s3+s6], $0x8, s9, s6, $0xb8;
	[tilespmem:$0x12000] =	vst v63  }
0xe1: {  	s9 =	sld [smem:$0x7E3]  }
0xe2: {  	s10 =	sld [smem:$0x7E4]  }
0xe3: {  	[tilespmem:s8], [sflag:$0x1] =	stream.indirect.gather [hbm4b:s3+s6], $0x8, s0, s6, $0xb8;
	[tilespmem:$0x12000] =	vst v63  }
0xe4: {  	s0 =	sld [smem:$0x7E5]  }
0xe5: {  	s8 =	sld [smem:$0x7E6]  }
0xe6: {  	[tilespmem:s10], [sflag:$0x1] =	stream.indirect.gather [hbm4b:s3+s6], $0x8, s9, s6, $0xb8;
	[tilespmem:$0x12000] =	vst v63  }
0xe7: {  	s9 =	sld [smem:$0x7E7]  }
0xe8: {  	s10 =	sld [smem:$0x7E8]  }
0xe9: {  	[tilespmem:s8], [sflag:$0x1] =	stream.indirect.gather [hbm4b:s3+s6], $0x8, s0, s6, $0xb8;
	[tilespmem:$0x12000] =	vst v63  }
0xea: {  	s0 =	sld [smem:$0x7E9]  }
0xeb: {  	s8 =	sld [smem:$0x7EA]  }
0xec: {  	[tilespmem:s10], [sflag:$0x1] =	stream.indirect.gather [hbm4b:s3+s6], $0x8, s9, s6, $0xb8;
	[tilespmem:$0x12000] =	vst v63  }
0xed: {  	s9 =	sld [smem:$0x7EB]  }
0xee: {  	s10 =	sld [smem:$0x7EC]  }
0xef: {  	[tilespmem:s8], [sflag:$0x1] =	stream.indirect.gather [hbm4b:s3+s6], $0x8, s0, s6, $0xb8;
	[tilespmem:$0x12000] =	vst v63  }
0xf0: {  	s0 =	sld [smem:$0x7ED]  }
0xf1: {  	s8 =	sld [smem:$0x7EE]  }
0xf2: {  	[tilespmem:s10], [sflag:$0x1] =	stream.indirect.gather [hbm4b:s3+s6], $0x8, s9, s6, $0xb8;
	[tilespmem:$0x12000] =	vst v63  }
0xf3: {  	s9 =	sld [smem:$0x7EF]  }
0xf4: {  	s10 =	sld [smem:$0x7F0]  }
0xf5: {  	[tilespmem:s8], [sflag:$0x1] =	stream.indirect.gather [hbm4b:s3+s6], $0x8, s0, s6, $0xb8;
	[tilespmem:$0x12000] =	vst v63  }
0xf6: {  	s0 =	sld [smem:$0x7F1]  }
0xf7: {  	s8 =	sld [smem:$0x7F2]  }
0xf8: {  	[tilespmem:s10], [sflag:$0x1] =	stream.indirect.gather [hbm4b:s3+s6], $0x8, s9, s6, $0xb8;
	[tilespmem:$0x12000] =	vst v63  }
0xf9: {  	s9 =	sld [smem:$0x7F3]  }
0xfa: {  	s10 =	sld [smem:$0x7F4]  }
0xfb: {  	[tilespmem:s8], [sflag:$0x1] =	stream.indirect.gather [hbm4b:s3+s6], $0x8, s0, s6, $0xb8;
	[tilespmem:$0x12000] =	vst v63  }
0xfc: {  	s0 =	sld [smem:$0x7F5]  }
0xfd: {  	s8 =	sld [smem:$0x7F6]  }
0xfe: {  	[tilespmem:s10], [sflag:$0x1] =	stream.indirect.gather [hbm4b:s3+s6], $0x8, s9, s6, $0xb8;
	[tilespmem:$0x12000] =	vst v63  }
0xff: {  	s9 =	sld [smem:$0x7F7]  }
0x100: {  	s10 =	sld [smem:$0x7F8]  }
0x101: {  	[tilespmem:s8], [sflag:$0x1] =	stream.indirect.gather [hbm4b:s3+s6], $0x8, s0, s6, $0xb8;
	[tilespmem:$0x12000] =	vst v63  }
0x102: {  	s0 =	sld [smem:$0x7F9]  }
0x103: {  	s8 =	sld [smem:$0x7FA]  }
0x104: {  	[tilespmem:s10], [sflag:$0x1] =	stream.indirect.gather [hbm4b:s3+s6], $0x8, s9, s6, $0xb8;
	[tilespmem:$0x12000] =	vst v63  }
0x105: {  	s9 =	sld [smem:$0x7FB]  }
0x106: {  	s10 =	sld [smem:$0x7FC]  }
0x107: {  	[tilespmem:s8], [sflag:$0x1] =	stream.indirect.gather [hbm4b:s3+s6], $0x8, s0, s6, $0xb8;
	[tilespmem:$0x12000] =	vst v63  }
0x108: {  	s8 =	sld [smem:$0x7FD]  }
0x109: {  	[tilespmem:s10], [sflag:$0x1] =	stream.indirect.gather [hbm4b:s3+s6], $0x8, s9, s6, $0xb8;
	[tilespmem:$0x12000] =	vst v63  }
0x10a: {  	s10 =	simm.s32 $0xF000  }
0x10b: {  	[tilespmem:s10], [sflag:$0x1] =	stream.indirect.gather [hbm4b:s3+s6], $0x8, s8, s6, $0xb8;
	[tilespmem:$0x12000] =	vst v63  }
0x10c: {  	s9 =	simm.s32 $0xF400;
	s8 =	simm.s32 $0x1A80  }
0x10d: {  	[tilespmem:s9], [sflag:$0x1] =	stream.indirect.gather [hbm4b:s3+s6], $0x8, s8, s6, $0xb8;
	[tilespmem:$0x12000] =	vst v63  }
0x10e: {  	_ = 	snop  }
0x10f: {  	[tilespmem:s12], [sflag:$0x1] =	stream.indirect.gather [hbm4b:s3+s6], $0x8, s11, s6, $0xb8;
	[tilespmem:$0x12000] =	vst v63  }
0x110: {  	_ = 	snop  }
0x111: {  	[tilespmem:s14], [sflag:$0x1] =	stream.indirect.gather [hbm4b:s3+s6], $0x8, s13, s6, $0xb8;
	[tilespmem:$0x12000] =	vst v63  }
0x112: {  	_ = 	snop  }
0x113: {  	[tilespmem:s16], [sflag:$0x1] =	stream.indirect.gather [hbm4b:s3+s6], $0x8, s15, s6, $0xb8;
	[tilespmem:$0x12000] =	vst v63  }
0x114: {  	_ = 	snop  }
0x115: {  	[tilespmem:s18], [sflag:$0x1] =	stream.indirect.gather [hbm4b:s3+s6], $0x8, s17, s6, $0xb8;
	[tilespmem:$0x12000] =	vst v63  }
0x116: {  	_ = 	snop  }
0x117: {  	[tilespmem:s20], [sflag:$0x1] =	stream.indirect.gather [hbm4b:s3+s6], $0x8, s19, s6, $0xb8;
	[tilespmem:$0x12000] =	vst v63  }
0x118: {  	_ = 	snop  }
0x119: {  	[tilespmem:s22], [sflag:$0x1] =	stream.indirect.gather [hbm4b:s3+s6], $0x8, s21, s6, $0xb8;
	[tilespmem:$0x12000] =	vst v63  }
0x11a: {  	_ = 	snop  }
0x11b: {  	[tilespmem:s24], [sflag:$0x1] =	stream.indirect.gather [hbm4b:s3+s6], $0x8, s23, s6, $0xb8;
	[tilespmem:$0x12000] =	vst v63  }
0x11c: {  	_ = 	snop  }
0x11d: {  	[tilespmem:s26], [sflag:$0x1] =	stream.indirect.gather [hbm4b:s3+s6], $0x8, s25, s6, $0xb8;
	[tilespmem:$0x12000] =	vst v63  }
0x11e: {  	_ = 	snop  }
0x11f: {  	[tilespmem:s29], [sflag:$0x1] =	stream.indirect.gather [hbm4b:s3+s6], $0x8, s28, s6, $0xb8;
	[tilespmem:$0x12000] =	vst v63  }
0x120: {  	_ = 	snop  }
0x121: {  	[tilespmem:s31], [sflag:$0x1] =	stream.indirect.gather [hbm4b:s3+s6], $0x8, s30, s6, $0xb8;
	[tilespmem:$0x12000] =	vst v63  }
0x122: {  	_ =	swait.ge [sflag:s1], $0x400  }
0x123: {  	[sflag:s1] =	ssyncset.done $0x0  }
0x124: {  	[sflag:s1] =	ssyncadd.s32 $0xFFFFFC00  }
0x125: {  	_ =	swait.ge [sflag:s1], $0x400  }
0x126: {  	[sflag:s1] =	ssyncset.done $0x0  }
0x127: {  	[sflag:s1] =	ssyncadd.s32 $0xFFFFFC00  }
0x128: {  	_ =	swait.ge [sflag:s1], $0x400  }
0x129: {  	[sflag:s1] =	ssyncset.done $0x0  }
0x12a: {  	[sflag:s1] =	ssyncadd.s32 $0xFFFFFC00  }
0x12b: {  	_ =	swait.ge [sflag:s1], $0x400  }
0x12c: {  	[sflag:s1] =	ssyncset.done $0x0  }
0x12d: {  	[sflag:s1] =	ssyncadd.s32 $0xFFFFFC00  }
0x12e: {  	_ =	swait.ge [sflag:s1], $0x400  }
0x12f: {  	[sflag:s1] =	ssyncset.done $0x0  }
0x130: {  	[sflag:s1] =	ssyncadd.s32 $0xFFFFFC00  }
0x131: {  	_ =	swait.ge [sflag:s1], $0x400  }
0x132: {  	[sflag:s1] =	ssyncset.done $0x0  }
0x133: {  	[sflag:s1] =	ssyncadd.s32 $0xFFFFFC00  }
0x134: {  	_ =	swait.ge [sflag:s1], $0x400  }
0x135: {  	[sflag:s1] =	ssyncset.done $0x0  }
0x136: {  	[sflag:s1] =	ssyncadd.s32 $0xFFFFFC00  }
0x137: {  	_ =	swait.ge [sflag:s1], $0x400  }
0x138: {  	[sflag:s1] =	ssyncset.done $0x0  }
0x139: {  	[sflag:s1] =	ssyncadd.s32 $0xFFFFFC00  }
0x13a: {  	_ =	swait.ge [sflag:s1], $0x400  }
0x13b: {  	[sflag:s1] =	ssyncset.done $0x0  }
0x13c: {  	[sflag:s1] =	ssyncadd.s32 $0xFFFFFC00  }
0x13d: {  	_ =	swait.ge [sflag:s1], $0x400  }
0x13e: {  	[sflag:s1] =	ssyncset.done $0x0  }
0x13f: {  	[sflag:s1] =	ssyncadd.s32 $0xFFFFFC00  }
0x140: {  	_ =	swait.ge [sflag:s1], $0x400  }
0x141: {  	[sflag:s1] =	ssyncset.done $0x0  }
0x142: {  	[sflag:s1] =	ssyncadd.s32 $0xFFFFFC00  }
0x143: {  	_ =	swait.ge [sflag:s1], $0x400  }
0x144: {  	[sflag:s1] =	ssyncset.done $0x0  }
0x145: {  	[sflag:s1] =	ssyncadd.s32 $0xFFFFFC00  }
0x146: {  	_ =	swait.ge [sflag:s1], $0x400  }
0x147: {  	[sflag:s1] =	ssyncset.done $0x0  }
0x148: {  	[sflag:s1] =	ssyncadd.s32 $0xFFFFFC00  }
0x149: {  	_ =	swait.ge [sflag:s1], $0x400  }
0x14a: {  	[sflag:s1] =	ssyncset.done $0x0  }
0x14b: {  	[sflag:s1] =	ssyncadd.s32 $0xFFFFFC00  }
0x14c: {  	_ =	swait.ge [sflag:s1], $0x400  }
0x14d: {  	[sflag:s1] =	ssyncset.done $0x0  }
0x14e: {  	[sflag:s1] =	ssyncadd.s32 $0xFFFFFC00  }
0x14f: {  	_ =	swait.ge [sflag:s1], $0x400  }
0x150: {  	[sflag:s1] =	ssyncset.done $0x0  }
0x151: {  	[sflag:s1] =	ssyncadd.s32 $0xFFFFFC00  }
0x152: {  	_ =	swait.ge [sflag:s1], $0x400  }
0x153: {  	[sflag:s1] =	ssyncset.done $0x0  }
0x154: {  	[sflag:s1] =	ssyncadd.s32 $0xFFFFFC00  }
0x155: {  	_ =	swait.ge [sflag:s1], $0x400  }
0x156: {  	[sflag:s1] =	ssyncset.done $0x0  }
0x157: {  	[sflag:s1] =	ssyncadd.s32 $0xFFFFFC00  }
0x158: {  	_ =	swait.ge [sflag:s1], $0x400  }
0x159: {  	[sflag:s1] =	ssyncset.done $0x0  }
0x15a: {  	[sflag:s1] =	ssyncadd.s32 $0xFFFFFC00  }
0x15b: {  	_ =	swait.ge [sflag:s1], $0x400  }
0x15c: {  	[sflag:s1] =	ssyncset.done $0x0  }
0x15d: {  	[sflag:s1] =	ssyncadd.s32 $0xFFFFFC00  }
0x15e: {  	_ =	swait.ge [sflag:s1], $0x400  }
0x15f: {  	[sflag:s1] =	ssyncset.done $0x0  }
0x160: {  	[sflag:s1] =	ssyncadd.s32 $0xFFFFFC00  }
0x161: {  	_ =	swait.ge [sflag:s1], $0x400  }
0x162: {  	[sflag:s1] =	ssyncset.done $0x0  }
0x163: {  	[sflag:s1] =	ssyncadd.s32 $0xFFFFFC00  }
0x164: {  	_ =	swait.ge [sflag:s1], $0x400  }
0x165: {  	[sflag:s1] =	ssyncset.done $0x0  }
0x166: {  	[sflag:s1] =	ssyncadd.s32 $0xFFFFFC00  }
0x167: {  	_ =	swait.ge [sflag:s1], $0x400  }
0x168: {  	[sflag:s1] =	ssyncset.done $0x0  }
0x169: {  	[sflag:s1] =	ssyncadd.s32 $0xFFFFFC00  }
0x16a: {  	_ =	swait.ge [sflag:s1], $0x400  }
0x16b: {  	[sflag:s1] =	ssyncset.done $0x0  }
0x16c: {  	[sflag:s1] =	ssyncadd.s32 $0xFFFFFC00  }
0x16d: {  	_ =	swait.ge [sflag:s1], $0x400  }
0x16e: {  	[sflag:s1] =	ssyncset.done $0x0  }
0x16f: {  	[sflag:s1] =	ssyncadd.s32 $0xFFFFFC00  }
0x170: {  	_ =	swait.ge [sflag:s1], $0x400  }
0x171: {  	[sflag:s1] =	ssyncset.done $0x0  }
0x172: {  	[sflag:s1] =	ssyncadd.s32 $0xFFFFFC00  }
0x173: {  	_ =	swait.ge [sflag:s1], $0x400  }
0x174: {  	[sflag:s1] =	ssyncset.done $0x0  }
0x175: {  	[sflag:s1] =	ssyncadd.s32 $0xFFFFFC00  }
0x176: {  	_ =	swait.ge [sflag:s1], $0x400  }
0x177: {  	[sflag:s1] =	ssyncset.done $0x0  }
0x178: {  	[sflag:s1] =	ssyncadd.s32 $0xFFFFFC00  }
0x179: {  	_ =	swait.ge [sflag:s1], $0x400  }
0x17a: {  	[sflag:s1] =	ssyncset.done $0x0  }
0x17b: {  	[sflag:s1] =	ssyncadd.s32 $0xFFFFFC00  }
0x17c: {  	_ =	swait.ge [sflag:s1], $0x400  }
0x17d: {  	[sflag:s1] =	ssyncset.done $0x0  }
0x17e: {  	[sflag:s1] =	ssyncadd.s32 $0xFFFFFC00  }
0x17f: {  	_ =	swait.ge [sflag:s1], $0x400  }
0x180: {  	[sflag:s1] =	ssyncset.done $0x0  }
0x181: {  	[sflag:s1] =	ssyncadd.s32 $0xFFFFFC00  }
0x182: {  	_ =	swait.ge [sflag:s1], $0x400  }
0x183: {  	[sflag:s1] =	ssyncset.done $0x0  }
0x184: {  	[sflag:s1] =	ssyncadd.s32 $0xFFFFFC00  }
0x185: {  	_ =	swait.ge [sflag:s1], $0x400  }
0x186: {  	[sflag:s1] =	ssyncset.done $0x0  }
0x187: {  	[sflag:s1] =	ssyncadd.s32 $0xFFFFFC00  }
0x188: {  	_ =	swait.ge [sflag:s1], $0x400  }
0x189: {  	[sflag:s1] =	ssyncset.done $0x0  }
0x18a: {  	[sflag:s1] =	ssyncadd.s32 $0xFFFFFC00  }
0x18b: {  	_ =	swait.ge [sflag:s1], $0x400  }
0x18c: {  	[sflag:s1] =	ssyncset.done $0x0  }
0x18d: {  	[sflag:s1] =	ssyncadd.s32 $0xFFFFFC00  }
0x18e: {  	_ =	swait.ge [sflag:s1], $0x400  }
0x18f: {  	[sflag:s1] =	ssyncset.done $0x0  }
0x190: {  	[sflag:s1] =	ssyncadd.s32 $0xFFFFFC00  }
0x191: {  	_ =	swait.ge [sflag:s1], $0x400  }
0x192: {  	[sflag:s1] =	ssyncset.done $0x0  }
0x193: {  	[sflag:s1] =	ssyncadd.s32 $0xFFFFFC00  }
0x194: {  	_ =	swait.ge [sflag:s1], $0x400  }
0x195: {  	[sflag:s1] =	ssyncset.done $0x0  }
0x196: {  	[sflag:s1] =	ssyncadd.s32 $0xFFFFFC00  }
0x197: {  	_ =	swait.ge [sflag:s1], $0x400  }
0x198: {  	[sflag:s1] =	ssyncset.done $0x0  }
0x199: {  	[sflag:s1] =	ssyncadd.s32 $0xFFFFFC00  }
0x19a: {  	_ =	swait.ge [sflag:s1], $0x400  }
0x19b: {  	[sflag:s1] =	ssyncset.done $0x0  }
0x19c: {  	[sflag:s1] =	ssyncadd.s32 $0xFFFFFC00  }
0x19d: {  	_ =	swait.ge [sflag:s1], $0x400  }
0x19e: {  	[sflag:s1] =	ssyncset.done $0x0  }
0x19f: {  	[sflag:s1] =	ssyncadd.s32 $0xFFFFFC00  }
0x1a0: {  	_ =	swait.ge [sflag:s1], $0x400  }
0x1a1: {  	[sflag:s1] =	ssyncset.done $0x0  }
0x1a2: {  	[sflag:s1] =	ssyncadd.s32 $0xFFFFFC00  }
0x1a3: {  	_ =	swait.ge [sflag:s1], $0x400  }
0x1a4: {  	[sflag:s1] =	ssyncset.done $0x0  }
0x1a5: {  	[sflag:s1] =	ssyncadd.s32 $0xFFFFFC00  }
0x1a6: {  	_ =	swait.ge [sflag:s1], $0x400  }
0x1a7: {  	[sflag:s1] =	ssyncset.done $0x0  }
0x1a8: {  	[sflag:s1] =	ssyncadd.s32 $0xFFFFFC00  }
0x1a9: {  	_ =	swait.ge [sflag:s1], $0x400  }
0x1aa: {  	[sflag:s1] =	ssyncset.done $0x0  }
0x1ab: {  	[sflag:s1] =	ssyncadd.s32 $0xFFFFFC00  }
0x1ac: {  	_ =	swait.ge [sflag:s1], $0x400  }
0x1ad: {  	[sflag:s1] =	ssyncset.done $0x0  }
0x1ae: {  	[sflag:s1] =	ssyncadd.s32 $0xFFFFFC00  }
0x1af: {  	_ =	swait.ge [sflag:s1], $0x400  }
0x1b0: {  	[sflag:s1] =	ssyncset.done $0x0  }
0x1b1: {  	[sflag:s1] =	ssyncadd.s32 $0xFFFFFC00  }
0x1b2: {  	_ =	swait.ge [sflag:s1], $0x400  }
0x1b3: {  	[sflag:s1] =	ssyncset.done $0x0  }
0x1b4: {  	[sflag:s1] =	ssyncadd.s32 $0xFFFFFC00  }
0x1b5: {  	_ =	swait.ge [sflag:s1], $0x400  }
0x1b6: {  	[sflag:s1] =	ssyncset.done $0x0  }
0x1b7: {  	[sflag:s1] =	ssyncadd.s32 $0xFFFFFC00  }
0x1b8: {  	_ =	swait.ge [sflag:s1], $0x400  }
0x1b9: {  	[sflag:s1] =	ssyncset.done $0x0  }
0x1ba: {  	[sflag:s1] =	ssyncadd.s32 $0xFFFFFC00  }
0x1bb: {  	_ =	swait.ge [sflag:s1], $0x400  }
0x1bc: {  	[sflag:s1] =	ssyncset.done $0x0  }
0x1bd: {  	[sflag:s1] =	ssyncadd.s32 $0xFFFFFC00  }
0x1be: {  	_ =	swait.ge [sflag:s1], $0x400  }
0x1bf: {  	[sflag:s1] =	ssyncset.done $0x0  }
0x1c0: {  	[sflag:s1] =	ssyncadd.s32 $0xFFFFFC00  }
0x1c1: {  	_ =	swait.ge [sflag:s1], $0x400  }
0x1c2: {  	[sflag:s1] =	ssyncset.done $0x0  }
0x1c3: {  	[sflag:s1] =	ssyncadd.s32 $0xFFFFFC00  }
0x1c4: {  	_ =	swait.ge [sflag:s1], $0x400  }
0x1c5: {  	[sflag:s1] =	ssyncset.done $0x0  }
0x1c6: {  	[sflag:s1] =	ssyncadd.s32 $0xFFFFFC00  }
0x1c7: {  	_ =	swait.ge [sflag:s1], $0x400  }
0x1c8: {  	[sflag:s1] =	ssyncset.done $0x0  }
0x1c9: {  	[sflag:s1] =	ssyncadd.s32 $0xFFFFFC00  }
0x1ca: {  	_ =	swait.ge [sflag:s1], $0x400  }
0x1cb: {  	[sflag:s1] =	ssyncset.done $0x0  }
0x1cc: {  	[sflag:s1] =	ssyncadd.s32 $0xFFFFFC00  }
0x1cd: {  	_ =	swait.ge [sflag:s1], $0x400  }
0x1ce: {  	[sflag:s1] =	ssyncset.done $0x0  }
0x1cf: {  	[sflag:s1] =	ssyncadd.s32 $0xFFFFFC00  }
0x1d0: {  	_ =	swait.ge [sflag:s1], $0x400  }
0x1d1: {  	[sflag:s1] =	ssyncset.done $0x0  }
0x1d2: {  	[sflag:s1] =	ssyncadd.s32 $0xFFFFFC00  }
0x1d3: {  	_ =	swait.ge [sflag:s1], $0x400  }
0x1d4: {  	[sflag:s1] =	ssyncset.done $0x0  }
0x1d5: {  	[sflag:s1] =	ssyncadd.s32 $0xFFFFFC00  }
0x1d6: {  	_ =	swait.ge [sflag:s1], $0x400  }
0x1d7: {  	[sflag:s1] =	ssyncset.done $0x0  }
0x1d8: {  	[sflag:s1] =	ssyncadd.s32 $0xFFFFFC00  }
0x1d9: {  	_ =	swait.ge [sflag:s1], $0x400  }
0x1da: {  	[sflag:s1] =	ssyncset.done $0x0  }
0x1db: {  	[sflag:s1] =	ssyncadd.s32 $0xFFFFFC00  }
0x1dc: {  	_ =	swait.ge [sflag:s1], $0x400  }
0x1dd: {  	[sflag:s1] =	ssyncset.done $0x0  }
0x1de: {  	[sflag:s1] =	ssyncadd.s32 $0xFFFFFC00  }
0x1df: {  	_ =	swait.ge [sflag:s1], $0x400  }
0x1e0: {  	p0 =	sne.s32 s4, $0x1;
	[sflag:s1] =	ssyncset.done $0x0  }
.Ltmp0:
0x1e1: {  	s10 =	rddreg [dreg:$0x4];
	[sflag:s1] =	ssyncadd.s32 $0xFFFFFC00;
	(pc) =	sbr.rel @p0 .LBB2_1-.Ltmp0, $4  }
0x1e2: {  	[hbm4b:s10+s2] =	stream.linear.scatter [tilespmem:s7], [sflag:$0x2], $0x10000, $0x38;
	[tilespmem:$0x12000] =	vst v63  }
0x1e3: {  	_ =	swait.ge [sflag:s5], $0x10000  }
0x1e4: {  	[sflag:s5] =	ssyncset.done $0x0  }
0x1e5: {  	s4 =	sadd.s32 $0xFFFFFFFF, s4;
	[sflag:s5] =	ssyncadd.s32 $0xFFFF0000  }
0x1e6: {  	_ =	sfence.sel $0x180000  }
0x1e7: {  	[bflag:$0x0] =	sbarrier.arrive $0xFFFF  }
0x1e8: {  	_ =	strace $0x90000047  }
0x1e9: {  	s0 =	stileid.u32;
	[bflag:$0x2] =	sbarrier.arrive $0xFFFF  }
0x1ea: {  	p0 =	sne.s32 s0, $0x0;
	s0 =	rddreg [dreg:$0x2]  }
0x1eb: {  	s0 =	sadd.s32 @!p0 $0x100000, s0  }
0x1ec: {  	[sflag:s0] =	ssyncadd.tile.s32 @!p0 $0x1;
	_ =	shalt  }
.Lfunc_end2:
_tile_overlayer_lowered:
.L_overlay_start_2:
0x1ed: {  	(tag) =	ssettag $0x2  }
0x1ee: {  	s0 =	rddreg [dreg:$0x0];
	s2 =	stileid.u32  }
0x1ef: {  	s1 =	rddreg [dreg:$0x1];
	p0 =	sne.s32 s2, $0x0  }
0x1f0: {  	s3 =	rddreg [dreg:$0x2];
	[bflag:$0x3] =	sbarrier.arrive $0xFFFF;
	s2 =	simm.s32 @!p0 $0x1C02  }
0x1f1: {  	[timem:s3], [sflag:s2] =	dma.local @!p0 [hbm:s0], s1  }
0x1f2: {  	s0 =	simm.s32 @!p0 $0x2  }
0x1f3: {  	_ =	swait.ge @!p0 [sflag:s0], s1  }
0x1f4: {  	s1 =	ssub.s32 @!p0 $0x0, s1;
	[sflag:s0] =	ssyncset.done @!p0 $0x0  }
0x1f5: {  	[sflag:s0] =	ssyncadd.s32 @!p0 s1  }
0x1f6: {  	[bflag:$0x3] =	sbarrier.arrive $0xFFFF  }
0x1f7: {  	_ =	shalt  }

</sc_bundles>
